<compile_context>
chip_gen: v7x
topology: tpu7x:2x2x1
jax: 0.10.2.dev20260603
libtpu: 0.0.44.dev20260713+nightly
codegen_flags: <defaults>
</compile_context>

<pallas_src>
import functools

import jax
import jax.numpy as jnp
from jax import lax
from jax.experimental import pallas as pl
from jax.experimental.pallas import tpu as pltpu
from jax.experimental.pallas import tpu_sc as plsc

N = 10000
E = 160000
D_IN = 256
D_H = 256
D_Z = 64

NC = 2
NS = 16
NP = 10240
RT = NP // NS
NPT = NP // NS

K = 80
NCH = (E // NS) // K
ED = E // (NC * NS)
K3 = 100
NCH3 = ED // K3

_MESH = dict(mesh=plsc.VectorSubcoreMesh(core_axis_name="c", subcore_axis_name="s"))



def _deg_body(dd_hbm, out_hbm, ebuf, hist, cbuf, obuf, hshared):
    c = lax.axis_index("c")
    s = lax.axis_index("s")
    w = c * NS + s

    zeros = jnp.zeros((16,), jnp.float32)

    def zbody(j, carry):
        hist[pl.ds(j * 16, 16)] = zeros
        return carry

    lax.fori_loop(0, NP // 16, zbody, 0)

    pltpu.sync_copy(dd_hbm.at[pl.ds(w * ED, ED)], ebuf)
    ones = jnp.ones((16,), jnp.float32)

    def hbody(i, carry):
        idx = ebuf[pl.ds(i * 16, 16)]
        plsc.addupdate_scatter(hist, [idx], ones)
        return carry

    full = ED // 16
    lax.fori_loop(0, full, hbody, 0)
    idx = ebuf[pl.ds(ED - 16, 16)]
    rem = lax.iota(jnp.int32, 16) >= (16 - (ED - full * 16))
    plsc.addupdate_scatter(hist, [idx], ones, mask=rem)

    pltpu.sync_copy(hist, hshared.at[pl.ds(s * NP, NP)])
    plsc.subcore_barrier()
    for p in range(NS):
        pltpu.sync_copy(hshared.at[pl.ds(p * NP + s * RT, RT)],
                        cbuf.at[pl.ds(p * RT, RT)])

    def rbody(j, carry):
        v = cbuf[pl.ds(j * 16, 16)]
        for p in range(1, NS):
            v = v + cbuf[pl.ds(p * RT + j * 16, 16)]
        obuf[pl.ds(j * 16, 16)] = v
        return carry

    lax.fori_loop(0, RT // 16, rbody, 0)
    pltpu.sync_copy(obuf, out_hbm.at[pl.ds(w * RT, RT)])


@functools.partial(
    pl.kernel,
    out_type=jax.ShapeDtypeStruct((NC * NS * RT,), jnp.float32),
    scratch_types=[
        pltpu.VMEM((ED,), jnp.int32),
        pltpu.VMEM((NP,), jnp.float32),
        pltpu.VMEM((NS * RT,), jnp.float32),
        pltpu.VMEM((RT,), jnp.float32),
        pltpu.VMEM_SHARED((NS * NP,), jnp.float32),
    ],
    compiler_params=pltpu.CompilerParams(needs_layout_passes=False),
    **_MESH,
)
def _sc_degree(dd_hbm, out_hbm, ebuf, hist, cbuf, obuf, hshared):
    _deg_body(dd_hbm, out_hbm, ebuf, hist, cbuf, obuf, hshared)


def _pass_body(nch, t_hbm, so_hbm, d_hbm, out_hbm, idxs, idxd, rows, acc):
    c = lax.axis_index("c")
    s = lax.axis_index("s")

    pltpu.sync_copy(t_hbm.at[pl.ds(c * NP + s * NPT, NPT)],
                    acc.at[pl.ds(s * NPT, NPT)])
    pltpu.sync_copy(so_hbm.at[c, s], idxs)
    pltpu.sync_copy(d_hbm.at[c, s], idxd)
    plsc.subcore_barrier()

    def body(g, carry):
        pltpu.sync_copy(t_hbm.at[idxs.at[g, 0]], rows)
        pltpu.sync_copy(rows, acc.at[idxd.at[g, 0]], add=True)
        return carry

    lax.fori_loop(0, nch, body, 0)
    plsc.subcore_barrier()
    pltpu.sync_copy(acc.at[pl.ds(s * NPT, NPT)],
                    out_hbm.at[c, pl.ds(s * NPT, NPT)])


def _make_sc_pass(dh, nch, k):
    @functools.partial(
        pl.kernel,
        out_type=jax.ShapeDtypeStruct((NC, NP, dh), jnp.float32),
        scratch_types=[
            pltpu.VMEM((nch, 1, k), jnp.int32),
            pltpu.VMEM((nch, 1, k), jnp.int32),
            pltpu.VMEM((k, dh), jnp.float32),
            pltpu.VMEM_SHARED((NP, dh), jnp.float32),
        ],
        **_MESH,
    )
    def _sc_pass(t_hbm, so_hbm, d_hbm, out_hbm, idxs, idxd, rows, acc):
        _pass_body(nch, t_hbm, so_hbm, d_hbm, out_hbm, idxs, idxd, rows, acc)

    return _sc_pass


_sc_pass_cols = _make_sc_pass(D_H // 2, NCH, K)
_sc_pass_edges = _make_sc_pass(2 * D_Z, NCH3, K3)



R = 2000
GRID = N // R

_SPEC_DEG = pl.BlockSpec((R, 2), lambda i: (i, 0))


def _dis(deg_ref):
    d = deg_ref[...]
    return lax.rsqrt(d[:, 0:1] + d[:, 1:2] + 1.0)


def _tc1_body(x_ref, deg_ref, w_ref, out_ref):
    dis = _dis(deg_ref)
    y = dis * jnp.dot(x_ref[...], w_ref[...],
                      preferred_element_type=jnp.float32,
                      precision=lax.Precision.HIGHEST)
    out_ref[0, :, :] = y[:, :D_H // 2]
    out_ref[1, :, :] = y[:, D_H // 2:]


def _tc1(x, degT, W1):
    return pl.pallas_call(
        _tc1_body,
        grid=(GRID,),
        in_specs=[
            pl.BlockSpec((R, D_IN), lambda i: (i, 0)),
            _SPEC_DEG,
            pl.BlockSpec((D_IN, D_H), lambda i: (0, 0)),
        ],
        out_specs=pl.BlockSpec((2, R, D_H // 2), lambda i: (0, i, 0)),
        out_shape=jax.ShapeDtypeStruct((2, NP, D_H // 2), jnp.float32),
    )(x, degT, W1)


def _tc2_body(s_ref, deg_ref, b_ref, w_ref, out_ref):
    dis = _dis(deg_ref)
    scat = jnp.concatenate([s_ref[0], s_ref[1]], axis=1)
    h = jax.nn.relu(dis * scat + b_ref[...])
    y = dis * jnp.dot(h, w_ref[...],
                      preferred_element_type=jnp.float32,
                      precision=lax.Precision.HIGHEST)
    out_ref[0, :, :] = y[:, :D_H // 2]
    out_ref[1, :, :] = y[:, D_H // 2:]


def _tc2(S1, degT, b1, W2):
    return pl.pallas_call(
        _tc2_body,
        grid=(GRID,),
        in_specs=[
            pl.BlockSpec((2, R, D_H // 2), lambda i: (0, i, 0)),
            _SPEC_DEG,
            pl.BlockSpec((1, D_H), lambda i: (0, 0)),
            pl.BlockSpec((D_H, D_H), lambda i: (0, 0)),
        ],
        out_specs=pl.BlockSpec((2, R, D_H // 2), lambda i: (0, i, 0)),
        out_shape=jax.ShapeDtypeStruct((2, NP, D_H // 2), jnp.float32),
    )(S1, degT, b1, W2)


def _tc3_body(s_ref, deg_ref, b_ref, wmu_ref, wlv_ref, out_ref):
    dis = _dis(deg_ref)
    scat = jnp.concatenate([s_ref[0], s_ref[1]], axis=1)
    h = jax.nn.relu(dis * scat + b_ref[...])
    ymu = dis * jnp.dot(h, wmu_ref[...],
                        preferred_element_type=jnp.float32,
                        precision=lax.Precision.HIGHEST)
    ylv = dis * jnp.dot(h, wlv_ref[...],
                        preferred_element_type=jnp.float32,
                        precision=lax.Precision.HIGHEST)
    out_ref[0, :, :] = jnp.concatenate([ymu, ylv], axis=1)
    out_ref[1, :, :] = jnp.zeros((R, 2 * D_Z), jnp.float32)


def _tc3(S2, degT, b2, Wmu, Wlv):
    return pl.pallas_call(
        _tc3_body,
        grid=(GRID,),
        in_specs=[
            pl.BlockSpec((2, R, D_H // 2), lambda i: (0, i, 0)),
            _SPEC_DEG,
            pl.BlockSpec((1, D_H), lambda i: (0, 0)),
            pl.BlockSpec((D_H, D_Z), lambda i: (0, 0)),
            pl.BlockSpec((D_H, D_Z), lambda i: (0, 0)),
        ],
        out_specs=pl.BlockSpec((2, R, 2 * D_Z), lambda i: (0, i, 0)),
        out_shape=jax.ShapeDtypeStruct((2, NP, 2 * D_Z), jnp.float32),
    )(S2, degT, b2, Wmu, Wlv)


def _tc4_body(s_ref, deg_ref, bmu_ref, blv_ref, mu_ref, lv_ref):
    dis = _dis(deg_ref)
    p = s_ref[0] + s_ref[1]
    mu_ref[...] = dis * p[:, :D_Z] + bmu_ref[...]
    lv_ref[...] = dis * p[:, D_Z:] + blv_ref[...]


def _tc4(S3, degT, bmu, blv):
    return pl.pallas_call(
        _tc4_body,
        grid=(GRID,),
        in_specs=[
            pl.BlockSpec((2, R, 2 * D_Z), lambda i: (0, i, 0)),
            _SPEC_DEG,
            pl.BlockSpec((1, D_Z), lambda i: (0, 0)),
            pl.BlockSpec((1, D_Z), lambda i: (0, 0)),
        ],
        out_specs=[
            pl.BlockSpec((R, D_Z), lambda i: (i, 0)),
            pl.BlockSpec((R, D_Z), lambda i: (i, 0)),
        ],
        out_shape=[
            jax.ShapeDtypeStruct((N, D_Z), jnp.float32),
            jax.ShapeDtypeStruct((N, D_Z), jnp.float32),
        ],
    )(S3, degT, bmu, blv)



def kernel(x, edge_index, W1, b1, W2, b2, Wmu, bmu, Wlv, blv):
    edge_index = edge_index.astype(jnp.int32)
    src = edge_index[0]
    dst = edge_index[1]

    src_off = jnp.stack([src, src + NP]).reshape(NC, NS, NCH, 1, K)
    dst_b = jnp.broadcast_to(dst, (NC, E)).reshape(NC, NS, NCH, 1, K)
    src3 = src.reshape(NC, NS, NCH3, 1, K3)
    dst3 = dst.reshape(NC, NS, NCH3, 1, K3)

    deg = _sc_degree(dst)
    degT = deg.reshape(NC, NP).T

    b1r = b1.reshape(1, D_H)
    b2r = b2.reshape(1, D_H)
    bmur = bmu.reshape(1, D_Z)
    blvr = blv.reshape(1, D_Z)

    T1 = _tc1(x, degT, W1)
    S1 = _sc_pass_cols(T1.reshape(NC * NP, D_H // 2), src_off, dst_b)
    T2 = _tc2(S1, degT, b1r, W2)
    S2 = _sc_pass_cols(T2.reshape(NC * NP, D_H // 2), src_off, dst_b)
    T3 = _tc3(S2, degT, b2r, Wmu, Wlv)
    S3 = _sc_pass_edges(T3.reshape(NC * NP, 2 * D_Z), src3, dst3)
    mu, lv = _tc4(S3, degT, bmur, blvr)
    return (mu, lv)

# --- scband reference (transcript-rebuilt; emitter-appended) ---
"""Pipeline reference for scband-encoder-32487132627155 (READ-ONLY COPY).

The authoritative reference and input builder live on the scoring server;
editing this copy changes nothing except your own understanding.
"""

import jax, jax.numpy as jnp
import numpy as np

N = 10000
E = 160000
D_IN = 256
D_H = 256
D_Z = 64


def _glorot(key, fan_in, fan_out):
    limit = np.sqrt(6.0 / (fan_in + fan_out))
    return jax.random.uniform(key, (fan_in, fan_out), dtype=jnp.float32, minval=-limit, maxval=limit)


def setup_inputs(seed: int = 0) -> dict:
    key = jax.random.key(seed)
    ks = jax.random.split(key, 10)
    x = jax.random.normal(ks[0], (N, D_IN), dtype=jnp.float32)
    edge_index = jax.random.randint(ks[1], (2, E), 0, N)
    return {
        "x": x,
        "edge_index": edge_index,
        "W1": _glorot(ks[2], D_IN, D_H),
        "b1": jnp.zeros((D_H,), dtype=jnp.float32),
        "W2": _glorot(ks[3], D_H, D_H),
        "b2": jnp.zeros((D_H,), dtype=jnp.float32),
        "Wmu": _glorot(ks[4], D_H, D_Z),
        "bmu": jnp.zeros((D_Z,), dtype=jnp.float32),
        "Wlv": _glorot(ks[5], D_H, D_Z),
        "blv": jnp.zeros((D_Z,), dtype=jnp.float32),
    }


def gcn_conv(x, edge_index, W, b):
    # PyG GCNConv with add_self_loops=True, normalize=True, bias=True
    n = x.shape[0]
    loop = jnp.arange(n, dtype=edge_index.dtype)
    src = jnp.concatenate([edge_index[0], loop])
    dst = jnp.concatenate([edge_index[1], loop])
    deg = jnp.zeros((n,), dtype=x.dtype).at[dst].add(1.0)
    dis = jnp.where(deg > 0, jax.lax.rsqrt(jnp.maximum(deg, 1e-12)), 0.0)
    norm = dis[src] * dis[dst]
    h = x @ W
    msg = h[src] * norm[:, None]
    out = jnp.zeros((n, W.shape[1]), dtype=x.dtype).at[dst].add(msg)
    return out + b


def reference(x, edge_index, W1, b1, W2, b2, Wmu, bmu, Wlv, blv):
    # conv1 = MultiInputSequential(GCNConv(in,h), ReLU, GCNConv(h,h)) with n_blocks=1
    h = gcn_conv(x, edge_index, W1, b1)
    h = jax.nn.relu(h)
    h = gcn_conv(h, edge_index, W2, b2)
    # forward: x = F.relu(self.conv1(x, edge_index))
    h = jax.nn.relu(h)
    mu = gcn_conv(h, edge_index, Wmu, bmu)
    logvar = gcn_conv(h, edge_index, Wlv, blv)
    return (mu, logvar)

if __name__ == "__main__":
    import jax
    _d = setup_inputs()
    print(jax.jit(kernel)(*tuple(_d.values())))

</pallas_src>

<mosaic_0001>
#map = affine_map<(d0, d1) -> (0)>
module attributes {stable_mosaic.version = 14 : i64} {
  func.func @_sc_degree(%arg0: i32, %arg1: i32, %arg2: memref<160000xi32, #tpu.memory_space<hbm>>, %arg3: memref<20480xf32, #tpu.memory_space<hbm>>, %arg4: memref<5000xi32, #tpu.memory_space<vmem>>, %arg5: memref<10240xf32, #tpu.memory_space<vmem>>, %arg6: memref<10240xf32, #tpu.memory_space<vmem>>, %arg7: memref<640xf32, #tpu.memory_space<vmem>>, %arg8: memref<163840xf32, #tpu.memory_space<vmem_shared>>) attributes {dimension_semantics = [#tpu.dimension_semantics<core_parallel>, #tpu.dimension_semantics<subcore_parallel>], iteration_bounds = array<i64: 2, 16>, scalar_prefetch = 0 : i64, scratch_operands = 5 : i64, tpu.core_type = #tpu.core_type<sc_vector_subcore>, window_params = [{transform_indices = #map}, {transform_indices = #map}]} {
    %mul3A = arith.constant 16 : i32
    %mul3A_0 = arith.muli %arg0, %mul3A : i32
    %add3A = arith.addi %mul3A_0, %arg1 : i32
    %broadcast_in_dim3A = arith.constant 0.000000e+00 : f32
    %broadcast_in_dim3A_1 = vector.broadcast %broadcast_in_dim3A : f32 to vector<16xf32>
    %scan3A = arith.constant 0 : i32
    %scan3A_2 = arith.constant 0 : i32
    %scan3A_3 = arith.constant 640 : i32
    %scan3A_4 = arith.addi %scan3A_2, %scan3A_3 : i32
    %scan3A_5 = arith.constant 1 : i32
    scf.for %scan3A_94 = %scan3A_2 to %scan3A_4 step %scan3A_5  : i32 {
      %mul3A_95 = arith.constant 16 : i32
      %mul3A_96 = arith.muli %scan3A_94, %mul3A_95 : i32
      %swap3A = arith.index_cast %mul3A_96 : i32 to index
      %swap3A_97 = tpu.vector_load %arg5[%swap3A] {strides = array<i32>} : memref<10240xf32, #tpu.memory_space<vmem>>, vector<16xf32>,
      tpu.vector_store %arg5[%swap3A], %broadcast_in_dim3A_1 {strides = array<i32>} : memref<10240xf32, #tpu.memory_space<vmem>>, vector<16xf32>,
    }
    %scan3A_6 = arith.constant 640 : i32
    %mul3A_7 = arith.constant 5000 : i32
    %mul3A_8 = arith.muli %add3A, %mul3A_7 : i32
    "tpu.region"() ({
      %run_scoped3A = tpu.sem_alloc : memref<!tpu.dma_semaphore, #tpu.memory_space<semaphore_mem>>
      %dma_start3A = tpu.memref_slice %arg2[%mul3A_8] : memref<160000xi32, #tpu.memory_space<hbm>> -> memref<5000xi32, #tpu.memory_space<hbm>>
      %dma_start3A_94 = tpu.memref_slice %arg2[%mul3A_8] : memref<160000xi32, #tpu.memory_space<hbm>> -> memref<5000xi32, #tpu.memory_space<hbm>>
      tpu.enqueue_dma source(%dma_start3A_94 : memref<5000xi32, #tpu.memory_space<hbm>>) target(%arg4 : memref<5000xi32, #tpu.memory_space<vmem>>) target_semaphore(%run_scoped3A : memref<!tpu.dma_semaphore, #tpu.memory_space<semaphore_mem>>)
      %dma_wait3A = tpu.memref_slice %arg2[%mul3A_8] : memref<160000xi32, #tpu.memory_space<hbm>> -> memref<5000xi32, #tpu.memory_space<hbm>>
      %dma_wait3A_95 = tpu.memref_slice %arg2[%mul3A_8] : memref<160000xi32, #tpu.memory_space<hbm>> -> memref<5000xi32, #tpu.memory_space<hbm>>
      tpu.wait_dma2 semaphore(%run_scoped3A : memref<!tpu.dma_semaphore, #tpu.memory_space<semaphore_mem>>) src(%dma_wait3A_95 : memref<5000xi32, #tpu.memory_space<hbm>>) dst(%arg4 : memref<5000xi32, #tpu.memory_space<vmem>>)
      tpu.yield
    }) : () -> ()
    %broadcast_in_dim3A_9 = arith.constant 1.000000e+00 : f32
    %broadcast_in_dim3A_10 = vector.broadcast %broadcast_in_dim3A_9 : f32 to vector<16xf32>
    %scan3A_11 = arith.constant 0 : i32
    %scan3A_12 = arith.constant 0 : i32
    %scan3A_13 = arith.constant 312 : i32
    %scan3A_14 = arith.addi %scan3A_12, %scan3A_13 : i32
    %scan3A_15 = arith.constant 1 : i32
    scf.for %scan3A_94 = %scan3A_12 to %scan3A_14 step %scan3A_15  : i32 {
      %mul3A_95 = arith.constant 16 : i32
      %mul3A_96 = arith.muli %scan3A_94, %mul3A_95 : i32
      %get3A_97 = arith.index_cast %mul3A_96 : i32 to index
      %get3A_98 = tpu.vector_load %arg4[%get3A_97] {strides = array<i32>} : memref<5000xi32, #tpu.memory_space<vmem>>, vector<16xi32>,
      tpu.vector_store_idx %arg5[%get3A_98], %broadcast_in_dim3A_10 {add = true} : memref<10240xf32, #tpu.memory_space<vmem>>[vector<16xi32>], vector<16xf32>,
    }
    %scan3A_16 = arith.constant 312 : i32
    %get3A = arith.constant 4984 : index
    %get3A_17 = tpu.vector_load %arg4[%get3A] {strides = array<i32>} : memref<5000xi32, #tpu.memory_space<vmem>>, vector<16xi32>,
    %iota3A = tpu.iota {dimensions = array<i32: 0>} : vector<16xi32>
    %ge3A = arith.constant 8 : i32
    %ge3A_18 = vector.broadcast %ge3A : i32 to vector<16xi32>
    %ge3A_19 = arith.cmpi sge, %iota3A, %ge3A_18 : vector<16xi32>
    tpu.vector_store_idx %arg5[%get3A_17], %broadcast_in_dim3A_10 masked %ge3A_19 {add = true} : memref<10240xf32, #tpu.memory_space<vmem>>[vector<16xi32>], vector<16xf32>, vector<16xi1>
    %mul3A_20 = arith.constant 10240 : i32
    %mul3A_21 = arith.muli %arg1, %mul3A_20 : i32
    "tpu.region"() ({
      %run_scoped3A = tpu.sem_alloc : memref<!tpu.dma_semaphore, #tpu.memory_space<semaphore_mem>>
      %dma_start3A = tpu.memref_slice %arg8[%mul3A_21] : memref<163840xf32, #tpu.memory_space<vmem_shared>> -> memref<10240xf32, #tpu.memory_space<vmem_shared>>
      %dma_start3A_94 = tpu.memref_slice %arg8[%mul3A_21] : memref<163840xf32, #tpu.memory_space<vmem_shared>> -> memref<10240xf32, #tpu.memory_space<vmem_shared>>
      tpu.enqueue_dma source(%arg5 : memref<10240xf32, #tpu.memory_space<vmem>>) target(%dma_start3A_94 : memref<10240xf32, #tpu.memory_space<vmem_shared>>) target_semaphore(%run_scoped3A : memref<!tpu.dma_semaphore, #tpu.memory_space<semaphore_mem>>)
      %dma_wait3A = tpu.memref_slice %arg8[%mul3A_21] : memref<163840xf32, #tpu.memory_space<vmem_shared>> -> memref<10240xf32, #tpu.memory_space<vmem_shared>>
      %dma_wait3A_95 = tpu.memref_slice %arg8[%mul3A_21] : memref<163840xf32, #tpu.memory_space<vmem_shared>> -> memref<10240xf32, #tpu.memory_space<vmem_shared>>
      tpu.wait_dma2 semaphore(%run_scoped3A : memref<!tpu.dma_semaphore, #tpu.memory_space<semaphore_mem>>) src(%arg5 : memref<10240xf32, #tpu.memory_space<vmem>>) dst(%dma_wait3A_95 : memref<10240xf32, #tpu.memory_space<vmem_shared>>)
      tpu.yield
    }) : () -> ()
    %barrier3A = arith.constant 0 : index
    tpu.barrier barrier_id(%barrier3A)
    %mul3A_22 = arith.constant 640 : i32
    %mul3A_23 = arith.muli %arg1, %mul3A_22 : i32
    %add3A_24 = arith.constant 0 : i32
    %add3A_25 = arith.addi %add3A_24, %mul3A_23 : i32
    "tpu.region"() ({
      %run_scoped3A = tpu.sem_alloc : memref<!tpu.dma_semaphore, #tpu.memory_space<semaphore_mem>>
      %dma_start3A = arith.constant 0 : i32
      %dma_start3A_94 = tpu.memref_slice %arg6[%dma_start3A] : memref<10240xf32, #tpu.memory_space<vmem>> -> memref<640xf32, #tpu.memory_space<vmem>>
      %dma_start3A_95 = tpu.memref_slice %arg8[%add3A_25] : memref<163840xf32, #tpu.memory_space<vmem_shared>> -> memref<640xf32, #tpu.memory_space<vmem_shared>>
      %dma_start3A_96 = arith.constant 0 : i32
      %dma_start3A_97 = tpu.memref_slice %arg6[%dma_start3A_96] : memref<10240xf32, #tpu.memory_space<vmem>> -> memref<640xf32, #tpu.memory_space<vmem>>
      %dma_start3A_98 = tpu.memref_slice %arg8[%add3A_25] : memref<163840xf32, #tpu.memory_space<vmem_shared>> -> memref<640xf32, #tpu.memory_space<vmem_shared>>
      tpu.enqueue_dma source(%dma_start3A_98 : memref<640xf32, #tpu.memory_space<vmem_shared>>) target(%dma_start3A_97 : memref<640xf32, #tpu.memory_space<vmem>>) target_semaphore(%run_scoped3A : memref<!tpu.dma_semaphore, #tpu.memory_space<semaphore_mem>>)
      %dma_wait3A = arith.constant 0 : i32
      %dma_wait3A_99 = tpu.memref_slice %arg6[%dma_wait3A] : memref<10240xf32, #tpu.memory_space<vmem>> -> memref<640xf32, #tpu.memory_space<vmem>>
      %dma_wait3A_100 = tpu.memref_slice %arg8[%add3A_25] : memref<163840xf32, #tpu.memory_space<vmem_shared>> -> memref<640xf32, #tpu.memory_space<vmem_shared>>
      %dma_wait3A_101 = arith.constant 0 : i32
      %dma_wait3A_102 = tpu.memref_slice %arg6[%dma_wait3A_101] : memref<10240xf32, #tpu.memory_space<vmem>> -> memref<640xf32, #tpu.memory_space<vmem>>
      %dma_wait3A_103 = tpu.memref_slice %arg8[%add3A_25] : memref<163840xf32, #tpu.memory_space<vmem_shared>> -> memref<640xf32, #tpu.memory_space<vmem_shared>>
      tpu.wait_dma2 semaphore(%run_scoped3A : memref<!tpu.dma_semaphore, #tpu.memory_space<semaphore_mem>>) src(%dma_wait3A_103 : memref<640xf32, #tpu.memory_space<vmem_shared>>) dst(%dma_wait3A_102 : memref<640xf32, #tpu.memory_space<vmem>>)
      tpu.yield
    }) : () -> ()
    %mul3A_26 = arith.constant 640 : i32
    %mul3A_27 = arith.muli %arg1, %mul3A_26 : i32
    %add3A_28 = arith.constant 10240 : i32
    %add3A_29 = arith.addi %add3A_28, %mul3A_27 : i32
    "tpu.region"() ({
      %run_scoped3A = tpu.sem_alloc : memref<!tpu.dma_semaphore, #tpu.memory_space<semaphore_mem>>
      %dma_start3A = arith.constant 640 : i32
      %dma_start3A_94 = tpu.memref_slice %arg6[%dma_start3A] : memref<10240xf32, #tpu.memory_space<vmem>> -> memref<640xf32, #tpu.memory_space<vmem>>
      %dma_start3A_95 = tpu.memref_slice %arg8[%add3A_29] : memref<163840xf32, #tpu.memory_space<vmem_shared>> -> memref<640xf32, #tpu.memory_space<vmem_shared>>
      %dma_start3A_96 = arith.constant 640 : i32
      %dma_start3A_97 = tpu.memref_slice %arg6[%dma_start3A_96] : memref<10240xf32, #tpu.memory_space<vmem>> -> memref<640xf32, #tpu.memory_space<vmem>>
      %dma_start3A_98 = tpu.memref_slice %arg8[%add3A_29] : memref<163840xf32, #tpu.memory_space<vmem_shared>> -> memref<640xf32, #tpu.memory_space<vmem_shared>>
      tpu.enqueue_dma source(%dma_start3A_98 : memref<640xf32, #tpu.memory_space<vmem_shared>>) target(%dma_start3A_97 : memref<640xf32, #tpu.memory_space<vmem>>) target_semaphore(%run_scoped3A : memref<!tpu.dma_semaphore, #tpu.memory_space<semaphore_mem>>)
      %dma_wait3A = arith.constant 640 : i32
      %dma_wait3A_99 = tpu.memref_slice %arg6[%dma_wait3A] : memref<10240xf32, #tpu.memory_space<vmem>> -> memref<640xf32, #tpu.memory_space<vmem>>
      %dma_wait3A_100 = tpu.memref_slice %arg8[%add3A_29] : memref<163840xf32, #tpu.memory_space<vmem_shared>> -> memref<640xf32, #tpu.memory_space<vmem_shared>>
      %dma_wait3A_101 = arith.constant 640 : i32
      %dma_wait3A_102 = tpu.memref_slice %arg6[%dma_wait3A_101] : memref<10240xf32, #tpu.memory_space<vmem>> -> memref<640xf32, #tpu.memory_space<vmem>>
      %dma_wait3A_103 = tpu.memref_slice %arg8[%add3A_29] : memref<163840xf32, #tpu.memory_space<vmem_shared>> -> memref<640xf32, #tpu.memory_space<vmem_shared>>
      tpu.wait_dma2 semaphore(%run_scoped3A : memref<!tpu.dma_semaphore, #tpu.memory_space<semaphore_mem>>) src(%dma_wait3A_103 : memref<640xf32, #tpu.memory_space<vmem_shared>>) dst(%dma_wait3A_102 : memref<640xf32, #tpu.memory_space<vmem>>)
      tpu.yield
    }) : () -> ()
    %mul3A_30 = arith.constant 640 : i32
    %mul3A_31 = arith.muli %arg1, %mul3A_30 : i32
    %add3A_32 = arith.constant 20480 : i32
    %add3A_33 = arith.addi %add3A_32, %mul3A_31 : i32
    "tpu.region"() ({
      %run_scoped3A = tpu.sem_alloc : memref<!tpu.dma_semaphore, #tpu.memory_space<semaphore_mem>>
      %dma_start3A = arith.constant 1280 : i32
      %dma_start3A_94 = tpu.memref_slice %arg6[%dma_start3A] : memref<10240xf32, #tpu.memory_space<vmem>> -> memref<640xf32, #tpu.memory_space<vmem>>
      %dma_start3A_95 = tpu.memref_slice %arg8[%add3A_33] : memref<163840xf32, #tpu.memory_space<vmem_shared>> -> memref<640xf32, #tpu.memory_space<vmem_shared>>
      %dma_start3A_96 = arith.constant 1280 : i32
      %dma_start3A_97 = tpu.memref_slice %arg6[%dma_start3A_96] : memref<10240xf32, #tpu.memory_space<vmem>> -> memref<640xf32, #tpu.memory_space<vmem>>
      %dma_start3A_98 = tpu.memref_slice %arg8[%add3A_33] : memref<163840xf32, #tpu.memory_space<vmem_shared>> -> memref<640xf32, #tpu.memory_space<vmem_shared>>
      tpu.enqueue_dma source(%dma_start3A_98 : memref<640xf32, #tpu.memory_space<vmem_shared>>) target(%dma_start3A_97 : memref<640xf32, #tpu.memory_space<vmem>>) target_semaphore(%run_scoped3A : memref<!tpu.dma_semaphore, #tpu.memory_space<semaphore_mem>>)
      %dma_wait3A = arith.constant 1280 : i32
      %dma_wait3A_99 = tpu.memref_slice %arg6[%dma_wait3A] : memref<10240xf32, #tpu.memory_space<vmem>> -> memref<640xf32, #tpu.memory_space<vmem>>
      %dma_wait3A_100 = tpu.memref_slice %arg8[%add3A_33] : memref<163840xf32, #tpu.memory_space<vmem_shared>> -> memref<640xf32, #tpu.memory_space<vmem_shared>>
      %dma_wait3A_101 = arith.constant 1280 : i32
      %dma_wait3A_102 = tpu.memref_slice %arg6[%dma_wait3A_101] : memref<10240xf32, #tpu.memory_space<vmem>> -> memref<640xf32, #tpu.memory_space<vmem>>
      %dma_wait3A_103 = tpu.memref_slice %arg8[%add3A_33] : memref<163840xf32, #tpu.memory_space<vmem_shared>> -> memref<640xf32, #tpu.memory_space<vmem_shared>>
      tpu.wait_dma2 semaphore(%run_scoped3A : memref<!tpu.dma_semaphore, #tpu.memory_space<semaphore_mem>>) src(%dma_wait3A_103 : memref<640xf32, #tpu.memory_space<vmem_shared>>) dst(%dma_wait3A_102 : memref<640xf32, #tpu.memory_space<vmem>>)
      tpu.yield
    }) : () -> ()
    %mul3A_34 = arith.constant 640 : i32
    %mul3A_35 = arith.muli %arg1, %mul3A_34 : i32
    %add3A_36 = arith.constant 30720 : i32
    %add3A_37 = arith.addi %add3A_36, %mul3A_35 : i32
    "tpu.region"() ({
      %run_scoped3A = tpu.sem_alloc : memref<!tpu.dma_semaphore, #tpu.memory_space<semaphore_mem>>
      %dma_start3A = arith.constant 1920 : i32
      %dma_start3A_94 = tpu.memref_slice %arg6[%dma_start3A] : memref<10240xf32, #tpu.memory_space<vmem>> -> memref<640xf32, #tpu.memory_space<vmem>>
      %dma_start3A_95 = tpu.memref_slice %arg8[%add3A_37] : memref<163840xf32, #tpu.memory_space<vmem_shared>> -> memref<640xf32, #tpu.memory_space<vmem_shared>>
      %dma_start3A_96 = arith.constant 1920 : i32
      %dma_start3A_97 = tpu.memref_slice %arg6[%dma_start3A_96] : memref<10240xf32, #tpu.memory_space<vmem>> -> memref<640xf32, #tpu.memory_space<vmem>>
      %dma_start3A_98 = tpu.memref_slice %arg8[%add3A_37] : memref<163840xf32, #tpu.memory_space<vmem_shared>> -> memref<640xf32, #tpu.memory_space<vmem_shared>>
      tpu.enqueue_dma source(%dma_start3A_98 : memref<640xf32, #tpu.memory_space<vmem_shared>>) target(%dma_start3A_97 : memref<640xf32, #tpu.memory_space<vmem>>) target_semaphore(%run_scoped3A : memref<!tpu.dma_semaphore, #tpu.memory_space<semaphore_mem>>)
      %dma_wait3A = arith.constant 1920 : i32
      %dma_wait3A_99 = tpu.memref_slice %arg6[%dma_wait3A] : memref<10240xf32, #tpu.memory_space<vmem>> -> memref<640xf32, #tpu.memory_space<vmem>>
      %dma_wait3A_100 = tpu.memref_slice %arg8[%add3A_37] : memref<163840xf32, #tpu.memory_space<vmem_shared>> -> memref<640xf32, #tpu.memory_space<vmem_shared>>
      %dma_wait3A_101 = arith.constant 1920 : i32
      %dma_wait3A_102 = tpu.memref_slice %arg6[%dma_wait3A_101] : memref<10240xf32, #tpu.memory_space<vmem>> -> memref<640xf32, #tpu.memory_space<vmem>>
      %dma_wait3A_103 = tpu.memref_slice %arg8[%add3A_37] : memref<163840xf32, #tpu.memory_space<vmem_shared>> -> memref<640xf32, #tpu.memory_space<vmem_shared>>
      tpu.wait_dma2 semaphore(%run_scoped3A : memref<!tpu.dma_semaphore, #tpu.memory_space<semaphore_mem>>) src(%dma_wait3A_103 : memref<640xf32, #tpu.memory_space<vmem_shared>>) dst(%dma_wait3A_102 : memref<640xf32, #tpu.memory_space<vmem>>)
      tpu.yield
    }) : () -> ()
    %mul3A_38 = arith.constant 640 : i32
    %mul3A_39 = arith.muli %arg1, %mul3A_38 : i32
    %add3A_40 = arith.constant 40960 : i32
    %add3A_41 = arith.addi %add3A_40, %mul3A_39 : i32
    "tpu.region"() ({
      %run_scoped3A = tpu.sem_alloc : memref<!tpu.dma_semaphore, #tpu.memory_space<semaphore_mem>>
      %dma_start3A = arith.constant 2560 : i32
      %dma_start3A_94 = tpu.memref_slice %arg6[%dma_start3A] : memref<10240xf32, #tpu.memory_space<vmem>> -> memref<640xf32, #tpu.memory_space<vmem>>
      %dma_start3A_95 = tpu.memref_slice %arg8[%add3A_41] : memref<163840xf32, #tpu.memory_space<vmem_shared>> -> memref<640xf32, #tpu.memory_space<vmem_shared>>
      %dma_start3A_96 = arith.constant 2560 : i32
      %dma_start3A_97 = tpu.memref_slice %arg6[%dma_start3A_96] : memref<10240xf32, #tpu.memory_space<vmem>> -> memref<640xf32, #tpu.memory_space<vmem>>
      %dma_start3A_98 = tpu.memref_slice %arg8[%add3A_41] : memref<163840xf32, #tpu.memory_space<vmem_shared>> -> memref<640xf32, #tpu.memory_space<vmem_shared>>
      tpu.enqueue_dma source(%dma_start3A_98 : memref<640xf32, #tpu.memory_space<vmem_shared>>) target(%dma_start3A_97 : memref<640xf32, #tpu.memory_space<vmem>>) target_semaphore(%run_scoped3A : memref<!tpu.dma_semaphore, #tpu.memory_space<semaphore_mem>>)
      %dma_wait3A = arith.constant 2560 : i32
      %dma_wait3A_99 = tpu.memref_slice %arg6[%dma_wait3A] : memref<10240xf32, #tpu.memory_space<vmem>> -> memref<640xf32, #tpu.memory_space<vmem>>
      %dma_wait3A_100 = tpu.memref_slice %arg8[%add3A_41] : memref<163840xf32, #tpu.memory_space<vmem_shared>> -> memref<640xf32, #tpu.memory_space<vmem_shared>>
      %dma_wait3A_101 = arith.constant 2560 : i32
      %dma_wait3A_102 = tpu.memref_slice %arg6[%dma_wait3A_101] : memref<10240xf32, #tpu.memory_space<vmem>> -> memref<640xf32, #tpu.memory_space<vmem>>
      %dma_wait3A_103 = tpu.memref_slice %arg8[%add3A_41] : memref<163840xf32, #tpu.memory_space<vmem_shared>> -> memref<640xf32, #tpu.memory_space<vmem_shared>>
      tpu.wait_dma2 semaphore(%run_scoped3A : memref<!tpu.dma_semaphore, #tpu.memory_space<semaphore_mem>>) src(%dma_wait3A_103 : memref<640xf32, #tpu.memory_space<vmem_shared>>) dst(%dma_wait3A_102 : memref<640xf32, #tpu.memory_space<vmem>>)
      tpu.yield
    }) : () -> ()
    %mul3A_42 = arith.constant 640 : i32
    %mul3A_43 = arith.muli %arg1, %mul3A_42 : i32
    %add3A_44 = arith.constant 51200 : i32
    %add3A_45 = arith.addi %add3A_44, %mul3A_43 : i32
    "tpu.region"() ({
      %run_scoped3A = tpu.sem_alloc : memref<!tpu.dma_semaphore, #tpu.memory_space<semaphore_mem>>
      %dma_start3A = arith.constant 3200 : i32
      %dma_start3A_94 = tpu.memref_slice %arg6[%dma_start3A] : memref<10240xf32, #tpu.memory_space<vmem>> -> memref<640xf32, #tpu.memory_space<vmem>>
      %dma_start3A_95 = tpu.memref_slice %arg8[%add3A_45] : memref<163840xf32, #tpu.memory_space<vmem_shared>> -> memref<640xf32, #tpu.memory_space<vmem_shared>>
      %dma_start3A_96 = arith.constant 3200 : i32
      %dma_start3A_97 = tpu.memref_slice %arg6[%dma_start3A_96] : memref<10240xf32, #tpu.memory_space<vmem>> -> memref<640xf32, #tpu.memory_space<vmem>>
      %dma_start3A_98 = tpu.memref_slice %arg8[%add3A_45] : memref<163840xf32, #tpu.memory_space<vmem_shared>> -> memref<640xf32, #tpu.memory_space<vmem_shared>>
      tpu.enqueue_dma source(%dma_start3A_98 : memref<640xf32, #tpu.memory_space<vmem_shared>>) target(%dma_start3A_97 : memref<640xf32, #tpu.memory_space<vmem>>) target_semaphore(%run_scoped3A : memref<!tpu.dma_semaphore, #tpu.memory_space<semaphore_mem>>)
      %dma_wait3A = arith.constant 3200 : i32
      %dma_wait3A_99 = tpu.memref_slice %arg6[%dma_wait3A] : memref<10240xf32, #tpu.memory_space<vmem>> -> memref<640xf32, #tpu.memory_space<vmem>>
      %dma_wait3A_100 = tpu.memref_slice %arg8[%add3A_45] : memref<163840xf32, #tpu.memory_space<vmem_shared>> -> memref<640xf32, #tpu.memory_space<vmem_shared>>
      %dma_wait3A_101 = arith.constant 3200 : i32
      %dma_wait3A_102 = tpu.memref_slice %arg6[%dma_wait3A_101] : memref<10240xf32, #tpu.memory_space<vmem>> -> memref<640xf32, #tpu.memory_space<vmem>>
      %dma_wait3A_103 = tpu.memref_slice %arg8[%add3A_45] : memref<163840xf32, #tpu.memory_space<vmem_shared>> -> memref<640xf32, #tpu.memory_space<vmem_shared>>
      tpu.wait_dma2 semaphore(%run_scoped3A : memref<!tpu.dma_semaphore, #tpu.memory_space<semaphore_mem>>) src(%dma_wait3A_103 : memref<640xf32, #tpu.memory_space<vmem_shared>>) dst(%dma_wait3A_102 : memref<640xf32, #tpu.memory_space<vmem>>)
      tpu.yield
    }) : () -> ()
    %mul3A_46 = arith.constant 640 : i32
    %mul3A_47 = arith.muli %arg1, %mul3A_46 : i32
    %add3A_48 = arith.constant 61440 : i32
    %add3A_49 = arith.addi %add3A_48, %mul3A_47 : i32
    "tpu.region"() ({
      %run_scoped3A = tpu.sem_alloc : memref<!tpu.dma_semaphore, #tpu.memory_space<semaphore_mem>>
      %dma_start3A = arith.constant 3840 : i32
      %dma_start3A_94 = tpu.memref_slice %arg6[%dma_start3A] : memref<10240xf32, #tpu.memory_space<vmem>> -> memref<640xf32, #tpu.memory_space<vmem>>
      %dma_start3A_95 = tpu.memref_slice %arg8[%add3A_49] : memref<163840xf32, #tpu.memory_space<vmem_shared>> -> memref<640xf32, #tpu.memory_space<vmem_shared>>
      %dma_start3A_96 = arith.constant 3840 : i32
      %dma_start3A_97 = tpu.memref_slice %arg6[%dma_start3A_96] : memref<10240xf32, #tpu.memory_space<vmem>> -> memref<640xf32, #tpu.memory_space<vmem>>
      %dma_start3A_98 = tpu.memref_slice %arg8[%add3A_49] : memref<163840xf32, #tpu.memory_space<vmem_shared>> -> memref<640xf32, #tpu.memory_space<vmem_shared>>
      tpu.enqueue_dma source(%dma_start3A_98 : memref<640xf32, #tpu.memory_space<vmem_shared>>) target(%dma_start3A_97 : memref<640xf32, #tpu.memory_space<vmem>>) target_semaphore(%run_scoped3A : memref<!tpu.dma_semaphore, #tpu.memory_space<semaphore_mem>>)
      %dma_wait3A = arith.constant 3840 : i32
      %dma_wait3A_99 = tpu.memref_slice %arg6[%dma_wait3A] : memref<10240xf32, #tpu.memory_space<vmem>> -> memref<640xf32, #tpu.memory_space<vmem>>
      %dma_wait3A_100 = tpu.memref_slice %arg8[%add3A_49] : memref<163840xf32, #tpu.memory_space<vmem_shared>> -> memref<640xf32, #tpu.memory_space<vmem_shared>>
      %dma_wait3A_101 = arith.constant 3840 : i32
      %dma_wait3A_102 = tpu.memref_slice %arg6[%dma_wait3A_101] : memref<10240xf32, #tpu.memory_space<vmem>> -> memref<640xf32, #tpu.memory_space<vmem>>
      %dma_wait3A_103 = tpu.memref_slice %arg8[%add3A_49] : memref<163840xf32, #tpu.memory_space<vmem_shared>> -> memref<640xf32, #tpu.memory_space<vmem_shared>>
      tpu.wait_dma2 semaphore(%run_scoped3A : memref<!tpu.dma_semaphore, #tpu.memory_space<semaphore_mem>>) src(%dma_wait3A_103 : memref<640xf32, #tpu.memory_space<vmem_shared>>) dst(%dma_wait3A_102 : memref<640xf32, #tpu.memory_space<vmem>>)
      tpu.yield
    }) : () -> ()
    %mul3A_50 = arith.constant 640 : i32
    %mul3A_51 = arith.muli %arg1, %mul3A_50 : i32
    %add3A_52 = arith.constant 71680 : i32
    %add3A_53 = arith.addi %add3A_52, %mul3A_51 : i32
    "tpu.region"() ({
      %run_scoped3A = tpu.sem_alloc : memref<!tpu.dma_semaphore, #tpu.memory_space<semaphore_mem>>
      %dma_start3A = arith.constant 4480 : i32
      %dma_start3A_94 = tpu.memref_slice %arg6[%dma_start3A] : memref<10240xf32, #tpu.memory_space<vmem>> -> memref<640xf32, #tpu.memory_space<vmem>>
      %dma_start3A_95 = tpu.memref_slice %arg8[%add3A_53] : memref<163840xf32, #tpu.memory_space<vmem_shared>> -> memref<640xf32, #tpu.memory_space<vmem_shared>>
      %dma_start3A_96 = arith.constant 4480 : i32
      %dma_start3A_97 = tpu.memref_slice %arg6[%dma_start3A_96] : memref<10240xf32, #tpu.memory_space<vmem>> -> memref<640xf32, #tpu.memory_space<vmem>>
      %dma_start3A_98 = tpu.memref_slice %arg8[%add3A_53] : memref<163840xf32, #tpu.memory_space<vmem_shared>> -> memref<640xf32, #tpu.memory_space<vmem_shared>>
      tpu.enqueue_dma source(%dma_start3A_98 : memref<640xf32, #tpu.memory_space<vmem_shared>>) target(%dma_start3A_97 : memref<640xf32, #tpu.memory_space<vmem>>) target_semaphore(%run_scoped3A : memref<!tpu.dma_semaphore, #tpu.memory_space<semaphore_mem>>)
      %dma_wait3A = arith.constant 4480 : i32
      %dma_wait3A_99 = tpu.memref_slice %arg6[%dma_wait3A] : memref<10240xf32, #tpu.memory_space<vmem>> -> memref<640xf32, #tpu.memory_space<vmem>>
      %dma_wait3A_100 = tpu.memref_slice %arg8[%add3A_53] : memref<163840xf32, #tpu.memory_space<vmem_shared>> -> memref<640xf32, #tpu.memory_space<vmem_shared>>
      %dma_wait3A_101 = arith.constant 4480 : i32
      %dma_wait3A_102 = tpu.memref_slice %arg6[%dma_wait3A_101] : memref<10240xf32, #tpu.memory_space<vmem>> -> memref<640xf32, #tpu.memory_space<vmem>>
      %dma_wait3A_103 = tpu.memref_slice %arg8[%add3A_53] : memref<163840xf32, #tpu.memory_space<vmem_shared>> -> memref<640xf32, #tpu.memory_space<vmem_shared>>
      tpu.wait_dma2 semaphore(%run_scoped3A : memref<!tpu.dma_semaphore, #tpu.memory_space<semaphore_mem>>) src(%dma_wait3A_103 : memref<640xf32, #tpu.memory_space<vmem_shared>>) dst(%dma_wait3A_102 : memref<640xf32, #tpu.memory_space<vmem>>)
      tpu.yield
    }) : () -> ()
    %mul3A_54 = arith.constant 640 : i32
    %mul3A_55 = arith.muli %arg1, %mul3A_54 : i32
    %add3A_56 = arith.constant 81920 : i32
    %add3A_57 = arith.addi %add3A_56, %mul3A_55 : i32
    "tpu.region"() ({
      %run_scoped3A = tpu.sem_alloc : memref<!tpu.dma_semaphore, #tpu.memory_space<semaphore_mem>>
      %dma_start3A = arith.constant 5120 : i32
      %dma_start3A_94 = tpu.memref_slice %arg6[%dma_start3A] : memref<10240xf32, #tpu.memory_space<vmem>> -> memref<640xf32, #tpu.memory_space<vmem>>
      %dma_start3A_95 = tpu.memref_slice %arg8[%add3A_57] : memref<163840xf32, #tpu.memory_space<vmem_shared>> -> memref<640xf32, #tpu.memory_space<vmem_shared>>
      %dma_start3A_96 = arith.constant 5120 : i32
      %dma_start3A_97 = tpu.memref_slice %arg6[%dma_start3A_96] : memref<10240xf32, #tpu.memory_space<vmem>> -> memref<640xf32, #tpu.memory_space<vmem>>
      %dma_start3A_98 = tpu.memref_slice %arg8[%add3A_57] : memref<163840xf32, #tpu.memory_space<vmem_shared>> -> memref<640xf32, #tpu.memory_space<vmem_shared>>
      tpu.enqueue_dma source(%dma_start3A_98 : memref<640xf32, #tpu.memory_space<vmem_shared>>) target(%dma_start3A_97 : memref<640xf32, #tpu.memory_space<vmem>>) target_semaphore(%run_scoped3A : memref<!tpu.dma_semaphore, #tpu.memory_space<semaphore_mem>>)
      %dma_wait3A = arith.constant 5120 : i32
      %dma_wait3A_99 = tpu.memref_slice %arg6[%dma_wait3A] : memref<10240xf32, #tpu.memory_space<vmem>> -> memref<640xf32, #tpu.memory_space<vmem>>
      %dma_wait3A_100 = tpu.memref_slice %arg8[%add3A_57] : memref<163840xf32, #tpu.memory_space<vmem_shared>> -> memref<640xf32, #tpu.memory_space<vmem_shared>>
      %dma_wait3A_101 = arith.constant 5120 : i32
      %dma_wait3A_102 = tpu.memref_slice %arg6[%dma_wait3A_101] : memref<10240xf32, #tpu.memory_space<vmem>> -> memref<640xf32, #tpu.memory_space<vmem>>
      %dma_wait3A_103 = tpu.memref_slice %arg8[%add3A_57] : memref<163840xf32, #tpu.memory_space<vmem_shared>> -> memref<640xf32, #tpu.memory_space<vmem_shared>>
      tpu.wait_dma2 semaphore(%run_scoped3A : memref<!tpu.dma_semaphore, #tpu.memory_space<semaphore_mem>>) src(%dma_wait3A_103 : memref<640xf32, #tpu.memory_space<vmem_shared>>) dst(%dma_wait3A_102 : memref<640xf32, #tpu.memory_space<vmem>>)
      tpu.yield
    }) : () -> ()
    %mul3A_58 = arith.constant 640 : i32
    %mul3A_59 = arith.muli %arg1, %mul3A_58 : i32
    %add3A_60 = arith.constant 92160 : i32
    %add3A_61 = arith.addi %add3A_60, %mul3A_59 : i32
    "tpu.region"() ({
      %run_scoped3A = tpu.sem_alloc : memref<!tpu.dma_semaphore, #tpu.memory_space<semaphore_mem>>
      %dma_start3A = arith.constant 5760 : i32
      %dma_start3A_94 = tpu.memref_slice %arg6[%dma_start3A] : memref<10240xf32, #tpu.memory_space<vmem>> -> memref<640xf32, #tpu.memory_space<vmem>>
      %dma_start3A_95 = tpu.memref_slice %arg8[%add3A_61] : memref<163840xf32, #tpu.memory_space<vmem_shared>> -> memref<640xf32, #tpu.memory_space<vmem_shared>>
      %dma_start3A_96 = arith.constant 5760 : i32
      %dma_start3A_97 = tpu.memref_slice %arg6[%dma_start3A_96] : memref<10240xf32, #tpu.memory_space<vmem>> -> memref<640xf32, #tpu.memory_space<vmem>>
      %dma_start3A_98 = tpu.memref_slice %arg8[%add3A_61] : memref<163840xf32, #tpu.memory_space<vmem_shared>> -> memref<640xf32, #tpu.memory_space<vmem_shared>>
      tpu.enqueue_dma source(%dma_start3A_98 : memref<640xf32, #tpu.memory_space<vmem_shared>>) target(%dma_start3A_97 : memref<640xf32, #tpu.memory_space<vmem>>) target_semaphore(%run_scoped3A : memref<!tpu.dma_semaphore, #tpu.memory_space<semaphore_mem>>)
      %dma_wait3A = arith.constant 5760 : i32
      %dma_wait3A_99 = tpu.memref_slice %arg6[%dma_wait3A] : memref<10240xf32, #tpu.memory_space<vmem>> -> memref<640xf32, #tpu.memory_space<vmem>>
      %dma_wait3A_100 = tpu.memref_slice %arg8[%add3A_61] : memref<163840xf32, #tpu.memory_space<vmem_shared>> -> memref<640xf32, #tpu.memory_space<vmem_shared>>
      %dma_wait3A_101 = arith.constant 5760 : i32
      %dma_wait3A_102 = tpu.memref_slice %arg6[%dma_wait3A_101] : memref<10240xf32, #tpu.memory_space<vmem>> -> memref<640xf32, #tpu.memory_space<vmem>>
      %dma_wait3A_103 = tpu.memref_slice %arg8[%add3A_61] : memref<163840xf32, #tpu.memory_space<vmem_shared>> -> memref<640xf32, #tpu.memory_space<vmem_shared>>
      tpu.wait_dma2 semaphore(%run_scoped3A : memref<!tpu.dma_semaphore, #tpu.memory_space<semaphore_mem>>) src(%dma_wait3A_103 : memref<640xf32, #tpu.memory_space<vmem_shared>>) dst(%dma_wait3A_102 : memref<640xf32, #tpu.memory_space<vmem>>)
      tpu.yield
    }) : () -> ()
    %mul3A_62 = arith.constant 640 : i32
    %mul3A_63 = arith.muli %arg1, %mul3A_62 : i32
    %add3A_64 = arith.constant 102400 : i32
    %add3A_65 = arith.addi %add3A_64, %mul3A_63 : i32
    "tpu.region"() ({
      %run_scoped3A = tpu.sem_alloc : memref<!tpu.dma_semaphore, #tpu.memory_space<semaphore_mem>>
      %dma_start3A = arith.constant 6400 : i32
      %dma_start3A_94 = tpu.memref_slice %arg6[%dma_start3A] : memref<10240xf32, #tpu.memory_space<vmem>> -> memref<640xf32, #tpu.memory_space<vmem>>
      %dma_start3A_95 = tpu.memref_slice %arg8[%add3A_65] : memref<163840xf32, #tpu.memory_space<vmem_shared>> -> memref<640xf32, #tpu.memory_space<vmem_shared>>
      %dma_start3A_96 = arith.constant 6400 : i32
      %dma_start3A_97 = tpu.memref_slice %arg6[%dma_start3A_96] : memref<10240xf32, #tpu.memory_space<vmem>> -> memref<640xf32, #tpu.memory_space<vmem>>
      %dma_start3A_98 = tpu.memref_slice %arg8[%add3A_65] : memref<163840xf32, #tpu.memory_space<vmem_shared>> -> memref<640xf32, #tpu.memory_space<vmem_shared>>
      tpu.enqueue_dma source(%dma_start3A_98 : memref<640xf32, #tpu.memory_space<vmem_shared>>) target(%dma_start3A_97 : memref<640xf32, #tpu.memory_space<vmem>>) target_semaphore(%run_scoped3A : memref<!tpu.dma_semaphore, #tpu.memory_space<semaphore_mem>>)
      %dma_wait3A = arith.constant 6400 : i32
      %dma_wait3A_99 = tpu.memref_slice %arg6[%dma_wait3A] : memref<10240xf32, #tpu.memory_space<vmem>> -> memref<640xf32, #tpu.memory_space<vmem>>
      %dma_wait3A_100 = tpu.memref_slice %arg8[%add3A_65] : memref<163840xf32, #tpu.memory_space<vmem_shared>> -> memref<640xf32, #tpu.memory_space<vmem_shared>>
      %dma_wait3A_101 = arith.constant 6400 : i32
      %dma_wait3A_102 = tpu.memref_slice %arg6[%dma_wait3A_101] : memref<10240xf32, #tpu.memory_space<vmem>> -> memref<640xf32, #tpu.memory_space<vmem>>
      %dma_wait3A_103 = tpu.memref_slice %arg8[%add3A_65] : memref<163840xf32, #tpu.memory_space<vmem_shared>> -> memref<640xf32, #tpu.memory_space<vmem_shared>>
      tpu.wait_dma2 semaphore(%run_scoped3A : memref<!tpu.dma_semaphore, #tpu.memory_space<semaphore_mem>>) src(%dma_wait3A_103 : memref<640xf32, #tpu.memory_space<vmem_shared>>) dst(%dma_wait3A_102 : memref<640xf32, #tpu.memory_space<vmem>>)
      tpu.yield
    }) : () -> ()
    %mul3A_66 = arith.constant 640 : i32
    %mul3A_67 = arith.muli %arg1, %mul3A_66 : i32
    %add3A_68 = arith.constant 112640 : i32
    %add3A_69 = arith.addi %add3A_68, %mul3A_67 : i32
    "tpu.region"() ({
      %run_scoped3A = tpu.sem_alloc : memref<!tpu.dma_semaphore, #tpu.memory_space<semaphore_mem>>
      %dma_start3A = arith.constant 7040 : i32
      %dma_start3A_94 = tpu.memref_slice %arg6[%dma_start3A] : memref<10240xf32, #tpu.memory_space<vmem>> -> memref<640xf32, #tpu.memory_space<vmem>>
      %dma_start3A_95 = tpu.memref_slice %arg8[%add3A_69] : memref<163840xf32, #tpu.memory_space<vmem_shared>> -> memref<640xf32, #tpu.memory_space<vmem_shared>>
      %dma_start3A_96 = arith.constant 7040 : i32
      %dma_start3A_97 = tpu.memref_slice %arg6[%dma_start3A_96] : memref<10240xf32, #tpu.memory_space<vmem>> -> memref<640xf32, #tpu.memory_space<vmem>>
      %dma_start3A_98 = tpu.memref_slice %arg8[%add3A_69] : memref<163840xf32, #tpu.memory_space<vmem_shared>> -> memref<640xf32, #tpu.memory_space<vmem_shared>>
      tpu.enqueue_dma source(%dma_start3A_98 : memref<640xf32, #tpu.memory_space<vmem_shared>>) target(%dma_start3A_97 : memref<640xf32, #tpu.memory_space<vmem>>) target_semaphore(%run_scoped3A : memref<!tpu.dma_semaphore, #tpu.memory_space<semaphore_mem>>)
      %dma_wait3A = arith.constant 7040 : i32
      %dma_wait3A_99 = tpu.memref_slice %arg6[%dma_wait3A] : memref<10240xf32, #tpu.memory_space<vmem>> -> memref<640xf32, #tpu.memory_space<vmem>>
      %dma_wait3A_100 = tpu.memref_slice %arg8[%add3A_69] : memref<163840xf32, #tpu.memory_space<vmem_shared>> -> memref<640xf32, #tpu.memory_space<vmem_shared>>
      %dma_wait3A_101 = arith.constant 7040 : i32
      %dma_wait3A_102 = tpu.memref_slice %arg6[%dma_wait3A_101] : memref<10240xf32, #tpu.memory_space<vmem>> -> memref<640xf32, #tpu.memory_space<vmem>>
      %dma_wait3A_103 = tpu.memref_slice %arg8[%add3A_69] : memref<163840xf32, #tpu.memory_space<vmem_shared>> -> memref<640xf32, #tpu.memory_space<vmem_shared>>
      tpu.wait_dma2 semaphore(%run_scoped3A : memref<!tpu.dma_semaphore, #tpu.memory_space<semaphore_mem>>) src(%dma_wait3A_103 : memref<640xf32, #tpu.memory_space<vmem_shared>>) dst(%dma_wait3A_102 : memref<640xf32, #tpu.memory_space<vmem>>)
      tpu.yield
    }) : () -> ()
    %mul3A_70 = arith.constant 640 : i32
    %mul3A_71 = arith.muli %arg1, %mul3A_70 : i32
    %add3A_72 = arith.constant 122880 : i32
    %add3A_73 = arith.addi %add3A_72, %mul3A_71 : i32
    "tpu.region"() ({
      %run_scoped3A = tpu.sem_alloc : memref<!tpu.dma_semaphore, #tpu.memory_space<semaphore_mem>>
      %dma_start3A = arith.constant 7680 : i32
      %dma_start3A_94 = tpu.memref_slice %arg6[%dma_start3A] : memref<10240xf32, #tpu.memory_space<vmem>> -> memref<640xf32, #tpu.memory_space<vmem>>
      %dma_start3A_95 = tpu.memref_slice %arg8[%add3A_73] : memref<163840xf32, #tpu.memory_space<vmem_shared>> -> memref<640xf32, #tpu.memory_space<vmem_shared>>
      %dma_start3A_96 = arith.constant 7680 : i32
      %dma_start3A_97 = tpu.memref_slice %arg6[%dma_start3A_96] : memref<10240xf32, #tpu.memory_space<vmem>> -> memref<640xf32, #tpu.memory_space<vmem>>
      %dma_start3A_98 = tpu.memref_slice %arg8[%add3A_73] : memref<163840xf32, #tpu.memory_space<vmem_shared>> -> memref<640xf32, #tpu.memory_space<vmem_shared>>
      tpu.enqueue_dma source(%dma_start3A_98 : memref<640xf32, #tpu.memory_space<vmem_shared>>) target(%dma_start3A_97 : memref<640xf32, #tpu.memory_space<vmem>>) target_semaphore(%run_scoped3A : memref<!tpu.dma_semaphore, #tpu.memory_space<semaphore_mem>>)
      %dma_wait3A = arith.constant 7680 : i32
      %dma_wait3A_99 = tpu.memref_slice %arg6[%dma_wait3A] : memref<10240xf32, #tpu.memory_space<vmem>> -> memref<640xf32, #tpu.memory_space<vmem>>
      %dma_wait3A_100 = tpu.memref_slice %arg8[%add3A_73] : memref<163840xf32, #tpu.memory_space<vmem_shared>> -> memref<640xf32, #tpu.memory_space<vmem_shared>>
      %dma_wait3A_101 = arith.constant 7680 : i32
      %dma_wait3A_102 = tpu.memref_slice %arg6[%dma_wait3A_101] : memref<10240xf32, #tpu.memory_space<vmem>> -> memref<640xf32, #tpu.memory_space<vmem>>
      %dma_wait3A_103 = tpu.memref_slice %arg8[%add3A_73] : memref<163840xf32, #tpu.memory_space<vmem_shared>> -> memref<640xf32, #tpu.memory_space<vmem_shared>>
      tpu.wait_dma2 semaphore(%run_scoped3A : memref<!tpu.dma_semaphore, #tpu.memory_space<semaphore_mem>>) src(%dma_wait3A_103 : memref<640xf32, #tpu.memory_space<vmem_shared>>) dst(%dma_wait3A_102 : memref<640xf32, #tpu.memory_space<vmem>>)
      tpu.yield
    }) : () -> ()
    %mul3A_74 = arith.constant 640 : i32
    %mul3A_75 = arith.muli %arg1, %mul3A_74 : i32
    %add3A_76 = arith.constant 133120 : i32
    %add3A_77 = arith.addi %add3A_76, %mul3A_75 : i32
    "tpu.region"() ({
      %run_scoped3A = tpu.sem_alloc : memref<!tpu.dma_semaphore, #tpu.memory_space<semaphore_mem>>
      %dma_start3A = arith.constant 8320 : i32
      %dma_start3A_94 = tpu.memref_slice %arg6[%dma_start3A] : memref<10240xf32, #tpu.memory_space<vmem>> -> memref<640xf32, #tpu.memory_space<vmem>>
      %dma_start3A_95 = tpu.memref_slice %arg8[%add3A_77] : memref<163840xf32, #tpu.memory_space<vmem_shared>> -> memref<640xf32, #tpu.memory_space<vmem_shared>>
      %dma_start3A_96 = arith.constant 8320 : i32
      %dma_start3A_97 = tpu.memref_slice %arg6[%dma_start3A_96] : memref<10240xf32, #tpu.memory_space<vmem>> -> memref<640xf32, #tpu.memory_space<vmem>>
      %dma_start3A_98 = tpu.memref_slice %arg8[%add3A_77] : memref<163840xf32, #tpu.memory_space<vmem_shared>> -> memref<640xf32, #tpu.memory_space<vmem_shared>>
      tpu.enqueue_dma source(%dma_start3A_98 : memref<640xf32, #tpu.memory_space<vmem_shared>>) target(%dma_start3A_97 : memref<640xf32, #tpu.memory_space<vmem>>) target_semaphore(%run_scoped3A : memref<!tpu.dma_semaphore, #tpu.memory_space<semaphore_mem>>)
      %dma_wait3A = arith.constant 8320 : i32
      %dma_wait3A_99 = tpu.memref_slice %arg6[%dma_wait3A] : memref<10240xf32, #tpu.memory_space<vmem>> -> memref<640xf32, #tpu.memory_space<vmem>>
      %dma_wait3A_100 = tpu.memref_slice %arg8[%add3A_77] : memref<163840xf32, #tpu.memory_space<vmem_shared>> -> memref<640xf32, #tpu.memory_space<vmem_shared>>
      %dma_wait3A_101 = arith.constant 8320 : i32
      %dma_wait3A_102 = tpu.memref_slice %arg6[%dma_wait3A_101] : memref<10240xf32, #tpu.memory_space<vmem>> -> memref<640xf32, #tpu.memory_space<vmem>>
      %dma_wait3A_103 = tpu.memref_slice %arg8[%add3A_77] : memref<163840xf32, #tpu.memory_space<vmem_shared>> -> memref<640xf32, #tpu.memory_space<vmem_shared>>
      tpu.wait_dma2 semaphore(%run_scoped3A : memref<!tpu.dma_semaphore, #tpu.memory_space<semaphore_mem>>) src(%dma_wait3A_103 : memref<640xf32, #tpu.memory_space<vmem_shared>>) dst(%dma_wait3A_102 : memref<640xf32, #tpu.memory_space<vmem>>)
      tpu.yield
    }) : () -> ()
    %mul3A_78 = arith.constant 640 : i32
    %mul3A_79 = arith.muli %arg1, %mul3A_78 : i32
    %add3A_80 = arith.constant 143360 : i32
    %add3A_81 = arith.addi %add3A_80, %mul3A_79 : i32
    "tpu.region"() ({
      %run_scoped3A = tpu.sem_alloc : memref<!tpu.dma_semaphore, #tpu.memory_space<semaphore_mem>>
      %dma_start3A = arith.constant 8960 : i32
      %dma_start3A_94 = tpu.memref_slice %arg6[%dma_start3A] : memref<10240xf32, #tpu.memory_space<vmem>> -> memref<640xf32, #tpu.memory_space<vmem>>
      %dma_start3A_95 = tpu.memref_slice %arg8[%add3A_81] : memref<163840xf32, #tpu.memory_space<vmem_shared>> -> memref<640xf32, #tpu.memory_space<vmem_shared>>
      %dma_start3A_96 = arith.constant 8960 : i32
      %dma_start3A_97 = tpu.memref_slice %arg6[%dma_start3A_96] : memref<10240xf32, #tpu.memory_space<vmem>> -> memref<640xf32, #tpu.memory_space<vmem>>
      %dma_start3A_98 = tpu.memref_slice %arg8[%add3A_81] : memref<163840xf32, #tpu.memory_space<vmem_shared>> -> memref<640xf32, #tpu.memory_space<vmem_shared>>
      tpu.enqueue_dma source(%dma_start3A_98 : memref<640xf32, #tpu.memory_space<vmem_shared>>) target(%dma_start3A_97 : memref<640xf32, #tpu.memory_space<vmem>>) target_semaphore(%run_scoped3A : memref<!tpu.dma_semaphore, #tpu.memory_space<semaphore_mem>>)
      %dma_wait3A = arith.constant 8960 : i32
      %dma_wait3A_99 = tpu.memref_slice %arg6[%dma_wait3A] : memref<10240xf32, #tpu.memory_space<vmem>> -> memref<640xf32, #tpu.memory_space<vmem>>
      %dma_wait3A_100 = tpu.memref_slice %arg8[%add3A_81] : memref<163840xf32, #tpu.memory_space<vmem_shared>> -> memref<640xf32, #tpu.memory_space<vmem_shared>>
      %dma_wait3A_101 = arith.constant 8960 : i32
      %dma_wait3A_102 = tpu.memref_slice %arg6[%dma_wait3A_101] : memref<10240xf32, #tpu.memory_space<vmem>> -> memref<640xf32, #tpu.memory_space<vmem>>
      %dma_wait3A_103 = tpu.memref_slice %arg8[%add3A_81] : memref<163840xf32, #tpu.memory_space<vmem_shared>> -> memref<640xf32, #tpu.memory_space<vmem_shared>>
      tpu.wait_dma2 semaphore(%run_scoped3A : memref<!tpu.dma_semaphore, #tpu.memory_space<semaphore_mem>>) src(%dma_wait3A_103 : memref<640xf32, #tpu.memory_space<vmem_shared>>) dst(%dma_wait3A_102 : memref<640xf32, #tpu.memory_space<vmem>>)
      tpu.yield
    }) : () -> ()
    %mul3A_82 = arith.constant 640 : i32
    %mul3A_83 = arith.muli %arg1, %mul3A_82 : i32
    %add3A_84 = arith.constant 153600 : i32
    %add3A_85 = arith.addi %add3A_84, %mul3A_83 : i32
    "tpu.region"() ({
      %run_scoped3A = tpu.sem_alloc : memref<!tpu.dma_semaphore, #tpu.memory_space<semaphore_mem>>
      %dma_start3A = arith.constant 9600 : i32
      %dma_start3A_94 = tpu.memref_slice %arg6[%dma_start3A] : memref<10240xf32, #tpu.memory_space<vmem>> -> memref<640xf32, #tpu.memory_space<vmem>>
      %dma_start3A_95 = tpu.memref_slice %arg8[%add3A_85] : memref<163840xf32, #tpu.memory_space<vmem_shared>> -> memref<640xf32, #tpu.memory_space<vmem_shared>>
      %dma_start3A_96 = arith.constant 9600 : i32
      %dma_start3A_97 = tpu.memref_slice %arg6[%dma_start3A_96] : memref<10240xf32, #tpu.memory_space<vmem>> -> memref<640xf32, #tpu.memory_space<vmem>>
      %dma_start3A_98 = tpu.memref_slice %arg8[%add3A_85] : memref<163840xf32, #tpu.memory_space<vmem_shared>> -> memref<640xf32, #tpu.memory_space<vmem_shared>>
      tpu.enqueue_dma source(%dma_start3A_98 : memref<640xf32, #tpu.memory_space<vmem_shared>>) target(%dma_start3A_97 : memref<640xf32, #tpu.memory_space<vmem>>) target_semaphore(%run_scoped3A : memref<!tpu.dma_semaphore, #tpu.memory_space<semaphore_mem>>)
      %dma_wait3A = arith.constant 9600 : i32
      %dma_wait3A_99 = tpu.memref_slice %arg6[%dma_wait3A] : memref<10240xf32, #tpu.memory_space<vmem>> -> memref<640xf32, #tpu.memory_space<vmem>>
      %dma_wait3A_100 = tpu.memref_slice %arg8[%add3A_85] : memref<163840xf32, #tpu.memory_space<vmem_shared>> -> memref<640xf32, #tpu.memory_space<vmem_shared>>
      %dma_wait3A_101 = arith.constant 9600 : i32
      %dma_wait3A_102 = tpu.memref_slice %arg6[%dma_wait3A_101] : memref<10240xf32, #tpu.memory_space<vmem>> -> memref<640xf32, #tpu.memory_space<vmem>>
      %dma_wait3A_103 = tpu.memref_slice %arg8[%add3A_85] : memref<163840xf32, #tpu.memory_space<vmem_shared>> -> memref<640xf32, #tpu.memory_space<vmem_shared>>
      tpu.wait_dma2 semaphore(%run_scoped3A : memref<!tpu.dma_semaphore, #tpu.memory_space<semaphore_mem>>) src(%dma_wait3A_103 : memref<640xf32, #tpu.memory_space<vmem_shared>>) dst(%dma_wait3A_102 : memref<640xf32, #tpu.memory_space<vmem>>)
      tpu.yield
    }) : () -> ()
    %scan3A_86 = arith.constant 0 : i32
    %scan3A_87 = arith.constant 0 : i32
    %scan3A_88 = arith.constant 40 : i32
    %scan3A_89 = arith.addi %scan3A_87, %scan3A_88 : i32
    %scan3A_90 = arith.constant 1 : i32
    scf.for %scan3A_94 = %scan3A_87 to %scan3A_89 step %scan3A_90  : i32 {
      %mul3A_95 = arith.constant 16 : i32
      %mul3A_96 = arith.muli %scan3A_94, %mul3A_95 : i32
      %get3A_97 = arith.index_cast %mul3A_96 : i32 to index
      %get3A_98 = tpu.vector_load %arg6[%get3A_97] {strides = array<i32>} : memref<10240xf32, #tpu.memory_space<vmem>>, vector<16xf32>,
      %mul3A_99 = arith.constant 16 : i32
      %mul3A_100 = arith.muli %scan3A_94, %mul3A_99 : i32
      %add3A_101 = arith.constant 640 : i32
      %add3A_102 = arith.addi %add3A_101, %mul3A_100 : i32
      %get3A_103 = arith.index_cast %add3A_102 : i32 to index
      %get3A_104 = tpu.vector_load %arg6[%get3A_103] {strides = array<i32>} : memref<10240xf32, #tpu.memory_space<vmem>>, vector<16xf32>,
      %add3A_105 = arith.addf %get3A_98, %get3A_104 : vector<16xf32>
      %mul3A_106 = arith.constant 16 : i32
      %mul3A_107 = arith.muli %scan3A_94, %mul3A_106 : i32
      %add3A_108 = arith.constant 1280 : i32
      %add3A_109 = arith.addi %add3A_108, %mul3A_107 : i32
      %get3A_110 = arith.index_cast %add3A_109 : i32 to index
      %get3A_111 = tpu.vector_load %arg6[%get3A_110] {strides = array<i32>} : memref<10240xf32, #tpu.memory_space<vmem>>, vector<16xf32>,
      %add3A_112 = arith.addf %add3A_105, %get3A_111 : vector<16xf32>
      %mul3A_113 = arith.constant 16 : i32
      %mul3A_114 = arith.muli %scan3A_94, %mul3A_113 : i32
      %add3A_115 = arith.constant 1920 : i32
      %add3A_116 = arith.addi %add3A_115, %mul3A_114 : i32
      %get3A_117 = arith.index_cast %add3A_116 : i32 to index
      %get3A_118 = tpu.vector_load %arg6[%get3A_117] {strides = array<i32>} : memref<10240xf32, #tpu.memory_space<vmem>>, vector<16xf32>,
      %add3A_119 = arith.addf %add3A_112, %get3A_118 : vector<16xf32>
      %mul3A_120 = arith.constant 16 : i32
      %mul3A_121 = arith.muli %scan3A_94, %mul3A_120 : i32
      %add3A_122 = arith.constant 2560 : i32
      %add3A_123 = arith.addi %add3A_122, %mul3A_121 : i32
      %get3A_124 = arith.index_cast %add3A_123 : i32 to index
      %get3A_125 = tpu.vector_load %arg6[%get3A_124] {strides = array<i32>} : memref<10240xf32, #tpu.memory_space<vmem>>, vector<16xf32>,
      %add3A_126 = arith.addf %add3A_119, %get3A_125 : vector<16xf32>
      %mul3A_127 = arith.constant 16 : i32
      %mul3A_128 = arith.muli %scan3A_94, %mul3A_127 : i32
      %add3A_129 = arith.constant 3200 : i32
      %add3A_130 = arith.addi %add3A_129, %mul3A_128 : i32
      %get3A_131 = arith.index_cast %add3A_130 : i32 to index
      %get3A_132 = tpu.vector_load %arg6[%get3A_131] {strides = array<i32>} : memref<10240xf32, #tpu.memory_space<vmem>>, vector<16xf32>,
      %add3A_133 = arith.addf %add3A_126, %get3A_132 : vector<16xf32>
      %mul3A_134 = arith.constant 16 : i32
      %mul3A_135 = arith.muli %scan3A_94, %mul3A_134 : i32
      %add3A_136 = arith.constant 3840 : i32
      %add3A_137 = arith.addi %add3A_136, %mul3A_135 : i32
      %get3A_138 = arith.index_cast %add3A_137 : i32 to index
      %get3A_139 = tpu.vector_load %arg6[%get3A_138] {strides = array<i32>} : memref<10240xf32, #tpu.memory_space<vmem>>, vector<16xf32>,
      %add3A_140 = arith.addf %add3A_133, %get3A_139 : vector<16xf32>
      %mul3A_141 = arith.constant 16 : i32
      %mul3A_142 = arith.muli %scan3A_94, %mul3A_141 : i32
      %add3A_143 = arith.constant 4480 : i32
      %add3A_144 = arith.addi %add3A_143, %mul3A_142 : i32
      %get3A_145 = arith.index_cast %add3A_144 : i32 to index
      %get3A_146 = tpu.vector_load %arg6[%get3A_145] {strides = array<i32>} : memref<10240xf32, #tpu.memory_space<vmem>>, vector<16xf32>,
      %add3A_147 = arith.addf %add3A_140, %get3A_146 : vector<16xf32>
      %mul3A_148 = arith.constant 16 : i32
      %mul3A_149 = arith.muli %scan3A_94, %mul3A_148 : i32
      %add3A_150 = arith.constant 5120 : i32
      %add3A_151 = arith.addi %add3A_150, %mul3A_149 : i32
      %get3A_152 = arith.index_cast %add3A_151 : i32 to index
      %get3A_153 = tpu.vector_load %arg6[%get3A_152] {strides = array<i32>} : memref<10240xf32, #tpu.memory_space<vmem>>, vector<16xf32>,
      %add3A_154 = arith.addf %add3A_147, %get3A_153 : vector<16xf32>
      %mul3A_155 = arith.constant 16 : i32
      %mul3A_156 = arith.muli %scan3A_94, %mul3A_155 : i32
      %add3A_157 = arith.constant 5760 : i32
      %add3A_158 = arith.addi %add3A_157, %mul3A_156 : i32
      %get3A_159 = arith.index_cast %add3A_158 : i32 to index
      %get3A_160 = tpu.vector_load %arg6[%get3A_159] {strides = array<i32>} : memref<10240xf32, #tpu.memory_space<vmem>>, vector<16xf32>,
      %add3A_161 = arith.addf %add3A_154, %get3A_160 : vector<16xf32>
      %mul3A_162 = arith.constant 16 : i32
      %mul3A_163 = arith.muli %scan3A_94, %mul3A_162 : i32
      %add3A_164 = arith.constant 6400 : i32
      %add3A_165 = arith.addi %add3A_164, %mul3A_163 : i32
      %get3A_166 = arith.index_cast %add3A_165 : i32 to index
      %get3A_167 = tpu.vector_load %arg6[%get3A_166] {strides = array<i32>} : memref<10240xf32, #tpu.memory_space<vmem>>, vector<16xf32>,
      %add3A_168 = arith.addf %add3A_161, %get3A_167 : vector<16xf32>
      %mul3A_169 = arith.constant 16 : i32
      %mul3A_170 = arith.muli %scan3A_94, %mul3A_169 : i32
      %add3A_171 = arith.constant 7040 : i32
      %add3A_172 = arith.addi %add3A_171, %mul3A_170 : i32
      %get3A_173 = arith.index_cast %add3A_172 : i32 to index
      %get3A_174 = tpu.vector_load %arg6[%get3A_173] {strides = array<i32>} : memref<10240xf32, #tpu.memory_space<vmem>>, vector<16xf32>,
      %add3A_175 = arith.addf %add3A_168, %get3A_174 : vector<16xf32>
      %mul3A_176 = arith.constant 16 : i32
      %mul3A_177 = arith.muli %scan3A_94, %mul3A_176 : i32
      %add3A_178 = arith.constant 7680 : i32
      %add3A_179 = arith.addi %add3A_178, %mul3A_177 : i32
      %get3A_180 = arith.index_cast %add3A_179 : i32 to index
      %get3A_181 = tpu.vector_load %arg6[%get3A_180] {strides = array<i32>} : memref<10240xf32, #tpu.memory_space<vmem>>, vector<16xf32>,
      %add3A_182 = arith.addf %add3A_175, %get3A_181 : vector<16xf32>
      %mul3A_183 = arith.constant 16 : i32
      %mul3A_184 = arith.muli %scan3A_94, %mul3A_183 : i32
      %add3A_185 = arith.constant 8320 : i32
      %add3A_186 = arith.addi %add3A_185, %mul3A_184 : i32
      %get3A_187 = arith.index_cast %add3A_186 : i32 to index
      %get3A_188 = tpu.vector_load %arg6[%get3A_187] {strides = array<i32>} : memref<10240xf32, #tpu.memory_space<vmem>>, vector<16xf32>,
      %add3A_189 = arith.addf %add3A_182, %get3A_188 : vector<16xf32>
      %mul3A_190 = arith.constant 16 : i32
      %mul3A_191 = arith.muli %scan3A_94, %mul3A_190 : i32
      %add3A_192 = arith.constant 8960 : i32
      %add3A_193 = arith.addi %add3A_192, %mul3A_191 : i32
      %get3A_194 = arith.index_cast %add3A_193 : i32 to index
      %get3A_195 = tpu.vector_load %arg6[%get3A_194] {strides = array<i32>} : memref<10240xf32, #tpu.memory_space<vmem>>, vector<16xf32>,
      %add3A_196 = arith.addf %add3A_189, %get3A_195 : vector<16xf32>
      %mul3A_197 = arith.constant 16 : i32
      %mul3A_198 = arith.muli %scan3A_94, %mul3A_197 : i32
      %add3A_199 = arith.constant 9600 : i32
      %add3A_200 = arith.addi %add3A_199, %mul3A_198 : i32
      %get3A_201 = arith.index_cast %add3A_200 : i32 to index
      %get3A_202 = tpu.vector_load %arg6[%get3A_201] {strides = array<i32>} : memref<10240xf32, #tpu.memory_space<vmem>>, vector<16xf32>,
      %add3A_203 = arith.addf %add3A_196, %get3A_202 : vector<16xf32>
      %mul3A_204 = arith.constant 16 : i32
      %mul3A_205 = arith.muli %scan3A_94, %mul3A_204 : i32
      %swap3A = arith.index_cast %mul3A_205 : i32 to index
      %swap3A_206 = tpu.vector_load %arg7[%swap3A] {strides = array<i32>} : memref<640xf32, #tpu.memory_space<vmem>>, vector<16xf32>,
      tpu.vector_store %arg7[%swap3A], %add3A_203 {strides = array<i32>} : memref<640xf32, #tpu.memory_space<vmem>>, vector<16xf32>,
    }
    %scan3A_91 = arith.constant 40 : i32
    %mul3A_92 = arith.constant 640 : i32
    %mul3A_93 = arith.muli %add3A, %mul3A_92 : i32
    "tpu.region"() ({
      %run_scoped3A = tpu.sem_alloc : memref<!tpu.dma_semaphore, #tpu.memory_space<semaphore_mem>>
      %dma_start3A = tpu.memref_slice %arg3[%mul3A_93] : memref<20480xf32, #tpu.memory_space<hbm>> -> memref<640xf32, #tpu.memory_space<hbm>>
      %dma_start3A_94 = tpu.memref_slice %arg3[%mul3A_93] : memref<20480xf32, #tpu.memory_space<hbm>> -> memref<640xf32, #tpu.memory_space<hbm>>
      tpu.enqueue_dma source(%arg7 : memref<640xf32, #tpu.memory_space<vmem>>) target(%dma_start3A_94 : memref<640xf32, #tpu.memory_space<hbm>>) target_semaphore(%run_scoped3A : memref<!tpu.dma_semaphore, #tpu.memory_space<semaphore_mem>>)
      %dma_wait3A = tpu.memref_slice %arg3[%mul3A_93] : memref<20480xf32, #tpu.memory_space<hbm>> -> memref<640xf32, #tpu.memory_space<hbm>>
      %dma_wait3A_95 = tpu.memref_slice %arg3[%mul3A_93] : memref<20480xf32, #tpu.memory_space<hbm>> -> memref<640xf32, #tpu.memory_space<hbm>>
      tpu.wait_dma2 semaphore(%run_scoped3A : memref<!tpu.dma_semaphore, #tpu.memory_space<semaphore_mem>>) src(%arg7 : memref<640xf32, #tpu.memory_space<vmem>>) dst(%dma_wait3A_95 : memref<640xf32, #tpu.memory_space<hbm>>)
      tpu.yield
    }) : () -> ()
    return
  }
}

#map = affine_map<(d0, d1) -> (0, 0)>
#map1 = affine_map<(d0, d1) -> (0, 0, 0, 0, 0)>
#map2 = affine_map<(d0, d1) -> (0, 0, 0)>
module attributes {stable_mosaic.version = 14 : i64} {
  func.func @_sc_pass(%arg0: i32, %arg1: i32, %arg2: memref<20480x128xf32, #tpu.memory_space<hbm>>, %arg3: memref<2x16x50x1x100xi32, #tpu.memory_space<hbm>>, %arg4: memref<2x16x50x1x100xi32, #tpu.memory_space<hbm>>, %arg5: memref<2x10240x128xf32, #tpu.memory_space<hbm>>, %arg6: memref<50x1x100xi32, #tpu.memory_space<vmem>>, %arg7: memref<50x1x100xi32, #tpu.memory_space<vmem>>, %arg8: memref<100x128xf32, #tpu.memory_space<vmem>>, %arg9: memref<10240x128xf32, #tpu.memory_space<vmem_shared>>) attributes {dimension_semantics = [#tpu.dimension_semantics<core_parallel>, #tpu.dimension_semantics<subcore_parallel>], iteration_bounds = array<i64: 2, 16>, scalar_prefetch = 0 : i64, scratch_operands = 4 : i64, tpu.core_type = #tpu.core_type<sc_vector_subcore>, window_params = [{transform_indices = #map}, {transform_indices = #map1}, {transform_indices = #map1}, {transform_indices = #map2}]} {
    %mul3A = arith.constant 10240 : i32
    %mul3A_0 = arith.muli %arg0, %mul3A : i32
    %mul3A_1 = arith.constant 640 : i32
    %mul3A_2 = arith.muli %arg1, %mul3A_1 : i32
    %add3A = arith.addi %mul3A_0, %mul3A_2 : i32
    %mul3A_3 = arith.constant 640 : i32
    %mul3A_4 = arith.muli %arg1, %mul3A_3 : i32
    "tpu.region"() ({
      %run_scoped3A = tpu.sem_alloc : memref<!tpu.dma_semaphore, #tpu.memory_space<semaphore_mem>>
      %dma_start3A = arith.constant 0 : i32
      %dma_start3A_15 = tpu.memref_slice %arg9[%mul3A_4, %dma_start3A] : memref<10240x128xf32, #tpu.memory_space<vmem_shared>> -> memref<640x128xf32, #tpu.memory_space<vmem_shared>>
      %dma_start3A_16 = arith.constant 0 : i32
      %dma_start3A_17 = tpu.memref_slice %arg2[%add3A, %dma_start3A_16] : memref<20480x128xf32, #tpu.memory_space<hbm>> -> memref<640x128xf32, #tpu.memory_space<hbm>>
      tpu.enqueue_dma source(%dma_start3A_17 : memref<640x128xf32, #tpu.memory_space<hbm>>) target(%dma_start3A_15 : memref<640x128xf32, #tpu.memory_space<vmem_shared>>) target_semaphore(%run_scoped3A : memref<!tpu.dma_semaphore, #tpu.memory_space<semaphore_mem>>)
      %dma_wait3A = arith.constant 0 : i32
      %dma_wait3A_18 = tpu.memref_slice %arg9[%mul3A_4, %dma_wait3A] : memref<10240x128xf32, #tpu.memory_space<vmem_shared>> -> memref<640x128xf32, #tpu.memory_space<vmem_shared>>
      %dma_wait3A_19 = arith.constant 0 : i32
      %dma_wait3A_20 = tpu.memref_slice %arg2[%add3A, %dma_wait3A_19] : memref<20480x128xf32, #tpu.memory_space<hbm>> -> memref<640x128xf32, #tpu.memory_space<hbm>>
      tpu.wait_dma2 semaphore(%run_scoped3A : memref<!tpu.dma_semaphore, #tpu.memory_space<semaphore_mem>>) src(%dma_wait3A_20 : memref<640x128xf32, #tpu.memory_space<hbm>>) dst(%dma_wait3A_18 : memref<640x128xf32, #tpu.memory_space<vmem_shared>>)
      tpu.yield
    }) : () -> ()
    "tpu.region"() ({
      %run_scoped3A = tpu.sem_alloc : memref<!tpu.dma_semaphore, #tpu.memory_space<semaphore_mem>>
      %dma_start3A = arith.constant 0 : i32
      %dma_start3A_15 = arith.constant 0 : i32
      %dma_start3A_16 = arith.constant 0 : i32
      %dma_start3A_17 = tpu.memref_slice %arg3[%arg0, %arg1, %dma_start3A, %dma_start3A_15, %dma_start3A_16] : memref<2x16x50x1x100xi32, #tpu.memory_space<hbm>> -> memref<1x1x50x1x100xi32, #tpu.memory_space<hbm>>
      %dma_start3A_18 = tpu.memref_squeeze %dma_start3A_17 : memref<1x1x50x1x100xi32, #tpu.memory_space<hbm>> -> memref<50x1x100xi32, #tpu.memory_space<hbm>>
      %dma_start3A_19 = arith.constant 0 : i32
      %dma_start3A_20 = arith.constant 0 : i32
      %dma_start3A_21 = arith.constant 0 : i32
      %dma_start3A_22 = tpu.memref_slice %arg3[%arg0, %arg1, %dma_start3A_19, %dma_start3A_20, %dma_start3A_21] : memref<2x16x50x1x100xi32, #tpu.memory_space<hbm>> -> memref<1x1x50x1x100xi32, #tpu.memory_space<hbm>>
      %dma_start3A_23 = tpu.memref_squeeze %dma_start3A_22 : memref<1x1x50x1x100xi32, #tpu.memory_space<hbm>> -> memref<50x1x100xi32, #tpu.memory_space<hbm>>
      tpu.enqueue_dma source(%dma_start3A_23 : memref<50x1x100xi32, #tpu.memory_space<hbm>>) target(%arg6 : memref<50x1x100xi32, #tpu.memory_space<vmem>>) target_semaphore(%run_scoped3A : memref<!tpu.dma_semaphore, #tpu.memory_space<semaphore_mem>>)
      %dma_wait3A = arith.constant 0 : i32
      %dma_wait3A_24 = arith.constant 0 : i32
      %dma_wait3A_25 = arith.constant 0 : i32
      %dma_wait3A_26 = tpu.memref_slice %arg3[%arg0, %arg1, %dma_wait3A, %dma_wait3A_24, %dma_wait3A_25] : memref<2x16x50x1x100xi32, #tpu.memory_space<hbm>> -> memref<1x1x50x1x100xi32, #tpu.memory_space<hbm>>
      %dma_wait3A_27 = tpu.memref_squeeze %dma_wait3A_26 : memref<1x1x50x1x100xi32, #tpu.memory_space<hbm>> -> memref<50x1x100xi32, #tpu.memory_space<hbm>>
      %dma_wait3A_28 = arith.constant 0 : i32
      %dma_wait3A_29 = arith.constant 0 : i32
      %dma_wait3A_30 = arith.constant 0 : i32
      %dma_wait3A_31 = tpu.memref_slice %arg3[%arg0, %arg1, %dma_wait3A_28, %dma_wait3A_29, %dma_wait3A_30] : memref<2x16x50x1x100xi32, #tpu.memory_space<hbm>> -> memref<1x1x50x1x100xi32, #tpu.memory_space<hbm>>
      %dma_wait3A_32 = tpu.memref_squeeze %dma_wait3A_31 : memref<1x1x50x1x100xi32, #tpu.memory_space<hbm>> -> memref<50x1x100xi32, #tpu.memory_space<hbm>>
      tpu.wait_dma2 semaphore(%run_scoped3A : memref<!tpu.dma_semaphore, #tpu.memory_space<semaphore_mem>>) src(%dma_wait3A_32 : memref<50x1x100xi32, #tpu.memory_space<hbm>>) dst(%arg6 : memref<50x1x100xi32, #tpu.memory_space<vmem>>)
      tpu.yield
    }) : () -> ()
    "tpu.region"() ({
      %run_scoped3A = tpu.sem_alloc : memref<!tpu.dma_semaphore, #tpu.memory_space<semaphore_mem>>
      %dma_start3A = arith.constant 0 : i32
      %dma_start3A_15 = arith.constant 0 : i32
      %dma_start3A_16 = arith.constant 0 : i32
      %dma_start3A_17 = tpu.memref_slice %arg4[%arg0, %arg1, %dma_start3A, %dma_start3A_15, %dma_start3A_16] : memref<2x16x50x1x100xi32, #tpu.memory_space<hbm>> -> memref<1x1x50x1x100xi32, #tpu.memory_space<hbm>>
      %dma_start3A_18 = tpu.memref_squeeze %dma_start3A_17 : memref<1x1x50x1x100xi32, #tpu.memory_space<hbm>> -> memref<50x1x100xi32, #tpu.memory_space<hbm>>
      %dma_start3A_19 = arith.constant 0 : i32
      %dma_start3A_20 = arith.constant 0 : i32
      %dma_start3A_21 = arith.constant 0 : i32
      %dma_start3A_22 = tpu.memref_slice %arg4[%arg0, %arg1, %dma_start3A_19, %dma_start3A_20, %dma_start3A_21] : memref<2x16x50x1x100xi32, #tpu.memory_space<hbm>> -> memref<1x1x50x1x100xi32, #tpu.memory_space<hbm>>
      %dma_start3A_23 = tpu.memref_squeeze %dma_start3A_22 : memref<1x1x50x1x100xi32, #tpu.memory_space<hbm>> -> memref<50x1x100xi32, #tpu.memory_space<hbm>>
      tpu.enqueue_dma source(%dma_start3A_23 : memref<50x1x100xi32, #tpu.memory_space<hbm>>) target(%arg7 : memref<50x1x100xi32, #tpu.memory_space<vmem>>) target_semaphore(%run_scoped3A : memref<!tpu.dma_semaphore, #tpu.memory_space<semaphore_mem>>)
      %dma_wait3A = arith.constant 0 : i32
      %dma_wait3A_24 = arith.constant 0 : i32
      %dma_wait3A_25 = arith.constant 0 : i32
      %dma_wait3A_26 = tpu.memref_slice %arg4[%arg0, %arg1, %dma_wait3A, %dma_wait3A_24, %dma_wait3A_25] : memref<2x16x50x1x100xi32, #tpu.memory_space<hbm>> -> memref<1x1x50x1x100xi32, #tpu.memory_space<hbm>>
      %dma_wait3A_27 = tpu.memref_squeeze %dma_wait3A_26 : memref<1x1x50x1x100xi32, #tpu.memory_space<hbm>> -> memref<50x1x100xi32, #tpu.memory_space<hbm>>
      %dma_wait3A_28 = arith.constant 0 : i32
      %dma_wait3A_29 = arith.constant 0 : i32
      %dma_wait3A_30 = arith.constant 0 : i32
      %dma_wait3A_31 = tpu.memref_slice %arg4[%arg0, %arg1, %dma_wait3A_28, %dma_wait3A_29, %dma_wait3A_30] : memref<2x16x50x1x100xi32, #tpu.memory_space<hbm>> -> memref<1x1x50x1x100xi32, #tpu.memory_space<hbm>>
      %dma_wait3A_32 = tpu.memref_squeeze %dma_wait3A_31 : memref<1x1x50x1x100xi32, #tpu.memory_space<hbm>> -> memref<50x1x100xi32, #tpu.memory_space<hbm>>
      tpu.wait_dma2 semaphore(%run_scoped3A : memref<!tpu.dma_semaphore, #tpu.memory_space<semaphore_mem>>) src(%dma_wait3A_32 : memref<50x1x100xi32, #tpu.memory_space<hbm>>) dst(%arg7 : memref<50x1x100xi32, #tpu.memory_space<vmem>>)
      tpu.yield
    }) : () -> ()
    %barrier3A = arith.constant 0 : index
    tpu.barrier barrier_id(%barrier3A)
    %scan3A = arith.constant 0 : i32
    %scan3A_5 = arith.constant 0 : i32
    %scan3A_6 = arith.constant 50 : i32
    %scan3A_7 = arith.addi %scan3A_5, %scan3A_6 : i32
    %scan3A_8 = arith.constant 1 : i32
    scf.for %scan3A_15 = %scan3A_5 to %scan3A_7 step %scan3A_8  : i32 {
      %run_scoped3A = arith.constant 0 : i32
      "tpu.region"() ({
        %run_scoped3A_17 = tpu.sem_alloc : memref<!tpu.dma_semaphore, #tpu.memory_space<semaphore_mem>>
        %dma_start3A = arith.constant 0 : i32
        %dma_start3A_18 = tpu.memref_slice %arg6[%scan3A_15, %run_scoped3A, %dma_start3A] : memref<50x1x100xi32, #tpu.memory_space<vmem>> -> memref<1x1x100xi32, #tpu.memory_space<vmem>>
        %dma_start3A_19 = tpu.memref_squeeze %dma_start3A_18 : memref<1x1x100xi32, #tpu.memory_space<vmem>> -> memref<100xi32, #tpu.memory_space<vmem>>
        %dma_start3A_20 = arith.constant 0 : i32
        %dma_start3A_21 = arith.constant 0 : i32
        %dma_start3A_22 = tpu.memref_slice %arg2[%dma_start3A_20, %dma_start3A_21] : memref<20480x128xf32, #tpu.memory_space<hbm>> -> memref<20480x128xf32, #tpu.memory_space<hbm>>
        tpu.enqueue_indirect_dma source(%dma_start3A_22 : memref<20480x128xf32, #tpu.memory_space<hbm>>) target(%arg8 : memref<100x128xf32, #tpu.memory_space<vmem>>) offsets(%dma_start3A_19 : memref<100xi32, #tpu.memory_space<vmem>>) semaphore(%run_scoped3A_17 : memref<!tpu.dma_semaphore, #tpu.memory_space<semaphore_mem>>)
        %dma_wait3A = arith.constant 0 : i32
        %dma_wait3A_23 = tpu.memref_slice %arg6[%scan3A_15, %run_scoped3A, %dma_wait3A] : memref<50x1x100xi32, #tpu.memory_space<vmem>> -> memref<1x1x100xi32, #tpu.memory_space<vmem>>
        %dma_wait3A_24 = tpu.memref_squeeze %dma_wait3A_23 : memref<1x1x100xi32, #tpu.memory_space<vmem>> -> memref<100xi32, #tpu.memory_space<vmem>>
        %dma_wait3A_25 = arith.constant 0 : i32
        %dma_wait3A_26 = arith.constant 0 : i32
        %dma_wait3A_27 = tpu.memref_slice %arg2[%dma_wait3A_25, %dma_wait3A_26] : memref<20480x128xf32, #tpu.memory_space<hbm>> -> memref<20480x128xf32, #tpu.memory_space<hbm>>
        tpu.wait_indirect_dma semaphore(%run_scoped3A_17 : memref<!tpu.dma_semaphore, #tpu.memory_space<semaphore_mem>>) src(%dma_wait3A_27 : memref<20480x128xf32, #tpu.memory_space<hbm>>) dst(%arg8 : memref<100x128xf32, #tpu.memory_space<vmem>>)
        tpu.yield
      }) : () -> ()
      %run_scoped3A_16 = arith.constant 0 : i32
      "tpu.region"() ({
        %run_scoped3A_17 = tpu.sem_alloc : memref<!tpu.dma_semaphore, #tpu.memory_space<semaphore_mem>>
        %dma_start3A = arith.constant 0 : i32
        %dma_start3A_18 = tpu.memref_slice %arg7[%scan3A_15, %run_scoped3A_16, %dma_start3A] : memref<50x1x100xi32, #tpu.memory_space<vmem>> -> memref<1x1x100xi32, #tpu.memory_space<vmem>>
        %dma_start3A_19 = tpu.memref_squeeze %dma_start3A_18 : memref<1x1x100xi32, #tpu.memory_space<vmem>> -> memref<100xi32, #tpu.memory_space<vmem>>
        %dma_start3A_20 = arith.constant 0 : i32
        %dma_start3A_21 = arith.constant 0 : i32
        %dma_start3A_22 = tpu.memref_slice %arg9[%dma_start3A_20, %dma_start3A_21] : memref<10240x128xf32, #tpu.memory_space<vmem_shared>> -> memref<10240x128xf32, #tpu.memory_space<vmem_shared>>
        tpu.enqueue_indirect_dma source(%arg8 : memref<100x128xf32, #tpu.memory_space<vmem>>) target(%dma_start3A_22 : memref<10240x128xf32, #tpu.memory_space<vmem_shared>>) offsets(%dma_start3A_19 : memref<100xi32, #tpu.memory_space<vmem>>) semaphore(%run_scoped3A_17 : memref<!tpu.dma_semaphore, #tpu.memory_space<semaphore_mem>>) {add = true}
        %dma_wait3A = arith.constant 0 : i32
        %dma_wait3A_23 = tpu.memref_slice %arg7[%scan3A_15, %run_scoped3A_16, %dma_wait3A] : memref<50x1x100xi32, #tpu.memory_space<vmem>> -> memref<1x1x100xi32, #tpu.memory_space<vmem>>
        %dma_wait3A_24 = tpu.memref_squeeze %dma_wait3A_23 : memref<1x1x100xi32, #tpu.memory_space<vmem>> -> memref<100xi32, #tpu.memory_space<vmem>>
        %dma_wait3A_25 = arith.constant 0 : i32
        %dma_wait3A_26 = arith.constant 0 : i32
        %dma_wait3A_27 = tpu.memref_slice %arg9[%dma_wait3A_25, %dma_wait3A_26] : memref<10240x128xf32, #tpu.memory_space<vmem_shared>> -> memref<10240x128xf32, #tpu.memory_space<vmem_shared>>
        tpu.wait_indirect_dma semaphore(%run_scoped3A_17 : memref<!tpu.dma_semaphore, #tpu.memory_space<semaphore_mem>>) src(%arg8 : memref<100x128xf32, #tpu.memory_space<vmem>>) dst(%dma_wait3A_27 : memref<10240x128xf32, #tpu.memory_space<vmem_shared>>)
        tpu.yield
      }) : () -> ()
    }
    %scan3A_9 = arith.constant 50 : i32
    %barrier3A_10 = arith.constant 0 : index
    tpu.barrier barrier_id(%barrier3A_10)
    %mul3A_11 = arith.constant 640 : i32
    %mul3A_12 = arith.muli %arg1, %mul3A_11 : i32
    %mul3A_13 = arith.constant 640 : i32
    %mul3A_14 = arith.muli %arg1, %mul3A_13 : i32
    "tpu.region"() ({
      %run_scoped3A = tpu.sem_alloc : memref<!tpu.dma_semaphore, #tpu.memory_space<semaphore_mem>>
      %dma_start3A = arith.constant 0 : i32
      %dma_start3A_15 = tpu.memref_slice %arg5[%arg0, %mul3A_14, %dma_start3A] : memref<2x10240x128xf32, #tpu.memory_space<hbm>> -> memref<1x640x128xf32, #tpu.memory_space<hbm>>
      %dma_start3A_16 = tpu.memref_squeeze %dma_start3A_15 : memref<1x640x128xf32, #tpu.memory_space<hbm>> -> memref<640x128xf32, #tpu.memory_space<hbm>>
      %dma_start3A_17 = arith.constant 0 : i32
      %dma_start3A_18 = tpu.memref_slice %arg9[%mul3A_12, %dma_start3A_17] : memref<10240x128xf32, #tpu.memory_space<vmem_shared>> -> memref<640x128xf32, #tpu.memory_space<vmem_shared>>
      tpu.enqueue_dma source(%dma_start3A_18 : memref<640x128xf32, #tpu.memory_space<vmem_shared>>) target(%dma_start3A_16 : memref<640x128xf32, #tpu.memory_space<hbm>>) target_semaphore(%run_scoped3A : memref<!tpu.dma_semaphore, #tpu.memory_space<semaphore_mem>>)
      %dma_wait3A = arith.constant 0 : i32
      %dma_wait3A_19 = tpu.memref_slice %arg5[%arg0, %mul3A_14, %dma_wait3A] : memref<2x10240x128xf32, #tpu.memory_space<hbm>> -> memref<1x640x128xf32, #tpu.memory_space<hbm>>
      %dma_wait3A_20 = tpu.memref_squeeze %dma_wait3A_19 : memref<1x640x128xf32, #tpu.memory_space<hbm>> -> memref<640x128xf32, #tpu.memory_space<hbm>>
      %dma_wait3A_21 = arith.constant 0 : i32
      %dma_wait3A_22 = tpu.memref_slice %arg9[%mul3A_12, %dma_wait3A_21] : memref<10240x128xf32, #tpu.memory_space<vmem_shared>> -> memref<640x128xf32, #tpu.memory_space<vmem_shared>>
      tpu.wait_dma2 semaphore(%run_scoped3A : memref<!tpu.dma_semaphore, #tpu.memory_space<semaphore_mem>>) src(%dma_wait3A_22 : memref<640x128xf32, #tpu.memory_space<vmem_shared>>) dst(%dma_wait3A_20 : memref<640x128xf32, #tpu.memory_space<hbm>>)
      tpu.yield
    }) : () -> ()
    return
  }
}

#map = affine_map<(d0, d1) -> (0, 0)>
#map1 = affine_map<(d0, d1) -> (0, 0, 0, 0, 0)>
#map2 = affine_map<(d0, d1) -> (0, 0, 0)>
module attributes {stable_mosaic.version = 14 : i64} {
  func.func @_sc_pass(%arg0: i32, %arg1: i32, %arg2: memref<20480x128xf32, #tpu.memory_space<hbm>>, %arg3: memref<2x16x125x1x80xi32, #tpu.memory_space<hbm>>, %arg4: memref<2x16x125x1x80xi32, #tpu.memory_space<hbm>>, %arg5: memref<2x10240x128xf32, #tpu.memory_space<hbm>>, %arg6: memref<125x1x80xi32, #tpu.memory_space<vmem>>, %arg7: memref<125x1x80xi32, #tpu.memory_space<vmem>>, %arg8: memref<80x128xf32, #tpu.memory_space<vmem>>, %arg9: memref<10240x128xf32, #tpu.memory_space<vmem_shared>>) attributes {dimension_semantics = [#tpu.dimension_semantics<core_parallel>, #tpu.dimension_semantics<subcore_parallel>], iteration_bounds = array<i64: 2, 16>, scalar_prefetch = 0 : i64, scratch_operands = 4 : i64, tpu.core_type = #tpu.core_type<sc_vector_subcore>, window_params = [{transform_indices = #map}, {transform_indices = #map1}, {transform_indices = #map1}, {transform_indices = #map2}]} {
    %mul3A = arith.constant 10240 : i32
    %mul3A_0 = arith.muli %arg0, %mul3A : i32
    %mul3A_1 = arith.constant 640 : i32
    %mul3A_2 = arith.muli %arg1, %mul3A_1 : i32
    %add3A = arith.addi %mul3A_0, %mul3A_2 : i32
    %mul3A_3 = arith.constant 640 : i32
    %mul3A_4 = arith.muli %arg1, %mul3A_3 : i32
    "tpu.region"() ({
      %run_scoped3A = tpu.sem_alloc : memref<!tpu.dma_semaphore, #tpu.memory_space<semaphore_mem>>
      %dma_start3A = arith.constant 0 : i32
      %dma_start3A_15 = tpu.memref_slice %arg9[%mul3A_4, %dma_start3A] : memref<10240x128xf32, #tpu.memory_space<vmem_shared>> -> memref<640x128xf32, #tpu.memory_space<vmem_shared>>
      %dma_start3A_16 = arith.constant 0 : i32
      %dma_start3A_17 = tpu.memref_slice %arg2[%add3A, %dma_start3A_16] : memref<20480x128xf32, #tpu.memory_space<hbm>> -> memref<640x128xf32, #tpu.memory_space<hbm>>
      tpu.enqueue_dma source(%dma_start3A_17 : memref<640x128xf32, #tpu.memory_space<hbm>>) target(%dma_start3A_15 : memref<640x128xf32, #tpu.memory_space<vmem_shared>>) target_semaphore(%run_scoped3A : memref<!tpu.dma_semaphore, #tpu.memory_space<semaphore_mem>>)
      %dma_wait3A = arith.constant 0 : i32
      %dma_wait3A_18 = tpu.memref_slice %arg9[%mul3A_4, %dma_wait3A] : memref<10240x128xf32, #tpu.memory_space<vmem_shared>> -> memref<640x128xf32, #tpu.memory_space<vmem_shared>>
      %dma_wait3A_19 = arith.constant 0 : i32
      %dma_wait3A_20 = tpu.memref_slice %arg2[%add3A, %dma_wait3A_19] : memref<20480x128xf32, #tpu.memory_space<hbm>> -> memref<640x128xf32, #tpu.memory_space<hbm>>
      tpu.wait_dma2 semaphore(%run_scoped3A : memref<!tpu.dma_semaphore, #tpu.memory_space<semaphore_mem>>) src(%dma_wait3A_20 : memref<640x128xf32, #tpu.memory_space<hbm>>) dst(%dma_wait3A_18 : memref<640x128xf32, #tpu.memory_space<vmem_shared>>)
      tpu.yield
    }) : () -> ()
    "tpu.region"() ({
      %run_scoped3A = tpu.sem_alloc : memref<!tpu.dma_semaphore, #tpu.memory_space<semaphore_mem>>
      %dma_start3A = arith.constant 0 : i32
      %dma_start3A_15 = arith.constant 0 : i32
      %dma_start3A_16 = arith.constant 0 : i32
      %dma_start3A_17 = tpu.memref_slice %arg3[%arg0, %arg1, %dma_start3A, %dma_start3A_15, %dma_start3A_16] : memref<2x16x125x1x80xi32, #tpu.memory_space<hbm>> -> memref<1x1x125x1x80xi32, #tpu.memory_space<hbm>>
      %dma_start3A_18 = tpu.memref_squeeze %dma_start3A_17 : memref<1x1x125x1x80xi32, #tpu.memory_space<hbm>> -> memref<125x1x80xi32, #tpu.memory_space<hbm>>
      %dma_start3A_19 = arith.constant 0 : i32
      %dma_start3A_20 = arith.constant 0 : i32
      %dma_start3A_21 = arith.constant 0 : i32
      %dma_start3A_22 = tpu.memref_slice %arg3[%arg0, %arg1, %dma_start3A_19, %dma_start3A_20, %dma_start3A_21] : memref<2x16x125x1x80xi32, #tpu.memory_space<hbm>> -> memref<1x1x125x1x80xi32, #tpu.memory_space<hbm>>
      %dma_start3A_23 = tpu.memref_squeeze %dma_start3A_22 : memref<1x1x125x1x80xi32, #tpu.memory_space<hbm>> -> memref<125x1x80xi32, #tpu.memory_space<hbm>>
      tpu.enqueue_dma source(%dma_start3A_23 : memref<125x1x80xi32, #tpu.memory_space<hbm>>) target(%arg6 : memref<125x1x80xi32, #tpu.memory_space<vmem>>) target_semaphore(%run_scoped3A : memref<!tpu.dma_semaphore, #tpu.memory_space<semaphore_mem>>)
      %dma_wait3A = arith.constant 0 : i32
      %dma_wait3A_24 = arith.constant 0 : i32
      %dma_wait3A_25 = arith.constant 0 : i32
      %dma_wait3A_26 = tpu.memref_slice %arg3[%arg0, %arg1, %dma_wait3A, %dma_wait3A_24, %dma_wait3A_25] : memref<2x16x125x1x80xi32, #tpu.memory_space<hbm>> -> memref<1x1x125x1x80xi32, #tpu.memory_space<hbm>>
      %dma_wait3A_27 = tpu.memref_squeeze %dma_wait3A_26 : memref<1x1x125x1x80xi32, #tpu.memory_space<hbm>> -> memref<125x1x80xi32, #tpu.memory_space<hbm>>
      %dma_wait3A_28 = arith.constant 0 : i32
      %dma_wait3A_29 = arith.constant 0 : i32
      %dma_wait3A_30 = arith.constant 0 : i32
      %dma_wait3A_31 = tpu.memref_slice %arg3[%arg0, %arg1, %dma_wait3A_28, %dma_wait3A_29, %dma_wait3A_30] : memref<2x16x125x1x80xi32, #tpu.memory_space<hbm>> -> memref<1x1x125x1x80xi32, #tpu.memory_space<hbm>>
      %dma_wait3A_32 = tpu.memref_squeeze %dma_wait3A_31 : memref<1x1x125x1x80xi32, #tpu.memory_space<hbm>> -> memref<125x1x80xi32, #tpu.memory_space<hbm>>
      tpu.wait_dma2 semaphore(%run_scoped3A : memref<!tpu.dma_semaphore, #tpu.memory_space<semaphore_mem>>) src(%dma_wait3A_32 : memref<125x1x80xi32, #tpu.memory_space<hbm>>) dst(%arg6 : memref<125x1x80xi32, #tpu.memory_space<vmem>>)
      tpu.yield
    }) : () -> ()
    "tpu.region"() ({
      %run_scoped3A = tpu.sem_alloc : memref<!tpu.dma_semaphore, #tpu.memory_space<semaphore_mem>>
      %dma_start3A = arith.constant 0 : i32
      %dma_start3A_15 = arith.constant 0 : i32
      %dma_start3A_16 = arith.constant 0 : i32
      %dma_start3A_17 = tpu.memref_slice %arg4[%arg0, %arg1, %dma_start3A, %dma_start3A_15, %dma_start3A_16] : memref<2x16x125x1x80xi32, #tpu.memory_space<hbm>> -> memref<1x1x125x1x80xi32, #tpu.memory_space<hbm>>
      %dma_start3A_18 = tpu.memref_squeeze %dma_start3A_17 : memref<1x1x125x1x80xi32, #tpu.memory_space<hbm>> -> memref<125x1x80xi32, #tpu.memory_space<hbm>>
      %dma_start3A_19 = arith.constant 0 : i32
      %dma_start3A_20 = arith.constant 0 : i32
      %dma_start3A_21 = arith.constant 0 : i32
      %dma_start3A_22 = tpu.memref_slice %arg4[%arg0, %arg1, %dma_start3A_19, %dma_start3A_20, %dma_start3A_21] : memref<2x16x125x1x80xi32, #tpu.memory_space<hbm>> -> memref<1x1x125x1x80xi32, #tpu.memory_space<hbm>>
      %dma_start3A_23 = tpu.memref_squeeze %dma_start3A_22 : memref<1x1x125x1x80xi32, #tpu.memory_space<hbm>> -> memref<125x1x80xi32, #tpu.memory_space<hbm>>
      tpu.enqueue_dma source(%dma_start3A_23 : memref<125x1x80xi32, #tpu.memory_space<hbm>>) target(%arg7 : memref<125x1x80xi32, #tpu.memory_space<vmem>>) target_semaphore(%run_scoped3A : memref<!tpu.dma_semaphore, #tpu.memory_space<semaphore_mem>>)
      %dma_wait3A = arith.constant 0 : i32
      %dma_wait3A_24 = arith.constant 0 : i32
      %dma_wait3A_25 = arith.constant 0 : i32
      %dma_wait3A_26 = tpu.memref_slice %arg4[%arg0, %arg1, %dma_wait3A, %dma_wait3A_24, %dma_wait3A_25] : memref<2x16x125x1x80xi32, #tpu.memory_space<hbm>> -> memref<1x1x125x1x80xi32, #tpu.memory_space<hbm>>
      %dma_wait3A_27 = tpu.memref_squeeze %dma_wait3A_26 : memref<1x1x125x1x80xi32, #tpu.memory_space<hbm>> -> memref<125x1x80xi32, #tpu.memory_space<hbm>>
      %dma_wait3A_28 = arith.constant 0 : i32
      %dma_wait3A_29 = arith.constant 0 : i32
      %dma_wait3A_30 = arith.constant 0 : i32
      %dma_wait3A_31 = tpu.memref_slice %arg4[%arg0, %arg1, %dma_wait3A_28, %dma_wait3A_29, %dma_wait3A_30] : memref<2x16x125x1x80xi32, #tpu.memory_space<hbm>> -> memref<1x1x125x1x80xi32, #tpu.memory_space<hbm>>
      %dma_wait3A_32 = tpu.memref_squeeze %dma_wait3A_31 : memref<1x1x125x1x80xi32, #tpu.memory_space<hbm>> -> memref<125x1x80xi32, #tpu.memory_space<hbm>>
      tpu.wait_dma2 semaphore(%run_scoped3A : memref<!tpu.dma_semaphore, #tpu.memory_space<semaphore_mem>>) src(%dma_wait3A_32 : memref<125x1x80xi32, #tpu.memory_space<hbm>>) dst(%arg7 : memref<125x1x80xi32, #tpu.memory_space<vmem>>)
      tpu.yield
    }) : () -> ()
    %barrier3A = arith.constant 0 : index
    tpu.barrier barrier_id(%barrier3A)
    %scan3A = arith.constant 0 : i32
    %scan3A_5 = arith.constant 0 : i32
    %scan3A_6 = arith.constant 125 : i32
    %scan3A_7 = arith.addi %scan3A_5, %scan3A_6 : i32
    %scan3A_8 = arith.constant 1 : i32
    scf.for %scan3A_15 = %scan3A_5 to %scan3A_7 step %scan3A_8  : i32 {
      %run_scoped3A = arith.constant 0 : i32
      "tpu.region"() ({
        %run_scoped3A_17 = tpu.sem_alloc : memref<!tpu.dma_semaphore, #tpu.memory_space<semaphore_mem>>
        %dma_start3A = arith.constant 0 : i32
        %dma_start3A_18 = tpu.memref_slice %arg6[%scan3A_15, %run_scoped3A, %dma_start3A] : memref<125x1x80xi32, #tpu.memory_space<vmem>> -> memref<1x1x80xi32, #tpu.memory_space<vmem>>
        %dma_start3A_19 = tpu.memref_squeeze %dma_start3A_18 : memref<1x1x80xi32, #tpu.memory_space<vmem>> -> memref<80xi32, #tpu.memory_space<vmem>>
        %dma_start3A_20 = arith.constant 0 : i32
        %dma_start3A_21 = arith.constant 0 : i32
        %dma_start3A_22 = tpu.memref_slice %arg2[%dma_start3A_20, %dma_start3A_21] : memref<20480x128xf32, #tpu.memory_space<hbm>> -> memref<20480x128xf32, #tpu.memory_space<hbm>>
        tpu.enqueue_indirect_dma source(%dma_start3A_22 : memref<20480x128xf32, #tpu.memory_space<hbm>>) target(%arg8 : memref<80x128xf32, #tpu.memory_space<vmem>>) offsets(%dma_start3A_19 : memref<80xi32, #tpu.memory_space<vmem>>) semaphore(%run_scoped3A_17 : memref<!tpu.dma_semaphore, #tpu.memory_space<semaphore_mem>>)
        %dma_wait3A = arith.constant 0 : i32
        %dma_wait3A_23 = tpu.memref_slice %arg6[%scan3A_15, %run_scoped3A, %dma_wait3A] : memref<125x1x80xi32, #tpu.memory_space<vmem>> -> memref<1x1x80xi32, #tpu.memory_space<vmem>>
        %dma_wait3A_24 = tpu.memref_squeeze %dma_wait3A_23 : memref<1x1x80xi32, #tpu.memory_space<vmem>> -> memref<80xi32, #tpu.memory_space<vmem>>
        %dma_wait3A_25 = arith.constant 0 : i32
        %dma_wait3A_26 = arith.constant 0 : i32
        %dma_wait3A_27 = tpu.memref_slice %arg2[%dma_wait3A_25, %dma_wait3A_26] : memref<20480x128xf32, #tpu.memory_space<hbm>> -> memref<20480x128xf32, #tpu.memory_space<hbm>>
        tpu.wait_indirect_dma semaphore(%run_scoped3A_17 : memref<!tpu.dma_semaphore, #tpu.memory_space<semaphore_mem>>) src(%dma_wait3A_27 : memref<20480x128xf32, #tpu.memory_space<hbm>>) dst(%arg8 : memref<80x128xf32, #tpu.memory_space<vmem>>)
        tpu.yield
      }) : () -> ()
      %run_scoped3A_16 = arith.constant 0 : i32
      "tpu.region"() ({
        %run_scoped3A_17 = tpu.sem_alloc : memref<!tpu.dma_semaphore, #tpu.memory_space<semaphore_mem>>
        %dma_start3A = arith.constant 0 : i32
        %dma_start3A_18 = tpu.memref_slice %arg7[%scan3A_15, %run_scoped3A_16, %dma_start3A] : memref<125x1x80xi32, #tpu.memory_space<vmem>> -> memref<1x1x80xi32, #tpu.memory_space<vmem>>
        %dma_start3A_19 = tpu.memref_squeeze %dma_start3A_18 : memref<1x1x80xi32, #tpu.memory_space<vmem>> -> memref<80xi32, #tpu.memory_space<vmem>>
        %dma_start3A_20 = arith.constant 0 : i32
        %dma_start3A_21 = arith.constant 0 : i32
        %dma_start3A_22 = tpu.memref_slice %arg9[%dma_start3A_20, %dma_start3A_21] : memref<10240x128xf32, #tpu.memory_space<vmem_shared>> -> memref<10240x128xf32, #tpu.memory_space<vmem_shared>>
        tpu.enqueue_indirect_dma source(%arg8 : memref<80x128xf32, #tpu.memory_space<vmem>>) target(%dma_start3A_22 : memref<10240x128xf32, #tpu.memory_space<vmem_shared>>) offsets(%dma_start3A_19 : memref<80xi32, #tpu.memory_space<vmem>>) semaphore(%run_scoped3A_17 : memref<!tpu.dma_semaphore, #tpu.memory_space<semaphore_mem>>) {add = true}
        %dma_wait3A = arith.constant 0 : i32
        %dma_wait3A_23 = tpu.memref_slice %arg7[%scan3A_15, %run_scoped3A_16, %dma_wait3A] : memref<125x1x80xi32, #tpu.memory_space<vmem>> -> memref<1x1x80xi32, #tpu.memory_space<vmem>>
        %dma_wait3A_24 = tpu.memref_squeeze %dma_wait3A_23 : memref<1x1x80xi32, #tpu.memory_space<vmem>> -> memref<80xi32, #tpu.memory_space<vmem>>
        %dma_wait3A_25 = arith.constant 0 : i32
        %dma_wait3A_26 = arith.constant 0 : i32
        %dma_wait3A_27 = tpu.memref_slice %arg9[%dma_wait3A_25, %dma_wait3A_26] : memref<10240x128xf32, #tpu.memory_space<vmem_shared>> -> memref<10240x128xf32, #tpu.memory_space<vmem_shared>>
        tpu.wait_indirect_dma semaphore(%run_scoped3A_17 : memref<!tpu.dma_semaphore, #tpu.memory_space<semaphore_mem>>) src(%arg8 : memref<80x128xf32, #tpu.memory_space<vmem>>) dst(%dma_wait3A_27 : memref<10240x128xf32, #tpu.memory_space<vmem_shared>>)
        tpu.yield
      }) : () -> ()
    }
    %scan3A_9 = arith.constant 125 : i32
    %barrier3A_10 = arith.constant 0 : index
    tpu.barrier barrier_id(%barrier3A_10)
    %mul3A_11 = arith.constant 640 : i32
    %mul3A_12 = arith.muli %arg1, %mul3A_11 : i32
    %mul3A_13 = arith.constant 640 : i32
    %mul3A_14 = arith.muli %arg1, %mul3A_13 : i32
    "tpu.region"() ({
      %run_scoped3A = tpu.sem_alloc : memref<!tpu.dma_semaphore, #tpu.memory_space<semaphore_mem>>
      %dma_start3A = arith.constant 0 : i32
      %dma_start3A_15 = tpu.memref_slice %arg5[%arg0, %mul3A_14, %dma_start3A] : memref<2x10240x128xf32, #tpu.memory_space<hbm>> -> memref<1x640x128xf32, #tpu.memory_space<hbm>>
      %dma_start3A_16 = tpu.memref_squeeze %dma_start3A_15 : memref<1x640x128xf32, #tpu.memory_space<hbm>> -> memref<640x128xf32, #tpu.memory_space<hbm>>
      %dma_start3A_17 = arith.constant 0 : i32
      %dma_start3A_18 = tpu.memref_slice %arg9[%mul3A_12, %dma_start3A_17] : memref<10240x128xf32, #tpu.memory_space<vmem_shared>> -> memref<640x128xf32, #tpu.memory_space<vmem_shared>>
      tpu.enqueue_dma source(%dma_start3A_18 : memref<640x128xf32, #tpu.memory_space<vmem_shared>>) target(%dma_start3A_16 : memref<640x128xf32, #tpu.memory_space<hbm>>) target_semaphore(%run_scoped3A : memref<!tpu.dma_semaphore, #tpu.memory_space<semaphore_mem>>)
      %dma_wait3A = arith.constant 0 : i32
      %dma_wait3A_19 = tpu.memref_slice %arg5[%arg0, %mul3A_14, %dma_wait3A] : memref<2x10240x128xf32, #tpu.memory_space<hbm>> -> memref<1x640x128xf32, #tpu.memory_space<hbm>>
      %dma_wait3A_20 = tpu.memref_squeeze %dma_wait3A_19 : memref<1x640x128xf32, #tpu.memory_space<hbm>> -> memref<640x128xf32, #tpu.memory_space<hbm>>
      %dma_wait3A_21 = arith.constant 0 : i32
      %dma_wait3A_22 = tpu.memref_slice %arg9[%mul3A_12, %dma_wait3A_21] : memref<10240x128xf32, #tpu.memory_space<vmem_shared>> -> memref<640x128xf32, #tpu.memory_space<vmem_shared>>
      tpu.wait_dma2 semaphore(%run_scoped3A : memref<!tpu.dma_semaphore, #tpu.memory_space<semaphore_mem>>) src(%dma_wait3A_22 : memref<640x128xf32, #tpu.memory_space<vmem_shared>>) dst(%dma_wait3A_20 : memref<640x128xf32, #tpu.memory_space<hbm>>)
      tpu.yield
    }) : () -> ()
    return
  }
}

#map = affine_map<(d0, d1) -> (0, 0)>
#map1 = affine_map<(d0, d1) -> (0, 0, 0, 0, 0)>
#map2 = affine_map<(d0, d1) -> (0, 0, 0)>
module attributes {stable_mosaic.version = 14 : i64} {
  func.func @_sc_pass(%arg0: i32, %arg1: i32, %arg2: memref<20480x128xf32, #tpu.memory_space<hbm>>, %arg3: memref<2x16x125x1x80xi32, #tpu.memory_space<hbm>>, %arg4: memref<2x16x125x1x80xi32, #tpu.memory_space<hbm>>, %arg5: memref<2x10240x128xf32, #tpu.memory_space<hbm>>, %arg6: memref<125x1x80xi32, #tpu.memory_space<vmem>>, %arg7: memref<125x1x80xi32, #tpu.memory_space<vmem>>, %arg8: memref<80x128xf32, #tpu.memory_space<vmem>>, %arg9: memref<10240x128xf32, #tpu.memory_space<vmem_shared>>) attributes {dimension_semantics = [#tpu.dimension_semantics<core_parallel>, #tpu.dimension_semantics<subcore_parallel>], iteration_bounds = array<i64: 2, 16>, scalar_prefetch = 0 : i64, scratch_operands = 4 : i64, tpu.core_type = #tpu.core_type<sc_vector_subcore>, window_params = [{transform_indices = #map}, {transform_indices = #map1}, {transform_indices = #map1}, {transform_indices = #map2}]} {
    %mul3A = arith.constant 10240 : i32
    %mul3A_0 = arith.muli %arg0, %mul3A : i32
    %mul3A_1 = arith.constant 640 : i32
    %mul3A_2 = arith.muli %arg1, %mul3A_1 : i32
    %add3A = arith.addi %mul3A_0, %mul3A_2 : i32
    %mul3A_3 = arith.constant 640 : i32
    %mul3A_4 = arith.muli %arg1, %mul3A_3 : i32
    "tpu.region"() ({
      %run_scoped3A = tpu.sem_alloc : memref<!tpu.dma_semaphore, #tpu.memory_space<semaphore_mem>>
      %dma_start3A = arith.constant 0 : i32
      %dma_start3A_15 = tpu.memref_slice %arg9[%mul3A_4, %dma_start3A] : memref<10240x128xf32, #tpu.memory_space<vmem_shared>> -> memref<640x128xf32, #tpu.memory_space<vmem_shared>>
      %dma_start3A_16 = arith.constant 0 : i32
      %dma_start3A_17 = tpu.memref_slice %arg2[%add3A, %dma_start3A_16] : memref<20480x128xf32, #tpu.memory_space<hbm>> -> memref<640x128xf32, #tpu.memory_space<hbm>>
      tpu.enqueue_dma source(%dma_start3A_17 : memref<640x128xf32, #tpu.memory_space<hbm>>) target(%dma_start3A_15 : memref<640x128xf32, #tpu.memory_space<vmem_shared>>) target_semaphore(%run_scoped3A : memref<!tpu.dma_semaphore, #tpu.memory_space<semaphore_mem>>)
      %dma_wait3A = arith.constant 0 : i32
      %dma_wait3A_18 = tpu.memref_slice %arg9[%mul3A_4, %dma_wait3A] : memref<10240x128xf32, #tpu.memory_space<vmem_shared>> -> memref<640x128xf32, #tpu.memory_space<vmem_shared>>
      %dma_wait3A_19 = arith.constant 0 : i32
      %dma_wait3A_20 = tpu.memref_slice %arg2[%add3A, %dma_wait3A_19] : memref<20480x128xf32, #tpu.memory_space<hbm>> -> memref<640x128xf32, #tpu.memory_space<hbm>>
      tpu.wait_dma2 semaphore(%run_scoped3A : memref<!tpu.dma_semaphore, #tpu.memory_space<semaphore_mem>>) src(%dma_wait3A_20 : memref<640x128xf32, #tpu.memory_space<hbm>>) dst(%dma_wait3A_18 : memref<640x128xf32, #tpu.memory_space<vmem_shared>>)
      tpu.yield
    }) : () -> ()
    "tpu.region"() ({
      %run_scoped3A = tpu.sem_alloc : memref<!tpu.dma_semaphore, #tpu.memory_space<semaphore_mem>>
      %dma_start3A = arith.constant 0 : i32
      %dma_start3A_15 = arith.constant 0 : i32
      %dma_start3A_16 = arith.constant 0 : i32
      %dma_start3A_17 = tpu.memref_slice %arg3[%arg0, %arg1, %dma_start3A, %dma_start3A_15, %dma_start3A_16] : memref<2x16x125x1x80xi32, #tpu.memory_space<hbm>> -> memref<1x1x125x1x80xi32, #tpu.memory_space<hbm>>
      %dma_start3A_18 = tpu.memref_squeeze %dma_start3A_17 : memref<1x1x125x1x80xi32, #tpu.memory_space<hbm>> -> memref<125x1x80xi32, #tpu.memory_space<hbm>>
      %dma_start3A_19 = arith.constant 0 : i32
      %dma_start3A_20 = arith.constant 0 : i32
      %dma_start3A_21 = arith.constant 0 : i32
      %dma_start3A_22 = tpu.memref_slice %arg3[%arg0, %arg1, %dma_start3A_19, %dma_start3A_20, %dma_start3A_21] : memref<2x16x125x1x80xi32, #tpu.memory_space<hbm>> -> memref<1x1x125x1x80xi32, #tpu.memory_space<hbm>>
      %dma_start3A_23 = tpu.memref_squeeze %dma_start3A_22 : memref<1x1x125x1x80xi32, #tpu.memory_space<hbm>> -> memref<125x1x80xi32, #tpu.memory_space<hbm>>
      tpu.enqueue_dma source(%dma_start3A_23 : memref<125x1x80xi32, #tpu.memory_space<hbm>>) target(%arg6 : memref<125x1x80xi32, #tpu.memory_space<vmem>>) target_semaphore(%run_scoped3A : memref<!tpu.dma_semaphore, #tpu.memory_space<semaphore_mem>>)
      %dma_wait3A = arith.constant 0 : i32
      %dma_wait3A_24 = arith.constant 0 : i32
      %dma_wait3A_25 = arith.constant 0 : i32
      %dma_wait3A_26 = tpu.memref_slice %arg3[%arg0, %arg1, %dma_wait3A, %dma_wait3A_24, %dma_wait3A_25] : memref<2x16x125x1x80xi32, #tpu.memory_space<hbm>> -> memref<1x1x125x1x80xi32, #tpu.memory_space<hbm>>
      %dma_wait3A_27 = tpu.memref_squeeze %dma_wait3A_26 : memref<1x1x125x1x80xi32, #tpu.memory_space<hbm>> -> memref<125x1x80xi32, #tpu.memory_space<hbm>>
      %dma_wait3A_28 = arith.constant 0 : i32
      %dma_wait3A_29 = arith.constant 0 : i32
      %dma_wait3A_30 = arith.constant 0 : i32
      %dma_wait3A_31 = tpu.memref_slice %arg3[%arg0, %arg1, %dma_wait3A_28, %dma_wait3A_29, %dma_wait3A_30] : memref<2x16x125x1x80xi32, #tpu.memory_space<hbm>> -> memref<1x1x125x1x80xi32, #tpu.memory_space<hbm>>
      %dma_wait3A_32 = tpu.memref_squeeze %dma_wait3A_31 : memref<1x1x125x1x80xi32, #tpu.memory_space<hbm>> -> memref<125x1x80xi32, #tpu.memory_space<hbm>>
      tpu.wait_dma2 semaphore(%run_scoped3A : memref<!tpu.dma_semaphore, #tpu.memory_space<semaphore_mem>>) src(%dma_wait3A_32 : memref<125x1x80xi32, #tpu.memory_space<hbm>>) dst(%arg6 : memref<125x1x80xi32, #tpu.memory_space<vmem>>)
      tpu.yield
    }) : () -> ()
    "tpu.region"() ({
      %run_scoped3A = tpu.sem_alloc : memref<!tpu.dma_semaphore, #tpu.memory_space<semaphore_mem>>
      %dma_start3A = arith.constant 0 : i32
      %dma_start3A_15 = arith.constant 0 : i32
      %dma_start3A_16 = arith.constant 0 : i32
      %dma_start3A_17 = tpu.memref_slice %arg4[%arg0, %arg1, %dma_start3A, %dma_start3A_15, %dma_start3A_16] : memref<2x16x125x1x80xi32, #tpu.memory_space<hbm>> -> memref<1x1x125x1x80xi32, #tpu.memory_space<hbm>>
      %dma_start3A_18 = tpu.memref_squeeze %dma_start3A_17 : memref<1x1x125x1x80xi32, #tpu.memory_space<hbm>> -> memref<125x1x80xi32, #tpu.memory_space<hbm>>
      %dma_start3A_19 = arith.constant 0 : i32
      %dma_start3A_20 = arith.constant 0 : i32
      %dma_start3A_21 = arith.constant 0 : i32
      %dma_start3A_22 = tpu.memref_slice %arg4[%arg0, %arg1, %dma_start3A_19, %dma_start3A_20, %dma_start3A_21] : memref<2x16x125x1x80xi32, #tpu.memory_space<hbm>> -> memref<1x1x125x1x80xi32, #tpu.memory_space<hbm>>
      %dma_start3A_23 = tpu.memref_squeeze %dma_start3A_22 : memref<1x1x125x1x80xi32, #tpu.memory_space<hbm>> -> memref<125x1x80xi32, #tpu.memory_space<hbm>>
      tpu.enqueue_dma source(%dma_start3A_23 : memref<125x1x80xi32, #tpu.memory_space<hbm>>) target(%arg7 : memref<125x1x80xi32, #tpu.memory_space<vmem>>) target_semaphore(%run_scoped3A : memref<!tpu.dma_semaphore, #tpu.memory_space<semaphore_mem>>)
      %dma_wait3A = arith.constant 0 : i32
      %dma_wait3A_24 = arith.constant 0 : i32
      %dma_wait3A_25 = arith.constant 0 : i32
      %dma_wait3A_26 = tpu.memref_slice %arg4[%arg0, %arg1, %dma_wait3A, %dma_wait3A_24, %dma_wait3A_25] : memref<2x16x125x1x80xi32, #tpu.memory_space<hbm>> -> memref<1x1x125x1x80xi32, #tpu.memory_space<hbm>>
      %dma_wait3A_27 = tpu.memref_squeeze %dma_wait3A_26 : memref<1x1x125x1x80xi32, #tpu.memory_space<hbm>> -> memref<125x1x80xi32, #tpu.memory_space<hbm>>
      %dma_wait3A_28 = arith.constant 0 : i32
      %dma_wait3A_29 = arith.constant 0 : i32
      %dma_wait3A_30 = arith.constant 0 : i32
      %dma_wait3A_31 = tpu.memref_slice %arg4[%arg0, %arg1, %dma_wait3A_28, %dma_wait3A_29, %dma_wait3A_30] : memref<2x16x125x1x80xi32, #tpu.memory_space<hbm>> -> memref<1x1x125x1x80xi32, #tpu.memory_space<hbm>>
      %dma_wait3A_32 = tpu.memref_squeeze %dma_wait3A_31 : memref<1x1x125x1x80xi32, #tpu.memory_space<hbm>> -> memref<125x1x80xi32, #tpu.memory_space<hbm>>
      tpu.wait_dma2 semaphore(%run_scoped3A : memref<!tpu.dma_semaphore, #tpu.memory_space<semaphore_mem>>) src(%dma_wait3A_32 : memref<125x1x80xi32, #tpu.memory_space<hbm>>) dst(%arg7 : memref<125x1x80xi32, #tpu.memory_space<vmem>>)
      tpu.yield
    }) : () -> ()
    %barrier3A = arith.constant 0 : index
    tpu.barrier barrier_id(%barrier3A)
    %scan3A = arith.constant 0 : i32
    %scan3A_5 = arith.constant 0 : i32
    %scan3A_6 = arith.constant 125 : i32
    %scan3A_7 = arith.addi %scan3A_5, %scan3A_6 : i32
    %scan3A_8 = arith.constant 1 : i32
    scf.for %scan3A_15 = %scan3A_5 to %scan3A_7 step %scan3A_8  : i32 {
      %run_scoped3A = arith.constant 0 : i32
      "tpu.region"() ({
        %run_scoped3A_17 = tpu.sem_alloc : memref<!tpu.dma_semaphore, #tpu.memory_space<semaphore_mem>>
        %dma_start3A = arith.constant 0 : i32
        %dma_start3A_18 = tpu.memref_slice %arg6[%scan3A_15, %run_scoped3A, %dma_start3A] : memref<125x1x80xi32, #tpu.memory_space<vmem>> -> memref<1x1x80xi32, #tpu.memory_space<vmem>>
        %dma_start3A_19 = tpu.memref_squeeze %dma_start3A_18 : memref<1x1x80xi32, #tpu.memory_space<vmem>> -> memref<80xi32, #tpu.memory_space<vmem>>
        %dma_start3A_20 = arith.constant 0 : i32
        %dma_start3A_21 = arith.constant 0 : i32
        %dma_start3A_22 = tpu.memref_slice %arg2[%dma_start3A_20, %dma_start3A_21] : memref<20480x128xf32, #tpu.memory_space<hbm>> -> memref<20480x128xf32, #tpu.memory_space<hbm>>
        tpu.enqueue_indirect_dma source(%dma_start3A_22 : memref<20480x128xf32, #tpu.memory_space<hbm>>) target(%arg8 : memref<80x128xf32, #tpu.memory_space<vmem>>) offsets(%dma_start3A_19 : memref<80xi32, #tpu.memory_space<vmem>>) semaphore(%run_scoped3A_17 : memref<!tpu.dma_semaphore, #tpu.memory_space<semaphore_mem>>)
        %dma_wait3A = arith.constant 0 : i32
        %dma_wait3A_23 = tpu.memref_slice %arg6[%scan3A_15, %run_scoped3A, %dma_wait3A] : memref<125x1x80xi32, #tpu.memory_space<vmem>> -> memref<1x1x80xi32, #tpu.memory_space<vmem>>
        %dma_wait3A_24 = tpu.memref_squeeze %dma_wait3A_23 : memref<1x1x80xi32, #tpu.memory_space<vmem>> -> memref<80xi32, #tpu.memory_space<vmem>>
        %dma_wait3A_25 = arith.constant 0 : i32
        %dma_wait3A_26 = arith.constant 0 : i32
        %dma_wait3A_27 = tpu.memref_slice %arg2[%dma_wait3A_25, %dma_wait3A_26] : memref<20480x128xf32, #tpu.memory_space<hbm>> -> memref<20480x128xf32, #tpu.memory_space<hbm>>
        tpu.wait_indirect_dma semaphore(%run_scoped3A_17 : memref<!tpu.dma_semaphore, #tpu.memory_space<semaphore_mem>>) src(%dma_wait3A_27 : memref<20480x128xf32, #tpu.memory_space<hbm>>) dst(%arg8 : memref<80x128xf32, #tpu.memory_space<vmem>>)
        tpu.yield
      }) : () -> ()
      %run_scoped3A_16 = arith.constant 0 : i32
      "tpu.region"() ({
        %run_scoped3A_17 = tpu.sem_alloc : memref<!tpu.dma_semaphore, #tpu.memory_space<semaphore_mem>>
        %dma_start3A = arith.constant 0 : i32
        %dma_start3A_18 = tpu.memref_slice %arg7[%scan3A_15, %run_scoped3A_16, %dma_start3A] : memref<125x1x80xi32, #tpu.memory_space<vmem>> -> memref<1x1x80xi32, #tpu.memory_space<vmem>>
        %dma_start3A_19 = tpu.memref_squeeze %dma_start3A_18 : memref<1x1x80xi32, #tpu.memory_space<vmem>> -> memref<80xi32, #tpu.memory_space<vmem>>
        %dma_start3A_20 = arith.constant 0 : i32
        %dma_start3A_21 = arith.constant 0 : i32
        %dma_start3A_22 = tpu.memref_slice %arg9[%dma_start3A_20, %dma_start3A_21] : memref<10240x128xf32, #tpu.memory_space<vmem_shared>> -> memref<10240x128xf32, #tpu.memory_space<vmem_shared>>
        tpu.enqueue_indirect_dma source(%arg8 : memref<80x128xf32, #tpu.memory_space<vmem>>) target(%dma_start3A_22 : memref<10240x128xf32, #tpu.memory_space<vmem_shared>>) offsets(%dma_start3A_19 : memref<80xi32, #tpu.memory_space<vmem>>) semaphore(%run_scoped3A_17 : memref<!tpu.dma_semaphore, #tpu.memory_space<semaphore_mem>>) {add = true}
        %dma_wait3A = arith.constant 0 : i32
        %dma_wait3A_23 = tpu.memref_slice %arg7[%scan3A_15, %run_scoped3A_16, %dma_wait3A] : memref<125x1x80xi32, #tpu.memory_space<vmem>> -> memref<1x1x80xi32, #tpu.memory_space<vmem>>
        %dma_wait3A_24 = tpu.memref_squeeze %dma_wait3A_23 : memref<1x1x80xi32, #tpu.memory_space<vmem>> -> memref<80xi32, #tpu.memory_space<vmem>>
        %dma_wait3A_25 = arith.constant 0 : i32
        %dma_wait3A_26 = arith.constant 0 : i32
        %dma_wait3A_27 = tpu.memref_slice %arg9[%dma_wait3A_25, %dma_wait3A_26] : memref<10240x128xf32, #tpu.memory_space<vmem_shared>> -> memref<10240x128xf32, #tpu.memory_space<vmem_shared>>
        tpu.wait_indirect_dma semaphore(%run_scoped3A_17 : memref<!tpu.dma_semaphore, #tpu.memory_space<semaphore_mem>>) src(%arg8 : memref<80x128xf32, #tpu.memory_space<vmem>>) dst(%dma_wait3A_27 : memref<10240x128xf32, #tpu.memory_space<vmem_shared>>)
        tpu.yield
      }) : () -> ()
    }
    %scan3A_9 = arith.constant 125 : i32
    %barrier3A_10 = arith.constant 0 : index
    tpu.barrier barrier_id(%barrier3A_10)
    %mul3A_11 = arith.constant 640 : i32
    %mul3A_12 = arith.muli %arg1, %mul3A_11 : i32
    %mul3A_13 = arith.constant 640 : i32
    %mul3A_14 = arith.muli %arg1, %mul3A_13 : i32
    "tpu.region"() ({
      %run_scoped3A = tpu.sem_alloc : memref<!tpu.dma_semaphore, #tpu.memory_space<semaphore_mem>>
      %dma_start3A = arith.constant 0 : i32
      %dma_start3A_15 = tpu.memref_slice %arg5[%arg0, %mul3A_14, %dma_start3A] : memref<2x10240x128xf32, #tpu.memory_space<hbm>> -> memref<1x640x128xf32, #tpu.memory_space<hbm>>
      %dma_start3A_16 = tpu.memref_squeeze %dma_start3A_15 : memref<1x640x128xf32, #tpu.memory_space<hbm>> -> memref<640x128xf32, #tpu.memory_space<hbm>>
      %dma_start3A_17 = arith.constant 0 : i32
      %dma_start3A_18 = tpu.memref_slice %arg9[%mul3A_12, %dma_start3A_17] : memref<10240x128xf32, #tpu.memory_space<vmem_shared>> -> memref<640x128xf32, #tpu.memory_space<vmem_shared>>
      tpu.enqueue_dma source(%dma_start3A_18 : memref<640x128xf32, #tpu.memory_space<vmem_shared>>) target(%dma_start3A_16 : memref<640x128xf32, #tpu.memory_space<hbm>>) target_semaphore(%run_scoped3A : memref<!tpu.dma_semaphore, #tpu.memory_space<semaphore_mem>>)
      %dma_wait3A = arith.constant 0 : i32
      %dma_wait3A_19 = tpu.memref_slice %arg5[%arg0, %mul3A_14, %dma_wait3A] : memref<2x10240x128xf32, #tpu.memory_space<hbm>> -> memref<1x640x128xf32, #tpu.memory_space<hbm>>
      %dma_wait3A_20 = tpu.memref_squeeze %dma_wait3A_19 : memref<1x640x128xf32, #tpu.memory_space<hbm>> -> memref<640x128xf32, #tpu.memory_space<hbm>>
      %dma_wait3A_21 = arith.constant 0 : i32
      %dma_wait3A_22 = tpu.memref_slice %arg9[%mul3A_12, %dma_wait3A_21] : memref<10240x128xf32, #tpu.memory_space<vmem_shared>> -> memref<640x128xf32, #tpu.memory_space<vmem_shared>>
      tpu.wait_dma2 semaphore(%run_scoped3A : memref<!tpu.dma_semaphore, #tpu.memory_space<semaphore_mem>>) src(%dma_wait3A_22 : memref<640x128xf32, #tpu.memory_space<vmem_shared>>) dst(%dma_wait3A_20 : memref<640x128xf32, #tpu.memory_space<hbm>>)
      tpu.yield
    }) : () -> ()
    return
  }
}

module attributes {stable_mosaic.version = 14 : i64} {
  func.func @_tc1_body(%arg0: i32, %arg1: memref<2000x256xf32, #tpu.memory_space<vmem>>, %arg2: memref<2000x2xf32, #tpu.memory_space<vmem>>, %arg3: memref<256x256xf32, #tpu.memory_space<vmem>>, %arg4: memref<2x2000x128xf32, #tpu.memory_space<vmem>>) attributes {dimension_semantics = [#tpu.dimension_semantics<arbitrary>], iteration_bounds = array<i64: 5>, scalar_prefetch = 0 : i64, scratch_operands = 0 : i64, tpu.core_type = #tpu.core_type<tc>, window_params = [{transform_indices = @transform_0, window_bounds = array<i64: 2000, 256>}, {transform_indices = @transform_1, window_bounds = array<i64: 2000, 2>}, {pipeline_mode = #tpu.pipeline_mode<synchronous>, transform_indices = @transform_2, window_bounds = array<i64: 256, 256>}, {transform_indices = @transform_3, window_bounds = array<i64: 2, 2000, 128>}]} {
    %get3A = arith.constant 0 : index
    %get3A_0 = arith.constant 0 : index
    %get3A_1 = vector.load %arg2[%get3A, %get3A_0] : memref<2000x2xf32, #tpu.memory_space<vmem>>, vector<2000x2xf32>
    %slice3A = vector.extract_strided_slice %get3A_1 {offsets = [0, 0], sizes = [2000, 1], strides = [1, 1]} : vector<2000x2xf32> to vector<2000x1xf32>
    %slice3A_2 = vector.extract_strided_slice %get3A_1 {offsets = [0, 1], sizes = [2000, 1], strides = [1, 1]} : vector<2000x2xf32> to vector<2000x1xf32>
    %add3A = arith.addf %slice3A, %slice3A_2 : vector<2000x1xf32>
    %add3A_3 = arith.constant 1.000000e+00 : f32
    %add3A_4 = vector.broadcast %add3A_3 : f32 to vector<2000x1xf32>
    %add3A_5 = arith.addf %add3A, %add3A_4 : vector<2000x1xf32>
    %rsqrt3A = math.rsqrt %add3A_5 : vector<2000x1xf32>
    %get3A_6 = arith.constant 0 : index
    %get3A_7 = arith.constant 0 : index
    %get3A_8 = vector.load %arg1[%get3A_6, %get3A_7] : memref<2000x256xf32, #tpu.memory_space<vmem>>, vector<2000x256xf32>
    %get3A_9 = arith.constant 0 : index
    %get3A_10 = arith.constant 0 : index
    %get3A_11 = vector.load %arg3[%get3A_9, %get3A_10] : memref<256x256xf32, #tpu.memory_space<vmem>>, vector<256x256xf32>
    %dot_general3A = arith.constant dense<0.000000e+00> : vector<2000x256xf32>
    %dot_general3A_12 = tpu.matmul %get3A_8, %get3A_11, %dot_general3A {dimension_numbers = #tpu.dot_dimension_numbers<[1], [0], [0], [1], [0, 0, 1, 1], [], []>, precision = #tpu.contract_precision<fp32>, transpose_lhs_hint = false} : vector<2000x256xf32>, vector<256x256xf32>, vector<2000x256xf32> -> vector<2000x256xf32>
    %mul3A = vector.broadcast %rsqrt3A : vector<2000x1xf32> to vector<2000x256xf32>
    %mul3A_13 = arith.mulf %mul3A, %dot_general3A_12 : vector<2000x256xf32>
    %slice3A_14 = vector.extract_strided_slice %mul3A_13 {offsets = [0, 0], sizes = [2000, 128], strides = [1, 1]} : vector<2000x256xf32> to vector<2000x128xf32>
    %swap3A = arith.constant 0 : index
    %swap3A_15 = arith.constant 0 : index
    %swap3A_16 = arith.constant 0 : index
    %swap3A_17 = vector.load %arg4[%swap3A, %swap3A_15, %swap3A_16] : memref<2x2000x128xf32, #tpu.memory_space<vmem>>, vector<1x2000x128xf32>
    %swap3A_18 = vector.shape_cast %swap3A_17 : vector<1x2000x128xf32> to vector<2000x128xf32>
    %swap3A_19 = vector.shape_cast %slice3A_14 : vector<2000x128xf32> to vector<1x2000x128xf32>
    tpu.vector_store %arg4[%swap3A, %swap3A_15, %swap3A_16], %swap3A_19 {strides = array<i32>} : memref<2x2000x128xf32, #tpu.memory_space<vmem>>, vector<1x2000x128xf32>,
    %slice3A_20 = vector.extract_strided_slice %mul3A_13 {offsets = [0, 128], sizes = [2000, 128], strides = [1, 1]} : vector<2000x256xf32> to vector<2000x128xf32>
    %swap3A_21 = arith.constant 1 : index
    %swap3A_22 = arith.constant 0 : index
    %swap3A_23 = arith.constant 0 : index
    %swap3A_24 = vector.load %arg4[%swap3A_21, %swap3A_22, %swap3A_23] : memref<2x2000x128xf32, #tpu.memory_space<vmem>>, vector<1x2000x128xf32>
    %swap3A_25 = vector.shape_cast %swap3A_24 : vector<1x2000x128xf32> to vector<2000x128xf32>
    %swap3A_26 = vector.shape_cast %slice3A_20 : vector<2000x128xf32> to vector<1x2000x128xf32>
    tpu.vector_store %arg4[%swap3A_21, %swap3A_22, %swap3A_23], %swap3A_26 {strides = array<i32>} : memref<2x2000x128xf32, #tpu.memory_space<vmem>>, vector<1x2000x128xf32>,
    return
  }
  func.func @transform_0(%arg0: i32) -> (i32, i32) {
    %c0_i32 = arith.constant 0 : i32
    %c0_i32_0 = arith.constant 0 : i32
    return %arg0, %c0_i32 : i32, i32
  }
  func.func @transform_1(%arg0: i32) -> (i32, i32) {
    %c0_i32 = arith.constant 0 : i32
    %c0_i32_0 = arith.constant 0 : i32
    return %arg0, %c0_i32 : i32, i32
  }
  func.func @transform_2(%arg0: i32) -> (i32, i32) {
    %c0_i32 = arith.constant 0 : i32
    %c0_i32_0 = arith.constant 0 : i32
    %c0_i32_1 = arith.constant 0 : i32
    return %c0_i32, %c0_i32_0 : i32, i32
  }
  func.func @transform_3(%arg0: i32) -> (i32, i32, i32) {
    %c0_i32 = arith.constant 0 : i32
    %c0_i32_0 = arith.constant 0 : i32
    %c0_i32_1 = arith.constant 0 : i32
    return %c0_i32, %arg0, %c0_i32_0 : i32, i32, i32
  }
}

module attributes {stable_mosaic.version = 14 : i64} {
  func.func @_tc2_body(%arg0: i32, %arg1: memref<2x2000x128xf32, #tpu.memory_space<vmem>>, %arg2: memref<2000x2xf32, #tpu.memory_space<vmem>>, %arg3: memref<1x256xf32, #tpu.memory_space<vmem>>, %arg4: memref<256x256xf32, #tpu.memory_space<vmem>>, %arg5: memref<2x2000x128xf32, #tpu.memory_space<vmem>>) attributes {dimension_semantics = [#tpu.dimension_semantics<arbitrary>], iteration_bounds = array<i64: 5>, scalar_prefetch = 0 : i64, scratch_operands = 0 : i64, tpu.core_type = #tpu.core_type<tc>, window_params = [{transform_indices = @transform_0, window_bounds = array<i64: 2, 2000, 128>}, {transform_indices = @transform_1, window_bounds = array<i64: 2000, 2>}, {pipeline_mode = #tpu.pipeline_mode<synchronous>, transform_indices = @transform_2, window_bounds = array<i64: 1, 256>}, {pipeline_mode = #tpu.pipeline_mode<synchronous>, transform_indices = @transform_3, window_bounds = array<i64: 256, 256>}, {transform_indices = @transform_4, window_bounds = array<i64: 2, 2000, 128>}]} {
    %get3A = arith.constant 0 : index
    %get3A_0 = arith.constant 0 : index
    %get3A_1 = vector.load %arg2[%get3A, %get3A_0] : memref<2000x2xf32, #tpu.memory_space<vmem>>, vector<2000x2xf32>
    %slice3A = vector.extract_strided_slice %get3A_1 {offsets = [0, 0], sizes = [2000, 1], strides = [1, 1]} : vector<2000x2xf32> to vector<2000x1xf32>
    %slice3A_2 = vector.extract_strided_slice %get3A_1 {offsets = [0, 1], sizes = [2000, 1], strides = [1, 1]} : vector<2000x2xf32> to vector<2000x1xf32>
    %add3A = arith.addf %slice3A, %slice3A_2 : vector<2000x1xf32>
    %add3A_3 = arith.constant 1.000000e+00 : f32
    %add3A_4 = vector.broadcast %add3A_3 : f32 to vector<2000x1xf32>
    %add3A_5 = arith.addf %add3A, %add3A_4 : vector<2000x1xf32>
    %rsqrt3A = math.rsqrt %add3A_5 : vector<2000x1xf32>
    %get3A_6 = arith.constant 0 : index
    %get3A_7 = arith.constant 0 : index
    %get3A_8 = arith.constant 0 : index
    %get3A_9 = vector.load %arg1[%get3A_6, %get3A_7, %get3A_8] : memref<2x2000x128xf32, #tpu.memory_space<vmem>>, vector<1x2000x128xf32>
    %get3A_10 = vector.shape_cast %get3A_9 : vector<1x2000x128xf32> to vector<2000x128xf32>
    %get3A_11 = arith.constant 1 : index
    %get3A_12 = arith.constant 0 : index
    %get3A_13 = arith.constant 0 : index
    %get3A_14 = vector.load %arg1[%get3A_11, %get3A_12, %get3A_13] : memref<2x2000x128xf32, #tpu.memory_space<vmem>>, vector<1x2000x128xf32>
    %get3A_15 = vector.shape_cast %get3A_14 : vector<1x2000x128xf32> to vector<2000x128xf32>
    %concatenate3A = tpu.concatenate %get3A_10, %get3A_15 in 1 : vector<2000x128xf32>, vector<2000x128xf32> -> vector<2000x256xf32>
    %mul3A = vector.broadcast %rsqrt3A : vector<2000x1xf32> to vector<2000x256xf32>
    %mul3A_16 = arith.mulf %mul3A, %concatenate3A : vector<2000x256xf32>
    %get3A_17 = arith.constant 0 : index
    %get3A_18 = arith.constant 0 : index
    %get3A_19 = vector.load %arg3[%get3A_17, %get3A_18] : memref<1x256xf32, #tpu.memory_space<vmem>>, vector<1x256xf32>
    %add3A_20 = vector.broadcast %get3A_19 : vector<1x256xf32> to vector<2000x256xf32>
    %add3A_21 = arith.addf %mul3A_16, %add3A_20 : vector<2000x256xf32>
    %max3A = arith.constant 0.000000e+00 : f32
    %max3A_22 = vector.broadcast %max3A : f32 to vector<2000x256xf32>
    %max3A_23 = arith.maximumf %add3A_21, %max3A_22 : vector<2000x256xf32>
    %get3A_24 = arith.constant 0 : index
    %get3A_25 = arith.constant 0 : index
    %get3A_26 = vector.load %arg4[%get3A_24, %get3A_25] : memref<256x256xf32, #tpu.memory_space<vmem>>, vector<256x256xf32>
    %dot_general3A = arith.constant dense<0.000000e+00> : vector<2000x256xf32>
    %dot_general3A_27 = tpu.matmul %max3A_23, %get3A_26, %dot_general3A {dimension_numbers = #tpu.dot_dimension_numbers<[1], [0], [0], [1], [0, 0, 1, 1], [], []>, precision = #tpu.contract_precision<fp32>, transpose_lhs_hint = false} : vector<2000x256xf32>, vector<256x256xf32>, vector<2000x256xf32> -> vector<2000x256xf32>
    %mul3A_28 = vector.broadcast %rsqrt3A : vector<2000x1xf32> to vector<2000x256xf32>
    %mul3A_29 = arith.mulf %mul3A_28, %dot_general3A_27 : vector<2000x256xf32>
    %slice3A_30 = vector.extract_strided_slice %mul3A_29 {offsets = [0, 0], sizes = [2000, 128], strides = [1, 1]} : vector<2000x256xf32> to vector<2000x128xf32>
    %swap3A = arith.constant 0 : index
    %swap3A_31 = arith.constant 0 : index
    %swap3A_32 = arith.constant 0 : index
    %swap3A_33 = vector.load %arg5[%swap3A, %swap3A_31, %swap3A_32] : memref<2x2000x128xf32, #tpu.memory_space<vmem>>, vector<1x2000x128xf32>
    %swap3A_34 = vector.shape_cast %swap3A_33 : vector<1x2000x128xf32> to vector<2000x128xf32>
    %swap3A_35 = vector.shape_cast %slice3A_30 : vector<2000x128xf32> to vector<1x2000x128xf32>
    tpu.vector_store %arg5[%swap3A, %swap3A_31, %swap3A_32], %swap3A_35 {strides = array<i32>} : memref<2x2000x128xf32, #tpu.memory_space<vmem>>, vector<1x2000x128xf32>,
    %slice3A_36 = vector.extract_strided_slice %mul3A_29 {offsets = [0, 128], sizes = [2000, 128], strides = [1, 1]} : vector<2000x256xf32> to vector<2000x128xf32>
    %swap3A_37 = arith.constant 1 : index
    %swap3A_38 = arith.constant 0 : index
    %swap3A_39 = arith.constant 0 : index
    %swap3A_40 = vector.load %arg5[%swap3A_37, %swap3A_38, %swap3A_39] : memref<2x2000x128xf32, #tpu.memory_space<vmem>>, vector<1x2000x128xf32>
    %swap3A_41 = vector.shape_cast %swap3A_40 : vector<1x2000x128xf32> to vector<2000x128xf32>
    %swap3A_42 = vector.shape_cast %slice3A_36 : vector<2000x128xf32> to vector<1x2000x128xf32>
    tpu.vector_store %arg5[%swap3A_37, %swap3A_38, %swap3A_39], %swap3A_42 {strides = array<i32>} : memref<2x2000x128xf32, #tpu.memory_space<vmem>>, vector<1x2000x128xf32>,
    return
  }
  func.func @transform_0(%arg0: i32) -> (i32, i32, i32) {
    %c0_i32 = arith.constant 0 : i32
    %c0_i32_0 = arith.constant 0 : i32
    %c0_i32_1 = arith.constant 0 : i32
    return %c0_i32, %arg0, %c0_i32_0 : i32, i32, i32
  }
  func.func @transform_1(%arg0: i32) -> (i32, i32) {
    %c0_i32 = arith.constant 0 : i32
    %c0_i32_0 = arith.constant 0 : i32
    return %arg0, %c0_i32 : i32, i32
  }
  func.func @transform_2(%arg0: i32) -> (i32, i32) {
    %c0_i32 = arith.constant 0 : i32
    %c0_i32_0 = arith.constant 0 : i32
    %c0_i32_1 = arith.constant 0 : i32
    return %c0_i32, %c0_i32_0 : i32, i32
  }
  func.func @transform_3(%arg0: i32) -> (i32, i32) {
    %c0_i32 = arith.constant 0 : i32
    %c0_i32_0 = arith.constant 0 : i32
    %c0_i32_1 = arith.constant 0 : i32
    return %c0_i32, %c0_i32_0 : i32, i32
  }
  func.func @transform_4(%arg0: i32) -> (i32, i32, i32) {
    %c0_i32 = arith.constant 0 : i32
    %c0_i32_0 = arith.constant 0 : i32
    %c0_i32_1 = arith.constant 0 : i32
    return %c0_i32, %arg0, %c0_i32_0 : i32, i32, i32
  }
}

module attributes {stable_mosaic.version = 14 : i64} {
  func.func @_tc3_body(%arg0: i32, %arg1: memref<2x2000x128xf32, #tpu.memory_space<vmem>>, %arg2: memref<2000x2xf32, #tpu.memory_space<vmem>>, %arg3: memref<1x256xf32, #tpu.memory_space<vmem>>, %arg4: memref<256x64xf32, #tpu.memory_space<vmem>>, %arg5: memref<256x64xf32, #tpu.memory_space<vmem>>, %arg6: memref<2x2000x128xf32, #tpu.memory_space<vmem>>) attributes {dimension_semantics = [#tpu.dimension_semantics<arbitrary>], iteration_bounds = array<i64: 5>, scalar_prefetch = 0 : i64, scratch_operands = 0 : i64, tpu.core_type = #tpu.core_type<tc>, window_params = [{transform_indices = @transform_0, window_bounds = array<i64: 2, 2000, 128>}, {transform_indices = @transform_1, window_bounds = array<i64: 2000, 2>}, {pipeline_mode = #tpu.pipeline_mode<synchronous>, transform_indices = @transform_2, window_bounds = array<i64: 1, 256>}, {pipeline_mode = #tpu.pipeline_mode<synchronous>, transform_indices = @transform_3, window_bounds = array<i64: 256, 64>}, {pipeline_mode = #tpu.pipeline_mode<synchronous>, transform_indices = @transform_4, window_bounds = array<i64: 256, 64>}, {transform_indices = @transform_5, window_bounds = array<i64: 2, 2000, 128>}]} {
    %get3A = arith.constant 0 : index
    %get3A_0 = arith.constant 0 : index
    %get3A_1 = vector.load %arg2[%get3A, %get3A_0] : memref<2000x2xf32, #tpu.memory_space<vmem>>, vector<2000x2xf32>
    %slice3A = vector.extract_strided_slice %get3A_1 {offsets = [0, 0], sizes = [2000, 1], strides = [1, 1]} : vector<2000x2xf32> to vector<2000x1xf32>
    %slice3A_2 = vector.extract_strided_slice %get3A_1 {offsets = [0, 1], sizes = [2000, 1], strides = [1, 1]} : vector<2000x2xf32> to vector<2000x1xf32>
    %add3A = arith.addf %slice3A, %slice3A_2 : vector<2000x1xf32>
    %add3A_3 = arith.constant 1.000000e+00 : f32
    %add3A_4 = vector.broadcast %add3A_3 : f32 to vector<2000x1xf32>
    %add3A_5 = arith.addf %add3A, %add3A_4 : vector<2000x1xf32>
    %rsqrt3A = math.rsqrt %add3A_5 : vector<2000x1xf32>
    %get3A_6 = arith.constant 0 : index
    %get3A_7 = arith.constant 0 : index
    %get3A_8 = arith.constant 0 : index
    %get3A_9 = vector.load %arg1[%get3A_6, %get3A_7, %get3A_8] : memref<2x2000x128xf32, #tpu.memory_space<vmem>>, vector<1x2000x128xf32>
    %get3A_10 = vector.shape_cast %get3A_9 : vector<1x2000x128xf32> to vector<2000x128xf32>
    %get3A_11 = arith.constant 1 : index
    %get3A_12 = arith.constant 0 : index
    %get3A_13 = arith.constant 0 : index
    %get3A_14 = vector.load %arg1[%get3A_11, %get3A_12, %get3A_13] : memref<2x2000x128xf32, #tpu.memory_space<vmem>>, vector<1x2000x128xf32>
    %get3A_15 = vector.shape_cast %get3A_14 : vector<1x2000x128xf32> to vector<2000x128xf32>
    %concatenate3A = tpu.concatenate %get3A_10, %get3A_15 in 1 : vector<2000x128xf32>, vector<2000x128xf32> -> vector<2000x256xf32>
    %mul3A = vector.broadcast %rsqrt3A : vector<2000x1xf32> to vector<2000x256xf32>
    %mul3A_16 = arith.mulf %mul3A, %concatenate3A : vector<2000x256xf32>
    %get3A_17 = arith.constant 0 : index
    %get3A_18 = arith.constant 0 : index
    %get3A_19 = vector.load %arg3[%get3A_17, %get3A_18] : memref<1x256xf32, #tpu.memory_space<vmem>>, vector<1x256xf32>
    %add3A_20 = vector.broadcast %get3A_19 : vector<1x256xf32> to vector<2000x256xf32>
    %add3A_21 = arith.addf %mul3A_16, %add3A_20 : vector<2000x256xf32>
    %max3A = arith.constant 0.000000e+00 : f32
    %max3A_22 = vector.broadcast %max3A : f32 to vector<2000x256xf32>
    %max3A_23 = arith.maximumf %add3A_21, %max3A_22 : vector<2000x256xf32>
    %get3A_24 = arith.constant 0 : index
    %get3A_25 = arith.constant 0 : index
    %get3A_26 = vector.load %arg4[%get3A_24, %get3A_25] : memref<256x64xf32, #tpu.memory_space<vmem>>, vector<256x64xf32>
    %dot_general3A = arith.constant dense<0.000000e+00> : vector<2000x64xf32>
    %dot_general3A_27 = tpu.matmul %max3A_23, %get3A_26, %dot_general3A {dimension_numbers = #tpu.dot_dimension_numbers<[1], [0], [0], [1], [0, 0, 1, 1], [], []>, precision = #tpu.contract_precision<fp32>, transpose_lhs_hint = false} : vector<2000x256xf32>, vector<256x64xf32>, vector<2000x64xf32> -> vector<2000x64xf32>
    %mul3A_28 = vector.broadcast %rsqrt3A : vector<2000x1xf32> to vector<2000x64xf32>
    %mul3A_29 = arith.mulf %mul3A_28, %dot_general3A_27 : vector<2000x64xf32>
    %get3A_30 = arith.constant 0 : index
    %get3A_31 = arith.constant 0 : index
    %get3A_32 = vector.load %arg5[%get3A_30, %get3A_31] : memref<256x64xf32, #tpu.memory_space<vmem>>, vector<256x64xf32>
    %dot_general3A_33 = arith.constant dense<0.000000e+00> : vector<2000x64xf32>
    %dot_general3A_34 = tpu.matmul %max3A_23, %get3A_32, %dot_general3A_33 {dimension_numbers = #tpu.dot_dimension_numbers<[1], [0], [0], [1], [0, 0, 1, 1], [], []>, precision = #tpu.contract_precision<fp32>, transpose_lhs_hint = false} : vector<2000x256xf32>, vector<256x64xf32>, vector<2000x64xf32> -> vector<2000x64xf32>
    %mul3A_35 = vector.broadcast %rsqrt3A : vector<2000x1xf32> to vector<2000x64xf32>
    %mul3A_36 = arith.mulf %mul3A_35, %dot_general3A_34 : vector<2000x64xf32>
    %concatenate3A_37 = tpu.concatenate %mul3A_29, %mul3A_36 in 1 : vector<2000x64xf32>, vector<2000x64xf32> -> vector<2000x128xf32>
    %swap3A = arith.constant 0 : index
    %swap3A_38 = arith.constant 0 : index
    %swap3A_39 = arith.constant 0 : index
    %swap3A_40 = vector.load %arg6[%swap3A, %swap3A_38, %swap3A_39] : memref<2x2000x128xf32, #tpu.memory_space<vmem>>, vector<1x2000x128xf32>
    %swap3A_41 = vector.shape_cast %swap3A_40 : vector<1x2000x128xf32> to vector<2000x128xf32>
    %swap3A_42 = vector.shape_cast %concatenate3A_37 : vector<2000x128xf32> to vector<1x2000x128xf32>
    tpu.vector_store %arg6[%swap3A, %swap3A_38, %swap3A_39], %swap3A_42 {strides = array<i32>} : memref<2x2000x128xf32, #tpu.memory_space<vmem>>, vector<1x2000x128xf32>,
    %broadcast_in_dim3A = arith.constant 0.000000e+00 : f32
    %broadcast_in_dim3A_43 = vector.broadcast %broadcast_in_dim3A : f32 to vector<2000x128xf32>
    %swap3A_44 = arith.constant 1 : index
    %swap3A_45 = arith.constant 0 : index
    %swap3A_46 = arith.constant 0 : index
    %swap3A_47 = vector.load %arg6[%swap3A_44, %swap3A_45, %swap3A_46] : memref<2x2000x128xf32, #tpu.memory_space<vmem>>, vector<1x2000x128xf32>
    %swap3A_48 = vector.shape_cast %swap3A_47 : vector<1x2000x128xf32> to vector<2000x128xf32>
    %swap3A_49 = vector.shape_cast %broadcast_in_dim3A_43 : vector<2000x128xf32> to vector<1x2000x128xf32>
    tpu.vector_store %arg6[%swap3A_44, %swap3A_45, %swap3A_46], %swap3A_49 {strides = array<i32>} : memref<2x2000x128xf32, #tpu.memory_space<vmem>>, vector<1x2000x128xf32>,
    return
  }
  func.func @transform_0(%arg0: i32) -> (i32, i32, i32) {
    %c0_i32 = arith.constant 0 : i32
    %c0_i32_0 = arith.constant 0 : i32
    %c0_i32_1 = arith.constant 0 : i32
    return %c0_i32, %arg0, %c0_i32_0 : i32, i32, i32
  }
  func.func @transform_1(%arg0: i32) -> (i32, i32) {
    %c0_i32 = arith.constant 0 : i32
    %c0_i32_0 = arith.constant 0 : i32
    return %arg0, %c0_i32 : i32, i32
  }
  func.func @transform_2(%arg0: i32) -> (i32, i32) {
    %c0_i32 = arith.constant 0 : i32
    %c0_i32_0 = arith.constant 0 : i32
    %c0_i32_1 = arith.constant 0 : i32
    return %c0_i32, %c0_i32_0 : i32, i32
  }
  func.func @transform_3(%arg0: i32) -> (i32, i32) {
    %c0_i32 = arith.constant 0 : i32
    %c0_i32_0 = arith.constant 0 : i32
    %c0_i32_1 = arith.constant 0 : i32
    return %c0_i32, %c0_i32_0 : i32, i32
  }
  func.func @transform_4(%arg0: i32) -> (i32, i32) {
    %c0_i32 = arith.constant 0 : i32
    %c0_i32_0 = arith.constant 0 : i32
    %c0_i32_1 = arith.constant 0 : i32
    return %c0_i32, %c0_i32_0 : i32, i32
  }
  func.func @transform_5(%arg0: i32) -> (i32, i32, i32) {
    %c0_i32 = arith.constant 0 : i32
    %c0_i32_0 = arith.constant 0 : i32
    %c0_i32_1 = arith.constant 0 : i32
    return %c0_i32, %arg0, %c0_i32_0 : i32, i32, i32
  }
}

module attributes {stable_mosaic.version = 14 : i64} {
  func.func @_tc4_body(%arg0: i32, %arg1: memref<2x2000x128xf32, #tpu.memory_space<vmem>>, %arg2: memref<2000x2xf32, #tpu.memory_space<vmem>>, %arg3: memref<1x64xf32, #tpu.memory_space<vmem>>, %arg4: memref<1x64xf32, #tpu.memory_space<vmem>>, %arg5: memref<2000x64xf32, #tpu.memory_space<vmem>>, %arg6: memref<2000x64xf32, #tpu.memory_space<vmem>>) attributes {dimension_semantics = [#tpu.dimension_semantics<arbitrary>], iteration_bounds = array<i64: 5>, scalar_prefetch = 0 : i64, scratch_operands = 0 : i64, tpu.core_type = #tpu.core_type<tc>, window_params = [{transform_indices = @transform_0, window_bounds = array<i64: 2, 2000, 128>}, {transform_indices = @transform_1, window_bounds = array<i64: 2000, 2>}, {pipeline_mode = #tpu.pipeline_mode<synchronous>, transform_indices = @transform_2, window_bounds = array<i64: 1, 64>}, {pipeline_mode = #tpu.pipeline_mode<synchronous>, transform_indices = @transform_3, window_bounds = array<i64: 1, 64>}, {transform_indices = @transform_4, window_bounds = array<i64: 2000, 64>}, {transform_indices = @transform_5, window_bounds = array<i64: 2000, 64>}]} {
    %get3A = arith.constant 0 : index
    %get3A_0 = arith.constant 0 : index
    %get3A_1 = vector.load %arg2[%get3A, %get3A_0] : memref<2000x2xf32, #tpu.memory_space<vmem>>, vector<2000x2xf32>
    %slice3A = vector.extract_strided_slice %get3A_1 {offsets = [0, 0], sizes = [2000, 1], strides = [1, 1]} : vector<2000x2xf32> to vector<2000x1xf32>
    %slice3A_2 = vector.extract_strided_slice %get3A_1 {offsets = [0, 1], sizes = [2000, 1], strides = [1, 1]} : vector<2000x2xf32> to vector<2000x1xf32>
    %add3A = arith.addf %slice3A, %slice3A_2 : vector<2000x1xf32>
    %add3A_3 = arith.constant 1.000000e+00 : f32
    %add3A_4 = vector.broadcast %add3A_3 : f32 to vector<2000x1xf32>
    %add3A_5 = arith.addf %add3A, %add3A_4 : vector<2000x1xf32>
    %rsqrt3A = math.rsqrt %add3A_5 : vector<2000x1xf32>
    %get3A_6 = arith.constant 0 : index
    %get3A_7 = arith.constant 0 : index
    %get3A_8 = arith.constant 0 : index
    %get3A_9 = vector.load %arg1[%get3A_6, %get3A_7, %get3A_8] : memref<2x2000x128xf32, #tpu.memory_space<vmem>>, vector<1x2000x128xf32>
    %get3A_10 = vector.shape_cast %get3A_9 : vector<1x2000x128xf32> to vector<2000x128xf32>
    %get3A_11 = arith.constant 1 : index
    %get3A_12 = arith.constant 0 : index
    %get3A_13 = arith.constant 0 : index
    %get3A_14 = vector.load %arg1[%get3A_11, %get3A_12, %get3A_13] : memref<2x2000x128xf32, #tpu.memory_space<vmem>>, vector<1x2000x128xf32>
    %get3A_15 = vector.shape_cast %get3A_14 : vector<1x2000x128xf32> to vector<2000x128xf32>
    %add3A_16 = arith.addf %get3A_10, %get3A_15 : vector<2000x128xf32>
    %slice3A_17 = vector.extract_strided_slice %add3A_16 {offsets = [0, 0], sizes = [2000, 64], strides = [1, 1]} : vector<2000x128xf32> to vector<2000x64xf32>
    %mul3A = vector.broadcast %rsqrt3A : vector<2000x1xf32> to vector<2000x64xf32>
    %mul3A_18 = arith.mulf %mul3A, %slice3A_17 : vector<2000x64xf32>
    %get3A_19 = arith.constant 0 : index
    %get3A_20 = arith.constant 0 : index
    %get3A_21 = vector.load %arg3[%get3A_19, %get3A_20] : memref<1x64xf32, #tpu.memory_space<vmem>>, vector<1x64xf32>
    %add3A_22 = vector.broadcast %get3A_21 : vector<1x64xf32> to vector<2000x64xf32>
    %add3A_23 = arith.addf %mul3A_18, %add3A_22 : vector<2000x64xf32>
    %swap3A = arith.constant 0 : index
    %swap3A_24 = arith.constant 0 : index
    %swap3A_25 = vector.load %arg5[%swap3A, %swap3A_24] : memref<2000x64xf32, #tpu.memory_space<vmem>>, vector<2000x64xf32>
    tpu.vector_store %arg5[%swap3A, %swap3A_24], %add3A_23 {strides = array<i32>} : memref<2000x64xf32, #tpu.memory_space<vmem>>, vector<2000x64xf32>,
    %slice3A_26 = vector.extract_strided_slice %add3A_16 {offsets = [0, 64], sizes = [2000, 64], strides = [1, 1]} : vector<2000x128xf32> to vector<2000x64xf32>
    %mul3A_27 = vector.broadcast %rsqrt3A : vector<2000x1xf32> to vector<2000x64xf32>
    %mul3A_28 = arith.mulf %mul3A_27, %slice3A_26 : vector<2000x64xf32>
    %get3A_29 = arith.constant 0 : index
    %get3A_30 = arith.constant 0 : index
    %get3A_31 = vector.load %arg4[%get3A_29, %get3A_30] : memref<1x64xf32, #tpu.memory_space<vmem>>, vector<1x64xf32>
    %add3A_32 = vector.broadcast %get3A_31 : vector<1x64xf32> to vector<2000x64xf32>
    %add3A_33 = arith.addf %mul3A_28, %add3A_32 : vector<2000x64xf32>
    %swap3A_34 = arith.constant 0 : index
    %swap3A_35 = arith.constant 0 : index
    %swap3A_36 = vector.load %arg6[%swap3A_34, %swap3A_35] : memref<2000x64xf32, #tpu.memory_space<vmem>>, vector<2000x64xf32>
    tpu.vector_store %arg6[%swap3A_34, %swap3A_35], %add3A_33 {strides = array<i32>} : memref<2000x64xf32, #tpu.memory_space<vmem>>, vector<2000x64xf32>,
    return
  }
  func.func @transform_0(%arg0: i32) -> (i32, i32, i32) {
    %c0_i32 = arith.constant 0 : i32
    %c0_i32_0 = arith.constant 0 : i32
    %c0_i32_1 = arith.constant 0 : i32
    return %c0_i32, %arg0, %c0_i32_0 : i32, i32, i32
  }
  func.func @transform_1(%arg0: i32) -> (i32, i32) {
    %c0_i32 = arith.constant 0 : i32
    %c0_i32_0 = arith.constant 0 : i32
    return %arg0, %c0_i32 : i32, i32
  }
  func.func @transform_2(%arg0: i32) -> (i32, i32) {
    %c0_i32 = arith.constant 0 : i32
    %c0_i32_0 = arith.constant 0 : i32
    %c0_i32_1 = arith.constant 0 : i32
    return %c0_i32, %c0_i32_0 : i32, i32
  }
  func.func @transform_3(%arg0: i32) -> (i32, i32) {
    %c0_i32 = arith.constant 0 : i32
    %c0_i32_0 = arith.constant 0 : i32
    %c0_i32_1 = arith.constant 0 : i32
    return %c0_i32, %c0_i32_0 : i32, i32
  }
  func.func @transform_4(%arg0: i32) -> (i32, i32) {
    %c0_i32 = arith.constant 0 : i32
    %c0_i32_0 = arith.constant 0 : i32
    return %arg0, %c0_i32 : i32, i32
  }
  func.func @transform_5(%arg0: i32) -> (i32, i32) {
    %c0_i32 = arith.constant 0 : i32
    %c0_i32_0 = arith.constant 0 : i32
    return %arg0, %c0_i32 : i32, i32
  }
}

</mosaic_0001>

<sc_bundles>
// kernel: kernel.10.cloned.1.call-start
scs
__scs_entry_jumppad:
0x0: {  	(pc) =	sbr.rel $0x88, $3  }
0x1: {  	(tag) =	ssettag $0x0;
	lr =	simm.s32 $0x1  }
0x2: {  	[smem:$0x3F97] =	sst lr;
	_ =	strace $0xD0000000  }
0x3: {  	_ = 	snop  }
0x4: {  	_ = 	snop  }
0x5: {  	_ = 	snop  }
0x6: {  	_ = 	snop  }
0x7: {  	_ = 	snop  }
__scs_overlays_trampoline_lowered:
0x8: {  	[smem:$0x3FA6] =	sst s0  }
0x9: {  	[smem:$0x3FA7] =	sst s1  }
0xa: {  	[smem:$0x3FA8] =	sst s2  }
0xb: {  	[smem:$0x3FA9] =	sst s3  }
0xc: {  	[smem:$0x3FAA] =	sst s4  }
0xd: {  	[smem:$0x3FAB] =	sst s5  }
0xe: {  	[smem:$0x3FAC] =	sst s6  }
0xf: {  	[smem:$0x3FAD] =	sst s7  }
0x10: {  	[smem:$0x3FAE] =	sst s8  }
0x11: {  	[smem:$0x3FAF] =	sst s9;
	s0 =	simm.s32 @!p0 $0x0  }
0x12: {  	s1 =	sld [smem:$0x3F95];
	s0 =	simm.s32 @p0 $0x1  }
0x13: {  	[smem:$0x3FB0] =	sst s0;
	s0 =	simm.s32 @!p1 $0x0  }
0x14: {  	s2 =	sld [smem:$0x3F94];
	s0 =	simm.s32 @p1 $0x1  }
0x15: {  	[smem:$0x3FB1] =	sst s0;
	s0 =	simm.s32 @!p2 $0x0  }
0x16: {  	s3 =	sld [smem:$0x3FDB];
	s0 =	simm.s32 @p2 $0x1  }
0x17: {  	s4 =	simm.s32 $0x1BF5;
	[smem:$0x3FB3] =	sst s0  }
0x18: {  	s0 =	sld [smem:$0x3F96];
	_ =	swait.ge [sflag:s4], $0x0  }
0x19: {  	s7 =	sld [smem:$0x3F97]  }
0x1a: {  	s8 =	sadd.s32 $0xFFFFE003, lr  }
0x1b: {  	s9 =	sadd.s32 $0xFFFFFEF7, lr;
	s5 =	simm.s32 $0xFFFFFFFF;
	p2 =	slt.u32 s8, $0xFFFFF086  }
0x1c: {  	p1 =	slt.u32 s9, $0xF7A;
	s5 =	simm.s32 @!p2 $0x0  }
0x1d: {  	s5 =	simm.s32 @p1 $0x1;
	p0 =	seq.s32 s7, s2  }
0x1e: {  	s7 =	smul.u32 @!p0 $0xF7A, s2;
	p2 =	seq.s32 @!p0 s5, $0x0  }
0x1f: {  	s9 =	smul.u32 $0xF7A, s1;
	s8 =	simm.s32 @!p0 $0x1BF5;
	p2 =	por !p2, p0  }
0x20: {  	[sflag:s8] =	ssyncset.s32 @!p0 $0xFFFFF086;
	s6 =	sadd.s32 @!p0 s3, s7;
	s7 =	simm.s32 @!p0 $0x108  }
0x21: {  	s3 =	sadd.s32 s3, s9;
	s6 =	sadd.s32 @!p0 $0x88, s6;
	s7 =	simm.s32 @p2 $0x1082  }
0x22: {  	[simem:s7], [sflag:s8] =	dma.local @!p0 [hbm:s6], $0xF7A  }
0x23: {  	s9 =	sor.u32 $0xD0000000, s2;
	s6 =	simm.s32 $0x108;
	_ =	swait.ge @!p0 [sflag:s8], $0x0  }
0x24: {  	s3 =	sadd.s32 $0x88, s3;
	s6 =	simm.s32 @!p1 $0x1082;
	[sflag:s4] =	ssyncset.s32 $0xFFFFF086  }
0x25: {  	[simem:s6], [sflag:s4] =	dma.local [hbm:s3], $0xF7A  }
0x26: {  	[smem:$0x3F97] =	sst s1;
	(tag) =	ssettag s2;
	_ =	strace s9  }
0x27: {  	s1 =	sld [smem:$0x3FA7]  }
0x28: {  	s2 =	sld [smem:$0x3FA8]  }
0x29: {  	s4 =	sld [smem:$0x3FAA]  }
0x2a: {  	p0 =	seq.s32 s5, $0x0;
	s5 =	sld [smem:$0x3FAB]  }
0x2b: {  	s6 =	sld [smem:$0x3FAC]  }
0x2c: {  	s7 =	sld [smem:$0x3FAD]  }
0x2d: {  	s3 =	simm.s32 $0x108;
	s8 =	sld [smem:$0x3FAE]  }
0x2e: {  	s3 =	simm.s32 @!p0 $0x1082;
	s9 =	sld [smem:$0x3FAF]  }
0x2f: {  	lr =	sadd.s32 s0, s3;
	s0 =	sld [smem:$0x3FA6]  }
0x30: {  	s3 =	sld [smem:$0x3FA9]  }
0x31: {  	[smem:$0x3FB2] =	sst s10  }
0x32: {  	s10 =	sld [smem:$0x3FB0];
	_ =	sdelay $0x3  }
0x33: {  	p0 =	seq.s32 s10, $0x1;
	s10 =	sld [smem:$0x3FB2];
	_ =	sdelay $0x3  }
0x34: {  	[smem:$0x3FB2] =	sst s10  }
0x35: {  	s10 =	sld [smem:$0x3FB1];
	_ =	sdelay $0x3  }
0x36: {  	p1 =	seq.s32 s10, $0x1;
	s10 =	sld [smem:$0x3FB2];
	_ =	sdelay $0x3  }
0x37: {  	[smem:$0x3FB2] =	sst s10  }
0x38: {  	s10 =	sld [smem:$0x3FB3]  }
0x39: {  	_ = 	snop;
	(pc) =	sbr.ind lr, $3  }
0x3a: {  	_ = 	snop  }
0x3b: {  	_ = 	snop  }
0x3c: {  	p2 =	seq.s32 s10, $0x1;
	s10 =	sld [smem:$0x3FB2]  }
0x3d: {  	_ =	shalt  }
0x3e: {  	_ =	shalt  }
0x3f: {  	_ =	shalt  }
0x40: {  	_ =	shalt  }
0x41: {  	_ =	shalt  }
0x42: {  	_ =	shalt  }
0x43: {  	_ =	shalt  }
0x44: {  	_ =	shalt  }
0x45: {  	_ =	shalt  }
0x46: {  	_ =	shalt  }
0x47: {  	_ =	shalt  }
0x48: {  	_ =	shalt  }
0x49: {  	_ =	shalt  }
0x4a: {  	_ =	shalt  }
0x4b: {  	_ =	shalt  }
0x4c: {  	_ =	shalt  }
0x4d: {  	_ =	shalt  }
0x4e: {  	_ =	shalt  }
0x4f: {  	_ =	shalt  }
0x50: {  	_ =	shalt  }
0x51: {  	_ =	shalt  }
0x52: {  	_ =	shalt  }
0x53: {  	_ =	shalt  }
0x54: {  	_ =	shalt  }
0x55: {  	_ =	shalt  }
0x56: {  	_ =	shalt  }
0x57: {  	_ =	shalt  }
0x58: {  	_ =	shalt  }
0x59: {  	_ =	shalt  }
0x5a: {  	_ =	shalt  }
0x5b: {  	_ =	shalt  }
0x5c: {  	_ =	shalt  }
0x5d: {  	_ =	shalt  }
0x5e: {  	_ =	shalt  }
0x5f: {  	_ =	shalt  }
0x60: {  	_ =	shalt  }
0x61: {  	_ =	shalt  }
0x62: {  	_ =	shalt  }
0x63: {  	_ =	shalt  }
0x64: {  	_ =	shalt  }
0x65: {  	_ =	shalt  }
0x66: {  	_ =	shalt  }
0x67: {  	_ =	shalt  }
0x68: {  	_ =	shalt  }
0x69: {  	_ =	shalt  }
0x6a: {  	_ =	shalt  }
0x6b: {  	_ =	shalt  }
0x6c: {  	_ =	shalt  }
0x6d: {  	_ =	shalt  }
0x6e: {  	_ =	shalt  }
0x6f: {  	_ =	shalt  }
0x70: {  	_ =	shalt  }
0x71: {  	_ =	shalt  }
0x72: {  	_ =	shalt  }
0x73: {  	_ =	shalt  }
0x74: {  	_ =	shalt  }
0x75: {  	_ =	shalt  }
0x76: {  	_ =	shalt  }
0x77: {  	_ =	shalt  }
0x78: {  	_ =	shalt  }
0x79: {  	_ =	shalt  }
0x7a: {  	_ =	shalt  }
0x7b: {  	_ =	shalt  }
0x7c: {  	_ =	shalt  }
0x7d: {  	_ =	shalt  }
0x7e: {  	_ =	shalt  }
0x7f: {  	_ =	shalt  }
0x80: {  	_ =	shalt  }
0x81: {  	_ =	shalt  }
0x82: {  	_ =	shalt  }
0x83: {  	_ =	shalt  }
0x84: {  	_ =	shalt  }
0x85: {  	_ =	shalt  }
0x86: {  	_ =	shalt  }
0x87: {  	_ =	shalt  }
.Lfunc_end0:
.L_simem_size_0:
called_computation_lowered:
.L_overlay_start_0:
0x88: {  	s2 =	sld [smem:$0x3FD9]  }
0x89: {  	s3 =	sld [smem:$0x3FFE];
	_ =	sdelay $0x1  }
0x8a: {  	s1 =	srdreg.scid  }
0x8b: {  	s0 =	sand.u32 $0x1, s1  }
0x8c: {  	s14 =	sshll.u32 s0, $0xA;
	s2 =	sadd.s32 s3, s2  }
0x8d: {  	s2 =	sadd.s32 s2, s14  }
0x8e: {  	[smem:$0x3FBE] =	sst s2  }
0x8f: {  	_ = 	snop  }
0x90: {  	s2 =	sld [smem:$0x3FD0];
	_ =	sdelay $0x2  }
0x91: {  	s15 =	simm.s32 $0xA;
	s4 =	simm.s32 $0x10  }
0x92: {  	[smem:s4], [sflag:s15] =	dma.local [hbm:s2], $0x1  }
0x93: {  	_ =	swait.eq [sflag:s15], $0x1  }
0x94: {  	[sflag:s15] =	ssyncset.done $0x0  }
0x95: {  	[sflag:s15] =	ssyncadd.s32 $0xFFFFFFFF  }
0x96: {  	s16 =	sld [smem:$0x10];
	(tm) =	ssettm $0x1  }
0x97: {  	s17 =	sld [smem:$0x3FFB];
	_ =	sdelay $0x3  }
0x98: {  	_ =	strace s17  }
0x99: {  	s3 =	sld [smem:$0x3FFC];
	_ =	sdelay $0x3  }
0x9a: {  	_ =	strace s3  }
0x9b: {  	s3 =	sld [smem:$0x3FFD];
	_ =	sdelay $0x3  }
0x9c: {  	_ =	strace s3  }
0x9d: {  	_ =	strace $0x8FFFFFFF  }
0x9e: {  	s18 =	sld [smem:$0x3FDB];
	_ =	sdelay $0x1  }
0x9f: {  	s19 =	simm.s32 $_scs_section_size  }
0xa0: {  	s5 =	simm.s32 $_size__tile_overlayer_lowered;
	s6 =	simm.s32 $_tile_overlayer_lowered  }
0xa1: {  	s22 =	simm.s32 $0x1BFF;
	s21 =	sshll.u32 s6, $0x1;
	s3 =	sadd.s32 s19, s18  }
0xa2: {  	s7 =	simm.s32 $0x0;
	s20 =	sshll.u32 s5, $0x1;
	s5 =	sadd.s32 s21, s3  }
0xa3: {  	[timem:s7], [sflag:s22] =	dma.local [hbm:s5], s20  }
0xa4: {  	_ =	swait.ge [sflag:s22], s20  }
0xa5: {  	s4 =	ssub.s32 $0x0, s20;
	[sflag:s22] =	ssyncset.done $0x0  }
0xa6: {  	[sflag:s22] =	ssyncadd.s32 s4;
	_ =	sdelay $0x1  }
0xa7: {  	s23 =	simm.s32 $0x1B8B  }
0xa8: {  	_ =	swait.ge [sflag:s23], $0x1  }
0xa9: {  	[sflag:s23] =	ssyncset.done $0x0  }
0xaa: {  	s25 =	simm.s32 $0x1B8E;
	s24 =	sld [smem:$0x3FFE];
	[sflag:s23] =	ssyncadd.s32 $0xFFFFFFFF  }
0xab: {  	s26 =	simm.s32 $execute0_lowered;
	[smem:$0x3FD2] =	sst s25  }
0xac: {  	s5 =	sshll.u32 s26, $0x1;
	_ =	strace $0x80000046;
	[dreg:$0x1] =	wrdreg $0xFFFFFFFF  }
0xad: {  	s28 =	simm.s32 $_size_execute0_lowered;
	s3 =	sadd.s32 s3, s5;
	[dreg:$0x0] =	wrdreg $0x0  }
0xae: {  	s5 =	sshll.u32 s28, $0x1;
	[dreg:$0x2] =	wrdreg s3  }
0xaf: {  	[dreg:$0x3] =	wrdreg s5  }
0xb0: {  	[dreg:$0x4] =	wrdreg $0xC0  }
0xb1: {  	_ =	task [dreg:s7], $0x5FFFF  }
0xb2: {  	[dreg:$0x1] =	wrdreg $0xFFFFFFFF  }
0xb3: {  	[dreg:$0x0] =	wrdreg $0x60  }
0xb4: {  	[dreg:$0x2] =	wrdreg s16  }
0xb5: {  	[dreg:$0x3] =	wrdreg s24  }
0xb6: {  	[dreg:$0x4] =	wrdreg $0x66800  }
0xb7: {  	[dreg:$0x5] =	wrdreg $0x9  }
0xb8: {  	_ =	task.clear_ibuf [dreg:s7], $0x6FFFF;
	_ =	strace $0x90000046  }
0xb9: {  	s29 =	simm.s32 $0x9;
	_ =	strace $0x80000048  }
0xba: {  	_ =	swait.ge [sflag:s29], $0x1  }
0xbb: {  	[sflag:s29] =	ssyncadd.s32 $0xFFFFFFFF  }
0xbc: {  	_ =	strace $0x90000048  }
0xbd: {  	_ =	sfence  }
0xbe: {  	s30 =	sld [smem:$0x0];
	_ =	sdelay $0x2  }
0xbf: {  	s31 =	sshll.u32 s1, $0xD;
	s1 =	sshrl.u32 s1, $0x2  }
0xc0: {  	s3 =	sand.u32 $0x4000, s31;
	s1 =	sadd.s32 s1, s30  }
0xc1: {  	s0 =	sor.u32 s3, s0;
	s1 =	sshll.u32 s1, $0x11  }
0xc2: {  	s0 =	sor.u32 s1, s0  }
0xc3: {  	s0 =	sadd.s32 $0x8F2B, s0  }
0xc4: {  	[sflag:s0] =	ssyncadd.remote.s32 $0x1  }
0xc5: {  	_ =	sfence.sel $0xFFFF  }
0xc6: {  	[dreg:$0x0] =	wrdreg $0xFFFFFFFF;
	(pc) =	sbr.abs _section_cstart, $3  }
0xc7: {  	[dreg:$0x1] =	wrdreg $0xFFFFFFFF  }
0xc8: {  	_ =	task.clear_ibuf [dreg:s7], $0x2FFFF;
	_ =	strace $0x9FFFFFFF  }
0xc9: {  	(tm) =	ssettm $0x7FFFFFFF  }
tec
execute0_lowered:
.L_overlay_start_1:
0x0: {  	(tag) =	ssettag $0x1  }
0x1: {  	s1 =	rddreg [dreg:$0x0]  }
0x2: {  	s0 =	srdreg.scid;
	s2 =	rddreg [dreg:$0x1]  }
0x3: {  	s7 =	stileid.u32;
	s5 =	rddreg [dreg:$0x2];
	s6 =	simm.s32 $0x0  }
0x4: {  	s23 =	simm.s32 $0x1;
	s29 =	simm.s32 $0x5C80;
	s30 =	simm.s32 $0x5F00  }
0x5: {  	s31 =	simm.s32 $0x6180;
	s0 =	sand.u32 $0x1, s0;
	[smem:$0x7FF] =	sst s6  }
0x6: {  	s24 =	smul.u32 $0xA000, s7;
	s3 =	sshll.u32 s0, $0x4;
	_ =	strace $0x80000047  }
0x7: {  	s0 =	ssub.s32 $0x2, s0;
	s3 =	sor.u32 s7, s3;
	s7 =	smul.u32 $0xA00, s7  }
0x8: {  	s25 =	sshrl.u32 s0, $0x1;
	s26 =	sshrl.u32 s24, $0x2;
	s4 =	smul.u32 $0x50, s3  }
0x9: {  	s24 =	simm.s32 $0x1400;
	s3 =	smul.u32 $0x271, s3;
	s0 =	ssub.s32 s0, s25  }
0xa: {  	s28 =	sshrl.u32 s7, $0x2;
	s22 =	smax.u32 s0, $0x1;
	s0 =	simm.s32 $0x0  }
0xb: {  	s2 =	sadd.s32 s4, s2;
	s4 =	sadd.s32 s26, s5;
	s5 =	sadd.s32 s28, s5  }
0xc: {  	s3 =	sadd.s32 s1, s3;
	s1 =	simm.s32 $0x6400;
	s6 =	sadd.s32 $0x2800, s5  }
0xd: {  	s7 =	sadd.s32 $0x5000, s5;
	s8 =	sadd.s32 $0x7800, s5;
	s9 =	sadd.s32 $0xA000, s5  }
0xe: {  	s10 =	sadd.s32 $0xC800, s5;
	s11 =	sadd.s32 $0xF000, s5;
	s12 =	sadd.s32 $0x11800, s5  }
0xf: {  	s13 =	sadd.s32 $0x14000, s5;
	s14 =	sadd.s32 $0x16800, s5;
	s15 =	sadd.s32 $0x19000, s5  }
0x10: {  	s16 =	sadd.s32 $0x1B800, s5;
	s17 =	sadd.s32 $0x1E000, s5;
	s18 =	sadd.s32 $0x20800, s5  }
0x11: {  	v0 =	vimm.f32 $0.0e+00;
	v1 =	vimm.f32 $1.000000000e+00;
	vm0 =	vcmask $0x3F20;
	s19 =	sadd.s32 $0x23000, s5;
	s20 =	sadd.s32 $0x25800, s5;
	s21 =	sadd.s32 $0x1E00, s2  }
.LBB2_1:
0x12: {  	s2 =	simm.s32 $0x40;
	s25 =	simm.s32 $0x0  }
.LBB2_2:
0x13: {  	p0 =	sne.s32 s2, $0x9FC0;
	[tilespmem:s25+$0x1400] =	vst v0;
	s25 =	smov.u32 s2;
	s2 =	sadd.s32 $0x40, s2  }
.Ltmp0:
0x14: {  	(pc) =	sbr.rel @p0 .LBB2_2-.Ltmp0, $2  }
0x15: {  	_ =	sdelay $0x2  }
0x16: {  	s25 =	sshra.s32 s25, $0x2  }
0x17: {  	[tilespmem:s25+$0x1400] =	vst v0;
	s2 =	simm.s32 $0x0  }
0x18: {  	[tilespmem:s2], [sflag:$0x1] =	stream.linear.gather [hbm4b:s3+s2], $0x1388, $0x38;
	[tilespmem:$0x8E80] =	vst v63  }
0x19: {  	_ =	swait.ge [sflag:s23], $0x1388  }
0x1a: {  	[sflag:s23] =	ssyncset.done $0x0  }
0x1b: {  	s25 =	simm.s32 $0x0;
	s2 =	simm.s32 $0x40;
	[sflag:s23] =	ssyncadd.s32 $0xFFFFEC78  }
.LBB2_4:
0x1c: {  	p0 =	sne.s32 s2, $0x4DC0;
	v2 =	vld [tilespmem:s25+$0x0];
	_ =	sdelay $0x3  }
.Ltmp1:
0x1d: {  	(pc) =	sbr.rel @p0 .LBB2_4-.Ltmp1, $2  }
0x1e: {  	_ =	sdelay $0x2  }
0x1f: {  	s25 =	sshra.s32 s2, $0x2;
	s2 =	sadd.s32 $0x40, s2;
	[tilespmem:v2+s24+$0x0] =	vst.idx.add.f32.msk $0xffff, v1  }
0x20: {  	v2 =	vld [tilespmem:s25+$0x0];
	_ =	sdelay $0x7  }
0x21: {  	[tilespmem:v2+s24+$0x0] =	vst.idx.add.f32.msk $0xffff, v1  }
0x22: {  	v2 =	vld [tilespmem:$0x1378];
	_ =	sdelay $0x7  }
0x23: {  	[tilespmem:v2+s24+$0x0] =	vst.idx.add.f32.msk vm0, v1  }
0x24: {  	[spmem:s4] =	stream.linear.scatter [tilespmem:s24], [sflag:$0x1], $0x2800, $0x38;
	[tilespmem:$0x8E80] =	vst v63  }
0x25: {  	_ =	swait.ge [sflag:s23], $0x2800  }
0x26: {  	[sflag:s23] =	ssyncset.done $0x0  }
0x27: {  	[sflag:s23] =	ssyncadd.s32 $0xFFFFD800  }
0x28: {  	s2 =	simm.s32 $0x3C00;
	[bflag:$0x0] =	sbarrier.arrive $0xFFFF  }
0x29: {  	[tilespmem:s2], [sflag:$0x1] =	stream.linear.gather [spmem:s5], $0x280, $0x38;
	[tilespmem:$0x8E80] =	vst v63  }
0x2a: {  	_ =	swait.ge [sflag:s23], $0x280  }
0x2b: {  	[sflag:s23] =	ssyncset.done $0x0  }
0x2c: {  	s26 =	simm.s32 $0x3E80;
	[sflag:s23] =	ssyncadd.s32 $0xFFFFFD80  }
0x2d: {  	[tilespmem:s26], [sflag:$0x1] =	stream.linear.gather [spmem:s6], $0x280, $0x38;
	[tilespmem:$0x8E80] =	vst v63  }
0x2e: {  	_ =	swait.ge [sflag:s23], $0x280  }
0x2f: {  	[sflag:s23] =	ssyncset.done $0x0  }
0x30: {  	s26 =	simm.s32 $0x4100;
	[sflag:s23] =	ssyncadd.s32 $0xFFFFFD80  }
0x31: {  	[tilespmem:s26], [sflag:$0x1] =	stream.linear.gather [spmem:s7], $0x280, $0x38;
	[tilespmem:$0x8E80] =	vst v63  }
0x32: {  	_ =	swait.ge [sflag:s23], $0x280  }
0x33: {  	[sflag:s23] =	ssyncset.done $0x0  }
0x34: {  	s26 =	simm.s32 $0x4380;
	[sflag:s23] =	ssyncadd.s32 $0xFFFFFD80  }
0x35: {  	[tilespmem:s26], [sflag:$0x1] =	stream.linear.gather [spmem:s8], $0x280, $0x38;
	[tilespmem:$0x8E80] =	vst v63  }
0x36: {  	_ =	swait.ge [sflag:s23], $0x280  }
0x37: {  	[sflag:s23] =	ssyncset.done $0x0  }
0x38: {  	s26 =	simm.s32 $0x4600;
	[sflag:s23] =	ssyncadd.s32 $0xFFFFFD80  }
0x39: {  	[tilespmem:s26], [sflag:$0x1] =	stream.linear.gather [spmem:s9], $0x280, $0x38;
	[tilespmem:$0x8E80] =	vst v63  }
0x3a: {  	_ =	swait.ge [sflag:s23], $0x280  }
0x3b: {  	[sflag:s23] =	ssyncset.done $0x0  }
0x3c: {  	s26 =	simm.s32 $0x4880;
	[sflag:s23] =	ssyncadd.s32 $0xFFFFFD80  }
0x3d: {  	[tilespmem:s26], [sflag:$0x1] =	stream.linear.gather [spmem:s10], $0x280, $0x38;
	[tilespmem:$0x8E80] =	vst v63  }
0x3e: {  	_ =	swait.ge [sflag:s23], $0x280  }
0x3f: {  	[sflag:s23] =	ssyncset.done $0x0  }
0x40: {  	s26 =	simm.s32 $0x4B00;
	[sflag:s23] =	ssyncadd.s32 $0xFFFFFD80  }
0x41: {  	[tilespmem:s26], [sflag:$0x1] =	stream.linear.gather [spmem:s11], $0x280, $0x38;
	[tilespmem:$0x8E80] =	vst v63  }
0x42: {  	_ =	swait.ge [sflag:s23], $0x280  }
0x43: {  	[sflag:s23] =	ssyncset.done $0x0  }
0x44: {  	s26 =	simm.s32 $0x4D80;
	[sflag:s23] =	ssyncadd.s32 $0xFFFFFD80  }
0x45: {  	[tilespmem:s26], [sflag:$0x1] =	stream.linear.gather [spmem:s12], $0x280, $0x38;
	[tilespmem:$0x8E80] =	vst v63  }
0x46: {  	_ =	swait.ge [sflag:s23], $0x280  }
0x47: {  	[sflag:s23] =	ssyncset.done $0x0  }
0x48: {  	s26 =	simm.s32 $0x5000;
	[sflag:s23] =	ssyncadd.s32 $0xFFFFFD80  }
0x49: {  	[tilespmem:s26], [sflag:$0x1] =	stream.linear.gather [spmem:s13], $0x280, $0x38;
	[tilespmem:$0x8E80] =	vst v63  }
0x4a: {  	_ =	swait.ge [sflag:s23], $0x280  }
0x4b: {  	[sflag:s23] =	ssyncset.done $0x0  }
0x4c: {  	s26 =	simm.s32 $0x5280;
	[sflag:s23] =	ssyncadd.s32 $0xFFFFFD80  }
0x4d: {  	[tilespmem:s26], [sflag:$0x1] =	stream.linear.gather [spmem:s14], $0x280, $0x38;
	[tilespmem:$0x8E80] =	vst v63  }
0x4e: {  	_ =	swait.ge [sflag:s23], $0x280  }
0x4f: {  	[sflag:s23] =	ssyncset.done $0x0  }
0x50: {  	s26 =	simm.s32 $0x5500;
	[sflag:s23] =	ssyncadd.s32 $0xFFFFFD80  }
0x51: {  	[tilespmem:s26], [sflag:$0x1] =	stream.linear.gather [spmem:s15], $0x280, $0x38;
	[tilespmem:$0x8E80] =	vst v63  }
0x52: {  	_ =	swait.ge [sflag:s23], $0x280  }
0x53: {  	[sflag:s23] =	ssyncset.done $0x0  }
0x54: {  	s26 =	simm.s32 $0x5780;
	[sflag:s23] =	ssyncadd.s32 $0xFFFFFD80  }
0x55: {  	[tilespmem:s26], [sflag:$0x1] =	stream.linear.gather [spmem:s16], $0x280, $0x38;
	[tilespmem:$0x8E80] =	vst v63  }
0x56: {  	_ =	swait.ge [sflag:s23], $0x280  }
0x57: {  	[sflag:s23] =	ssyncset.done $0x0  }
0x58: {  	s26 =	simm.s32 $0x5A00;
	[sflag:s23] =	ssyncadd.s32 $0xFFFFFD80  }
0x59: {  	[tilespmem:s26], [sflag:$0x1] =	stream.linear.gather [spmem:s17], $0x280, $0x38;
	[tilespmem:$0x8E80] =	vst v63  }
0x5a: {  	_ =	swait.ge [sflag:s23], $0x280  }
0x5b: {  	[sflag:s23] =	ssyncset.done $0x0  }
0x5c: {  	[sflag:s23] =	ssyncadd.s32 $0xFFFFFD80  }
0x5d: {  	[tilespmem:s29], [sflag:$0x1] =	stream.linear.gather [spmem:s18], $0x280, $0x38;
	[tilespmem:$0x8E80] =	vst v63  }
0x5e: {  	_ =	swait.ge [sflag:s23], $0x280  }
0x5f: {  	[sflag:s23] =	ssyncset.done $0x0  }
0x60: {  	[sflag:s23] =	ssyncadd.s32 $0xFFFFFD80  }
0x61: {  	[tilespmem:s30], [sflag:$0x1] =	stream.linear.gather [spmem:s19], $0x280, $0x38;
	[tilespmem:$0x8E80] =	vst v63  }
0x62: {  	_ =	swait.ge [sflag:s23], $0x280  }
0x63: {  	[sflag:s23] =	ssyncset.done $0x0  }
0x64: {  	[sflag:s23] =	ssyncadd.s32 $0xFFFFFD80  }
0x65: {  	[tilespmem:s31], [sflag:$0x1] =	stream.linear.gather [spmem:s20], $0x280, $0x38;
	[tilespmem:$0x8E80] =	vst v63  }
0x66: {  	_ =	swait.ge [sflag:s23], $0x280  }
0x67: {  	s26 =	simm.s32 $0x0;
	[sflag:s23] =	ssyncset.done $0x0  }
0x68: {  	s25 =	sand.u32 $0x3F0, s26;
	[sflag:s23] =	ssyncadd.s32 $0xFFFFFD80  }
0x69: {  	v2 =	vld [tilespmem:s25+$0x3E80]  }
0x6a: {  	v3 =	vld [tilespmem:s2+$0x0];
	_ =	sdelay $0x1  }
0x6b: {  	v4 =	vld [tilespmem:s25+$0x4100];
	_ =	sdelay $0x1  }
0x6c: {  	v5 =	vld [tilespmem:s25+$0x4380]  }
0x6d: {  	v2 =	vadd.f32 v2, v3  }
0x6e: {  	v3 =	vld [tilespmem:s25+$0x4600]  }
0x6f: {  	v2 =	vadd.f32 v4, v2  }
0x70: {  	v56 =	vld [tilespmem:s25+$0x4880]  }
0x71: {  	v2 =	vadd.f32 v5, v2  }
0x72: {  	v57 =	vld [tilespmem:s25+$0x4B00]  }
0x73: {  	v2 =	vadd.f32 v3, v2  }
0x74: {  	v3 =	vld [tilespmem:s25+$0x4D80]  }
0x75: {  	v2 =	vadd.f32 v56, v2  }
0x76: {  	v58 =	vld [tilespmem:s25+$0x5000]  }
0x77: {  	v2 =	vadd.f32 v57, v2  }
0x78: {  	v59 =	vld [tilespmem:s25+$0x5280]  }
0x79: {  	v2 =	vadd.f32 v3, v2  }
0x7a: {  	v3 =	vld [tilespmem:s25+$0x5500]  }
0x7b: {  	v2 =	vadd.f32 v58, v2  }
0x7c: {  	v60 =	vld [tilespmem:s25+$0x5780]  }
0x7d: {  	v2 =	vadd.f32 v59, v2  }
0x7e: {  	v61 =	vld [tilespmem:s25+$0x5A00]  }
0x7f: {  	v2 =	vadd.f32 v3, v2  }
0x80: {  	v3 =	vld [tilespmem:s25+$0x5C80]  }
0x81: {  	v2 =	vadd.f32 v60, v2  }
0x82: {  	v62 =	vld [tilespmem:s25+$0x5F00]  }
0x83: {  	v2 =	vadd.f32 v61, v2  }
0x84: {  	v63 =	vld [tilespmem:s25+$0x6180]  }
0x85: {  	v2 =	vadd.f32 v3, v2;
	_ =	sdelay $0x1  }
0x86: {  	v2 =	vadd.f32 v62, v2;
	_ =	sdelay $0x1  }
0x87: {  	v2 =	vadd.f32 v63, v2  }
0x88: {  	s26 =	simm.s32 $0x10;
	s2 =	simm.s32 $0x6400  }
0x89: {  	s25 =	sand.u32 $0x3F0, s26;
	[tilespmem:s2+$0x0] =	vst v2  }
0x8a: {  	s28 =	simm.s32 $0x20;
	s26 =	simm.s32 $0x3C10;
	v2 =	vld [tilespmem:s25+$0x3E80]  }
.LBB2_6:
0x8b: {  	p0 =	sne.s32 s28, $0x270;
	v3 =	vld [tilespmem:s26+$0x0];
	_ =	sdelay $0x1  }
0x8c: {  	v4 =	vld [tilespmem:s25+$0x4100];
	_ =	sdelay $0x1  }
0x8d: {  	v5 =	vld [tilespmem:s25+$0x4380]  }
0x8e: {  	v2 =	vadd.f32 v2, v3  }
0x8f: {  	v3 =	vld [tilespmem:s25+$0x4600]  }
0x90: {  	v2 =	vadd.f32 v4, v2  }
0x91: {  	v4 =	vld [tilespmem:s25+$0x4880]  }
0x92: {  	v2 =	vadd.f32 v5, v2  }
0x93: {  	v5 =	vld [tilespmem:s25+$0x4B00]  }
0x94: {  	v2 =	vadd.f32 v3, v2  }
0x95: {  	v3 =	vld [tilespmem:s25+$0x4D80]  }
0x96: {  	v2 =	vadd.f32 v4, v2  }
0x97: {  	v4 =	vld [tilespmem:s25+$0x5000]  }
0x98: {  	v2 =	vadd.f32 v5, v2  }
0x99: {  	v5 =	vld [tilespmem:s25+$0x5280]  }
0x9a: {  	v2 =	vadd.f32 v3, v2  }
0x9b: {  	v3 =	vld [tilespmem:s25+$0x5500]  }
0x9c: {  	v2 =	vadd.f32 v4, v2  }
0x9d: {  	v4 =	vld [tilespmem:s25+$0x5780]  }
0x9e: {  	v2 =	vadd.f32 v5, v2  }
0x9f: {  	v5 =	vld [tilespmem:s25+$0x5A00]  }
0xa0: {  	v2 =	vadd.f32 v3, v2  }
0xa1: {  	v3 =	vld [tilespmem:s25+$0x5C80]  }
0xa2: {  	v2 =	vadd.f32 v4, v2  }
0xa3: {  	v4 =	vld [tilespmem:s25+$0x5F00]  }
0xa4: {  	v2 =	vadd.f32 v5, v2  }
0xa5: {  	v5 =	vld [tilespmem:s25+$0x6180]  }
0xa6: {  	v2 =	vadd.f32 v3, v2;
	_ =	sdelay $0x1  }
0xa7: {  	v2 =	vadd.f32 v4, v2  }
.Ltmp2:
0xa8: {  	(pc) =	sbr.rel @p0 .LBB2_6-.Ltmp2, $4  }
0xa9: {  	v2 =	vadd.f32 v5, v2  }
0xaa: {  	s2 =	sadd.s32 $0x10, s2  }
0xab: {  	s25 =	sand.u32 $0x3F0, s28;
	[tilespmem:s2+$0x0] =	vst v2  }
0xac: {  	s26 =	sadd.s32 $0x10, s26;
	s28 =	sadd.s32 $0x10, s28;
	v2 =	vld [tilespmem:s25+$0x3E80]  }
0xad: {  	v3 =	vld [tilespmem:s26+$0x0];
	_ =	sdelay $0x1  }
0xae: {  	v4 =	vld [tilespmem:s25+$0x4100];
	_ =	sdelay $0x1  }
0xaf: {  	v5 =	vld [tilespmem:s25+$0x4380]  }
0xb0: {  	v2 =	vadd.f32 v2, v3  }
0xb1: {  	v3 =	vld [tilespmem:s25+$0x4600]  }
0xb2: {  	v2 =	vadd.f32 v4, v2  }
0xb3: {  	v56 =	vld [tilespmem:s25+$0x4880]  }
0xb4: {  	v2 =	vadd.f32 v5, v2  }
0xb5: {  	v57 =	vld [tilespmem:s25+$0x4B00]  }
0xb6: {  	v2 =	vadd.f32 v3, v2  }
0xb7: {  	v3 =	vld [tilespmem:s25+$0x4D80]  }
0xb8: {  	v2 =	vadd.f32 v56, v2  }
0xb9: {  	v58 =	vld [tilespmem:s25+$0x5000]  }
0xba: {  	v2 =	vadd.f32 v57, v2  }
0xbb: {  	v59 =	vld [tilespmem:s25+$0x5280]  }
0xbc: {  	v2 =	vadd.f32 v3, v2  }
0xbd: {  	v3 =	vld [tilespmem:s25+$0x5500]  }
0xbe: {  	v2 =	vadd.f32 v58, v2  }
0xbf: {  	v60 =	vld [tilespmem:s25+$0x5780]  }
0xc0: {  	v2 =	vadd.f32 v59, v2  }
0xc1: {  	v61 =	vld [tilespmem:s25+$0x5A00]  }
0xc2: {  	v2 =	vadd.f32 v3, v2  }
0xc3: {  	v3 =	vld [tilespmem:s25+$0x5C80]  }
0xc4: {  	v2 =	vadd.f32 v60, v2  }
0xc5: {  	v62 =	vld [tilespmem:s25+$0x5F00]  }
0xc6: {  	v2 =	vadd.f32 v61, v2  }
0xc7: {  	v63 =	vld [tilespmem:s25+$0x6180]  }
0xc8: {  	v2 =	vadd.f32 v3, v2;
	_ =	sdelay $0x1  }
0xc9: {  	v2 =	vadd.f32 v62, v2;
	_ =	sdelay $0x1  }
0xca: {  	s0 =	sadd.s32 $0x1, s0;
	v2 =	vadd.f32 v63, v2  }
0xcb: {  	s2 =	sadd.s32 $0x10, s2;
	p0 =	sne.s32 s0, s22  }
.Ltmp3:
0xcc: {  	s28 =	simm.s32 $0x0;
	[tilespmem:s2+$0x0] =	vst v2;
	(pc) =	sbr.rel @p0 .LBB2_1-.Ltmp3, $4  }
0xcd: {  	[hbm4b:s21+s28] =	stream.linear.scatter [tilespmem:s1], [sflag:$0x1], $0x280, $0x38;
	[tilespmem:$0x8E80] =	vst v63  }
0xce: {  	_ =	swait.ge [sflag:s23], $0x280  }
0xcf: {  	[sflag:s23] =	ssyncset.done $0x0  }
0xd0: {  	[sflag:s23] =	ssyncadd.s32 $0xFFFFFD80  }
0xd1: {  	_ =	sfence.sel $0x180000  }
0xd2: {  	[bflag:$0x0] =	sbarrier.arrive $0xFFFF  }
0xd3: {  	_ =	strace $0x90000047  }
0xd4: {  	s0 =	stileid.u32;
	[bflag:$0x2] =	sbarrier.arrive $0xFFFF  }
0xd5: {  	p0 =	sne.s32 s0, $0x0;
	s0 =	rddreg [dreg:$0x3]  }
0xd6: {  	s0 =	sadd.s32 @!p0 $0x100000, s0  }
0xd7: {  	[sflag:s0] =	ssyncadd.tile.s32 @!p0 $0x1;
	_ =	shalt  }
.Lfunc_end2:
_tile_overlayer_lowered:
.L_overlay_start_2:
0xd8: {  	(tag) =	ssettag $0x2  }
0xd9: {  	s0 =	rddreg [dreg:$0x0];
	s2 =	stileid.u32  }
0xda: {  	s1 =	rddreg [dreg:$0x1];
	p0 =	sne.s32 s2, $0x0  }
0xdb: {  	s3 =	rddreg [dreg:$0x2];
	[bflag:$0x3] =	sbarrier.arrive $0xFFFF;
	s2 =	simm.s32 @!p0 $0x1C01  }
0xdc: {  	[timem:s3], [sflag:s2] =	dma.local @!p0 [hbm:s0], s1  }
0xdd: {  	s0 =	simm.s32 @!p0 $0x1  }
0xde: {  	_ =	swait.ge @!p0 [sflag:s0], s1  }
0xdf: {  	s1 =	ssub.s32 @!p0 $0x0, s1;
	[sflag:s0] =	ssyncset.done @!p0 $0x0  }
0xe0: {  	[sflag:s0] =	ssyncadd.s32 @!p0 s1  }
0xe1: {  	[bflag:$0x3] =	sbarrier.arrive $0xFFFF  }
0xe2: {  	_ =	shalt  }

// kernel: kernel.13.cloned.1.call-start
scs
__scs_entry_jumppad:
0x0: {  	(pc) =	sbr.rel $0x88, $3  }
0x1: {  	(tag) =	ssettag $0x0;
	lr =	simm.s32 $0x1  }
0x2: {  	[smem:$0x3F97] =	sst lr;
	_ =	strace $0xD0000000  }
0x3: {  	_ = 	snop  }
0x4: {  	_ = 	snop  }
0x5: {  	_ = 	snop  }
0x6: {  	_ = 	snop  }
0x7: {  	_ = 	snop  }
__scs_overlays_trampoline_lowered:
0x8: {  	[smem:$0x3FA6] =	sst s0  }
0x9: {  	[smem:$0x3FA7] =	sst s1  }
0xa: {  	[smem:$0x3FA8] =	sst s2  }
0xb: {  	[smem:$0x3FA9] =	sst s3  }
0xc: {  	[smem:$0x3FAA] =	sst s4  }
0xd: {  	[smem:$0x3FAB] =	sst s5  }
0xe: {  	[smem:$0x3FAC] =	sst s6  }
0xf: {  	[smem:$0x3FAD] =	sst s7  }
0x10: {  	[smem:$0x3FAE] =	sst s8  }
0x11: {  	[smem:$0x3FAF] =	sst s9;
	s0 =	simm.s32 @!p0 $0x0  }
0x12: {  	s1 =	sld [smem:$0x3F95];
	s0 =	simm.s32 @p0 $0x1  }
0x13: {  	[smem:$0x3FB0] =	sst s0;
	s0 =	simm.s32 @!p1 $0x0  }
0x14: {  	s2 =	sld [smem:$0x3F94];
	s0 =	simm.s32 @p1 $0x1  }
0x15: {  	[smem:$0x3FB1] =	sst s0;
	s0 =	simm.s32 @!p2 $0x0  }
0x16: {  	s3 =	sld [smem:$0x3FDB];
	s0 =	simm.s32 @p2 $0x1  }
0x17: {  	s4 =	simm.s32 $0x1BF5;
	[smem:$0x3FB3] =	sst s0  }
0x18: {  	s0 =	sld [smem:$0x3F96];
	_ =	swait.ge [sflag:s4], $0x0  }
0x19: {  	s7 =	sld [smem:$0x3F97]  }
0x1a: {  	s8 =	sadd.s32 $0xFFFFE003, lr  }
0x1b: {  	s9 =	sadd.s32 $0xFFFFFEF7, lr;
	s5 =	simm.s32 $0xFFFFFFFF;
	p2 =	slt.u32 s8, $0xFFFFF086  }
0x1c: {  	p1 =	slt.u32 s9, $0xF7A;
	s5 =	simm.s32 @!p2 $0x0  }
0x1d: {  	s5 =	simm.s32 @p1 $0x1;
	p0 =	seq.s32 s7, s2  }
0x1e: {  	s7 =	smul.u32 @!p0 $0xF7A, s2;
	p2 =	seq.s32 @!p0 s5, $0x0  }
0x1f: {  	s9 =	smul.u32 $0xF7A, s1;
	s8 =	simm.s32 @!p0 $0x1BF5;
	p2 =	por !p2, p0  }
0x20: {  	[sflag:s8] =	ssyncset.s32 @!p0 $0xFFFFF086;
	s6 =	sadd.s32 @!p0 s3, s7;
	s7 =	simm.s32 @!p0 $0x108  }
0x21: {  	s3 =	sadd.s32 s3, s9;
	s6 =	sadd.s32 @!p0 $0x88, s6;
	s7 =	simm.s32 @p2 $0x1082  }
0x22: {  	[simem:s7], [sflag:s8] =	dma.local @!p0 [hbm:s6], $0xF7A  }
0x23: {  	s9 =	sor.u32 $0xD0000000, s2;
	s6 =	simm.s32 $0x108;
	_ =	swait.ge @!p0 [sflag:s8], $0x0  }
0x24: {  	s3 =	sadd.s32 $0x88, s3;
	s6 =	simm.s32 @!p1 $0x1082;
	[sflag:s4] =	ssyncset.s32 $0xFFFFF086  }
0x25: {  	[simem:s6], [sflag:s4] =	dma.local [hbm:s3], $0xF7A  }
0x26: {  	[smem:$0x3F97] =	sst s1;
	(tag) =	ssettag s2;
	_ =	strace s9  }
0x27: {  	s1 =	sld [smem:$0x3FA7]  }
0x28: {  	s2 =	sld [smem:$0x3FA8]  }
0x29: {  	s4 =	sld [smem:$0x3FAA]  }
0x2a: {  	p0 =	seq.s32 s5, $0x0;
	s5 =	sld [smem:$0x3FAB]  }
0x2b: {  	s6 =	sld [smem:$0x3FAC]  }
0x2c: {  	s7 =	sld [smem:$0x3FAD]  }
0x2d: {  	s3 =	simm.s32 $0x108;
	s8 =	sld [smem:$0x3FAE]  }
0x2e: {  	s3 =	simm.s32 @!p0 $0x1082;
	s9 =	sld [smem:$0x3FAF]  }
0x2f: {  	lr =	sadd.s32 s0, s3;
	s0 =	sld [smem:$0x3FA6]  }
0x30: {  	s3 =	sld [smem:$0x3FA9]  }
0x31: {  	[smem:$0x3FB2] =	sst s10  }
0x32: {  	s10 =	sld [smem:$0x3FB0];
	_ =	sdelay $0x3  }
0x33: {  	p0 =	seq.s32 s10, $0x1;
	s10 =	sld [smem:$0x3FB2];
	_ =	sdelay $0x3  }
0x34: {  	[smem:$0x3FB2] =	sst s10  }
0x35: {  	s10 =	sld [smem:$0x3FB1];
	_ =	sdelay $0x3  }
0x36: {  	p1 =	seq.s32 s10, $0x1;
	s10 =	sld [smem:$0x3FB2];
	_ =	sdelay $0x3  }
0x37: {  	[smem:$0x3FB2] =	sst s10  }
0x38: {  	s10 =	sld [smem:$0x3FB3]  }
0x39: {  	_ = 	snop;
	(pc) =	sbr.ind lr, $3  }
0x3a: {  	_ = 	snop  }
0x3b: {  	_ = 	snop  }
0x3c: {  	p2 =	seq.s32 s10, $0x1;
	s10 =	sld [smem:$0x3FB2]  }
0x3d: {  	_ =	shalt  }
0x3e: {  	_ =	shalt  }
0x3f: {  	_ =	shalt  }
0x40: {  	_ =	shalt  }
0x41: {  	_ =	shalt  }
0x42: {  	_ =	shalt  }
0x43: {  	_ =	shalt  }
0x44: {  	_ =	shalt  }
0x45: {  	_ =	shalt  }
0x46: {  	_ =	shalt  }
0x47: {  	_ =	shalt  }
0x48: {  	_ =	shalt  }
0x49: {  	_ =	shalt  }
0x4a: {  	_ =	shalt  }
0x4b: {  	_ =	shalt  }
0x4c: {  	_ =	shalt  }
0x4d: {  	_ =	shalt  }
0x4e: {  	_ =	shalt  }
0x4f: {  	_ =	shalt  }
0x50: {  	_ =	shalt  }
0x51: {  	_ =	shalt  }
0x52: {  	_ =	shalt  }
0x53: {  	_ =	shalt  }
0x54: {  	_ =	shalt  }
0x55: {  	_ =	shalt  }
0x56: {  	_ =	shalt  }
0x57: {  	_ =	shalt  }
0x58: {  	_ =	shalt  }
0x59: {  	_ =	shalt  }
0x5a: {  	_ =	shalt  }
0x5b: {  	_ =	shalt  }
0x5c: {  	_ =	shalt  }
0x5d: {  	_ =	shalt  }
0x5e: {  	_ =	shalt  }
0x5f: {  	_ =	shalt  }
0x60: {  	_ =	shalt  }
0x61: {  	_ =	shalt  }
0x62: {  	_ =	shalt  }
0x63: {  	_ =	shalt  }
0x64: {  	_ =	shalt  }
0x65: {  	_ =	shalt  }
0x66: {  	_ =	shalt  }
0x67: {  	_ =	shalt  }
0x68: {  	_ =	shalt  }
0x69: {  	_ =	shalt  }
0x6a: {  	_ =	shalt  }
0x6b: {  	_ =	shalt  }
0x6c: {  	_ =	shalt  }
0x6d: {  	_ =	shalt  }
0x6e: {  	_ =	shalt  }
0x6f: {  	_ =	shalt  }
0x70: {  	_ =	shalt  }
0x71: {  	_ =	shalt  }
0x72: {  	_ =	shalt  }
0x73: {  	_ =	shalt  }
0x74: {  	_ =	shalt  }
0x75: {  	_ =	shalt  }
0x76: {  	_ =	shalt  }
0x77: {  	_ =	shalt  }
0x78: {  	_ =	shalt  }
0x79: {  	_ =	shalt  }
0x7a: {  	_ =	shalt  }
0x7b: {  	_ =	shalt  }
0x7c: {  	_ =	shalt  }
0x7d: {  	_ =	shalt  }
0x7e: {  	_ =	shalt  }
0x7f: {  	_ =	shalt  }
0x80: {  	_ =	shalt  }
0x81: {  	_ =	shalt  }
0x82: {  	_ =	shalt  }
0x83: {  	_ =	shalt  }
0x84: {  	_ =	shalt  }
0x85: {  	_ =	shalt  }
0x86: {  	_ =	shalt  }
0x87: {  	_ =	shalt  }
.Lfunc_end0:
.L_simem_size_0:
called_computation.1_lowered:
.L_overlay_start_0:
0x88: {  	s2 =	sld [smem:$0x3FD9]  }
0x89: {  	s3 =	sld [smem:$0x3FFE];
	_ =	sdelay $0x1  }
0x8a: {  	s1 =	srdreg.scid  }
0x8b: {  	s0 =	sand.u32 $0x1, s1  }
0x8c: {  	s14 =	sshll.u32 s0, $0xA;
	s2 =	sadd.s32 s3, s2  }
0x8d: {  	s2 =	sadd.s32 s2, s14  }
0x8e: {  	[smem:$0x3FBE] =	sst s2  }
0x8f: {  	_ = 	snop  }
0x90: {  	s2 =	sld [smem:$0x3FD0];
	_ =	sdelay $0x2  }
0x91: {  	s15 =	simm.s32 $0xA;
	s4 =	simm.s32 $0x10  }
0x92: {  	[smem:s4], [sflag:s15] =	dma.local [hbm:s2], $0x1  }
0x93: {  	_ =	swait.eq [sflag:s15], $0x1  }
0x94: {  	[sflag:s15] =	ssyncset.done $0x0  }
0x95: {  	s16 =	sld [smem:$0x10];
	[sflag:s15] =	ssyncadd.s32 $0xFFFFFFFF  }
0x96: {  	s17 =	sld [smem:$0x11];
	(tm) =	ssettm $0x1  }
0x97: {  	s18 =	sld [smem:$0x3FFB];
	_ =	sdelay $0x3  }
0x98: {  	_ =	strace s18  }
0x99: {  	s4 =	sld [smem:$0x3FFC];
	_ =	sdelay $0x3  }
0x9a: {  	_ =	strace s4  }
0x9b: {  	s4 =	sld [smem:$0x3FFD];
	_ =	sdelay $0x3  }
0x9c: {  	_ =	strace s4  }
0x9d: {  	_ =	strace $0x8FFFFFFF  }
0x9e: {  	s19 =	sld [smem:$0x3FDB];
	_ =	sdelay $0x1  }
0x9f: {  	s5 =	simm.s32 $_scs_section_size  }
0xa0: {  	s6 =	simm.s32 $_size__tile_overlayer_lowered;
	s7 =	simm.s32 $_tile_overlayer_lowered  }
0xa1: {  	s22 =	simm.s32 $0x1BFF;
	s21 =	sshll.u32 s7, $0x1;
	s4 =	sadd.s32 s5, s19  }
0xa2: {  	s8 =	simm.s32 $0x0;
	s20 =	sshll.u32 s6, $0x1;
	s6 =	sadd.s32 s21, s4  }
0xa3: {  	[timem:s8], [sflag:s22] =	dma.local [hbm:s6], s20  }
0xa4: {  	_ =	swait.ge [sflag:s22], s20  }
0xa5: {  	s5 =	ssub.s32 $0x0, s20;
	[sflag:s22] =	ssyncset.done $0x0  }
0xa6: {  	[sflag:s22] =	ssyncadd.s32 s5;
	_ =	sdelay $0x1  }
0xa7: {  	s23 =	simm.s32 $0x1B8B  }
0xa8: {  	_ =	swait.ge [sflag:s23], $0x1  }
0xa9: {  	[sflag:s23] =	ssyncset.done $0x0  }
0xaa: {  	s25 =	simm.s32 $0x1B8E;
	s24 =	sld [smem:$0x3FFE];
	[sflag:s23] =	ssyncadd.s32 $0xFFFFFFFF  }
0xab: {  	s26 =	simm.s32 $execute0_lowered;
	[smem:$0x3FD2] =	sst s25  }
0xac: {  	s6 =	sshll.u32 s26, $0x1;
	_ =	strace $0x80000049;
	[dreg:$0x1] =	wrdreg $0xFFFFFFFF  }
0xad: {  	s28 =	simm.s32 $_size_execute0_lowered;
	s4 =	sadd.s32 s4, s6;
	[dreg:$0x0] =	wrdreg $0x0  }
0xae: {  	s6 =	sshll.u32 s28, $0x1;
	[dreg:$0x2] =	wrdreg s4  }
0xaf: {  	[dreg:$0x3] =	wrdreg s6  }
0xb0: {  	[dreg:$0x4] =	wrdreg $0xC0  }
0xb1: {  	_ =	task [dreg:s8], $0x5FFFF  }
0xb2: {  	[dreg:$0x1] =	wrdreg $0xFFFFFFFF  }
0xb3: {  	[dreg:$0x0] =	wrdreg $0x60  }
0xb4: {  	[dreg:$0x2] =	wrdreg s24  }
0xb5: {  	[dreg:$0x3] =	wrdreg s17  }
0xb6: {  	[dreg:$0x4] =	wrdreg s16  }
0xb7: {  	[dreg:$0x5] =	wrdreg $0xA5000  }
0xb8: {  	[dreg:$0x6] =	wrdreg $0x9  }
0xb9: {  	_ =	task.clear_ibuf [dreg:s8], $0x7FFFF;
	_ =	strace $0x90000049  }
0xba: {  	s29 =	simm.s32 $0x9;
	_ =	strace $0x8000004B  }
0xbb: {  	_ =	swait.ge [sflag:s29], $0x1  }
0xbc: {  	[sflag:s29] =	ssyncadd.s32 $0xFFFFFFFF  }
0xbd: {  	_ =	strace $0x9000004B  }
0xbe: {  	_ =	sfence  }
0xbf: {  	s30 =	sld [smem:$0x0];
	_ =	sdelay $0x2  }
0xc0: {  	s31 =	sshll.u32 s1, $0xD;
	s1 =	sshrl.u32 s1, $0x2  }
0xc1: {  	s3 =	sand.u32 $0x4000, s31;
	s1 =	sadd.s32 s1, s30  }
0xc2: {  	s0 =	sor.u32 s3, s0;
	s1 =	sshll.u32 s1, $0x11  }
0xc3: {  	s0 =	sor.u32 s1, s0  }
0xc4: {  	s0 =	sadd.s32 $0x8F2B, s0  }
0xc5: {  	[sflag:s0] =	ssyncadd.remote.s32 $0x1  }
0xc6: {  	_ =	sfence.sel $0xFFFF  }
0xc7: {  	[dreg:$0x0] =	wrdreg $0xFFFFFFFF;
	(pc) =	sbr.abs _section_cstart, $3  }
0xc8: {  	[dreg:$0x1] =	wrdreg $0xFFFFFFFF  }
0xc9: {  	_ =	task.clear_ibuf [dreg:s8], $0x2FFFF;
	_ =	strace $0x9FFFFFFF  }
0xca: {  	(tm) =	ssettm $0x7FFFFFFF  }
0xcb: {  	_ =	shalt  }
tec
execute0_lowered:
.L_overlay_start_1:
0x0: {  	(tag) =	ssettag $0x1  }
0x1: {  	s5 =	rddreg [dreg:$0x0]  }
0x2: {  	s7 =	rddreg [dreg:$0x1];
	s1 =	stileid.u32  }
0x3: {  	s8 =	rddreg [dreg:$0x2];
	s9 =	smul.u32 $0x14000, s1  }
0x4: {  	s0 =	srdreg.scid;
	s10 =	smul.u32 $0x50000, s1  }
0x5: {  	s2 =	rddreg [dreg:$0x3];
	s3 =	simm.s32 $0x0;
	s26 =	smul.u32 $0x3E80, s1  }
0x6: {  	s6 =	sand.u32 $0x1, s0;
	s0 =	rddreg [dreg:$0x4];
	s14 =	smul.u32 $0x2800, s1  }
0x7: {  	s16 =	simm.s32 $0x0;
	[smem:$0x7FF] =	sst s3;
	s4 =	smul.u32 $0x140000, s6  }
0x8: {  	s30 =	sshll.u32 s1, $0x6;
	_ =	strace $0x8000004A;
	s11 =	smul.u32 $0x28000, s6  }
0x9: {  	s12 =	smul.u32 $0x3E800, s6;
	s25 =	ssub.s32 $0x2, s6;
	s6 =	sor.u32 $0x1C01, s30  }
0xa: {  	s13 =	sshrl.u32 s25, $0x1;
	s10 =	sshrl.u32 s10, $0x2;
	s9 =	sadd.s32 s9, s4  }
0xb: {  	s4 =	sadd.s32 $0x1E00, s5;
	s13 =	ssub.s32 s25, s13;
	s15 =	sadd.s32 s10, s2  }
0xc: {  	s28 =	sadd.s32 s26, s12;
	s29 =	sadd.s32 s14, s11;
	s12 =	simm.s32 $0x1  }
0xd: {  	s14 =	simm.s32 $0x50;
	s9 =	sshrl.u32 s9, $0x3;
	s31 =	sshrl.u32 s28, $0x3  }
0xe: {  	s10 =	smax.u32 s13, $0x1;
	s11 =	sshrl.u32 s15, $0x3;
	s13 =	simm.s32 $0x3E80  }
0xf: {  	s15 =	simm.s32 $0x7D00;
	s9 =	sadd.s32 s9, s5;
	s5 =	sadd.s32 s4, s29  }
0x10: {  	s7 =	sadd.s32 s7, s31;
	s8 =	sadd.s32 s8, s31;
	s9 =	sadd.s32 $0x51E00, s9  }
.LBB2_1:
0x11: {  	[spmem:s11], [sflag:s6] =	dma.local [hbm:s5], $0x2800  }
0x12: {  	_ =	swait.ge [sflag:s12], $0x2800  }
0x13: {  	[sflag:s12] =	ssyncset.done $0x0  }
0x14: {  	[sflag:s12] =	ssyncadd.s32 $0xFFFFD800  }
0x15: {  	[tilespmem:s3], [sflag:$0x1] =	stream.linear.gather [hbm4b:s7+s3], $0x3E80, $0x38;
	[tilespmem:$0x1E500] =	vst v63  }
0x16: {  	_ =	swait.ge [sflag:s12], $0x3E80  }
0x17: {  	[sflag:s12] =	ssyncset.done $0x0  }
0x18: {  	[sflag:s12] =	ssyncadd.s32 $0xFFFFC180  }
0x19: {  	[tilespmem:s13], [sflag:$0x1] =	stream.linear.gather [hbm4b:s8+s3], $0x3E80, $0x38;
	[tilespmem:$0x1E500] =	vst v63  }
0x1a: {  	_ =	swait.ge [sflag:s12], $0x3E80  }
0x1b: {  	[sflag:s12] =	ssyncset.done $0x0  }
0x1c: {  	[sflag:s12] =	ssyncadd.s32 $0xFFFFC180  }
0x1d: {  	s17 =	simm.s32 $0x0;
	[bflag:$0x0] =	sbarrier.arrive $0xFFFF  }
0x1e: {  	[tilespmem:s15], [sflag:$0x1] =	stream.indirect.gather [hbm4b:s4+s14], $0x80, s17, s14, $0xb8;
	[tilespmem:$0x1E500] =	vst v63  }
0x1f: {  	_ =	swait.ge [sflag:s12], $0x2800  }
0x20: {  	[sflag:s12] =	ssyncset.done $0x0  }
0x21: {  	s31 =	simm.s32 $0x3E80;
	[sflag:s12] =	ssyncadd.s32 $0xFFFFD800  }
0x22: {  	[spmem:s2] =	stream.indirect.scatter.add.f32 [tilespmem:s15], [sflag:$0x1], $0x80, s31, s14, $0xb8;
	[tilespmem:$0x1E500] =	vst v63  }
0x23: {  	_ =	swait.ge [sflag:s12], $0x2800  }
0x24: {  	s18 =	simm.s32 $0x400;
	s17 =	simm.s32 $0x200;
	[sflag:s12] =	ssyncset.done $0x0  }
.LBB2_2:
0x25: {  	s19 =	sshra.s32 s17, $0x2  }
0x26: {  	[sflag:s12] =	ssyncadd.s32 $0xFFFFD800;
	s17 =	smov.u32 s18;
	s20 =	sadd.s32 $0x200, s18  }
0x27: {  	[tilespmem:s15], [sflag:$0x1] =	stream.indirect.gather [hbm4b:s4+s14], $0x80, s19, s14, $0xb8;
	[tilespmem:$0x1E500] =	vst v63  }
0x28: {  	p0 =	sne.s32 s18, $0xF800;
	_ =	swait.ge [sflag:s12], $0x2800  }
.Ltmp0:
0x29: {  	[sflag:s12] =	ssyncset.done $0x0;
	(pc) =	sbr.rel @p0 .LBB2_2-.Ltmp0, $4  }
0x2a: {  	s18 =	sadd.s32 $0x3E80, s19;
	[sflag:s12] =	ssyncadd.s32 $0xFFFFD800  }
0x2b: {  	[spmem:s2] =	stream.indirect.scatter.add.f32 [tilespmem:s15], [sflag:$0x1], $0x80, s18, s14, $0xb8;
	[tilespmem:$0x1E500] =	vst v63  }
0x2c: {  	_ =	swait.ge [sflag:s12], $0x2800  }
0x2d: {  	s18 =	smov.u32 s20;
	[sflag:s12] =	ssyncset.done $0x0  }
0x2e: {  	s17 =	sshra.s32 s17, $0x2;
	[sflag:s12] =	ssyncadd.s32 $0xFFFFD800  }
0x2f: {  	[tilespmem:s15], [sflag:$0x1] =	stream.indirect.gather [hbm4b:s4+s14], $0x80, s17, s14, $0xb8;
	[tilespmem:$0x1E500] =	vst v63  }
0x30: {  	_ =	swait.ge [sflag:s12], $0x2800  }
0x31: {  	[sflag:s12] =	ssyncset.done $0x0  }
0x32: {  	s17 =	sadd.s32 $0x3E80, s17;
	[sflag:s12] =	ssyncadd.s32 $0xFFFFD800  }
0x33: {  	[spmem:s2] =	stream.indirect.scatter.add.f32 [tilespmem:s15], [sflag:$0x1], $0x80, s17, s14, $0xb8;
	[tilespmem:$0x1E500] =	vst v63  }
0x34: {  	_ =	swait.ge [sflag:s12], $0x2800  }
0x35: {  	s16 =	sadd.s32 $0x1, s16;
	[sflag:s12] =	ssyncset.done $0x0  }
0x36: {  	p0 =	sne.s32 s16, s10;
	[sflag:s12] =	ssyncadd.s32 $0xFFFFD800  }
.Ltmp1:
0x37: {  	[bflag:$0x0] =	sbarrier.arrive $0xFFFF;
	(pc) =	sbr.rel @p0 .LBB2_1-.Ltmp1, $4  }
0x38: {  	[hbm:s9], [sflag:s6] =	dma.local [spmem:s11], $0x2800  }
0x39: {  	_ =	swait.ge [sflag:s12], $0x2800  }
0x3a: {  	[sflag:s12] =	ssyncset.done $0x0  }
0x3b: {  	[sflag:s12] =	ssyncadd.s32 $0xFFFFD800  }
0x3c: {  	_ =	sfence.sel $0x180000  }
0x3d: {  	[bflag:$0x0] =	sbarrier.arrive $0xFFFF  }
0x3e: {  	p0 =	sne.s32 s1, $0x0;
	_ =	strace $0x9000004A  }
0x3f: {  	s0 =	sadd.s32 @!p0 $0x100000, s0;
	[bflag:$0x2] =	sbarrier.arrive $0xFFFF  }
0x40: {  	[sflag:s0] =	ssyncadd.tile.s32 @!p0 $0x1;
	_ =	shalt  }
.Lfunc_end2:
_tile_overlayer_lowered:
.L_overlay_start_2:
0x41: {  	(tag) =	ssettag $0x2  }
0x42: {  	s0 =	rddreg [dreg:$0x0];
	s2 =	stileid.u32  }
0x43: {  	s1 =	rddreg [dreg:$0x1];
	p0 =	sne.s32 s2, $0x0  }
0x44: {  	s3 =	rddreg [dreg:$0x2];
	[bflag:$0x3] =	sbarrier.arrive $0xFFFF;
	s2 =	simm.s32 @!p0 $0x1C01  }
0x45: {  	[timem:s3], [sflag:s2] =	dma.local @!p0 [hbm:s0], s1  }
0x46: {  	s0 =	simm.s32 @!p0 $0x1  }
0x47: {  	_ =	swait.ge @!p0 [sflag:s0], s1  }
0x48: {  	s1 =	ssub.s32 @!p0 $0x0, s1;
	[sflag:s0] =	ssyncset.done @!p0 $0x0  }
0x49: {  	[sflag:s0] =	ssyncadd.s32 @!p0 s1  }
0x4a: {  	[bflag:$0x3] =	sbarrier.arrive $0xFFFF  }
0x4b: {  	_ =	shalt  }

// kernel: kernel.16.cloned.1.call-start
scs
__scs_entry_jumppad:
0x0: {  	(pc) =	sbr.rel $0x88, $3  }
0x1: {  	(tag) =	ssettag $0x0;
	lr =	simm.s32 $0x1  }
0x2: {  	[smem:$0x3F97] =	sst lr;
	_ =	strace $0xD0000000  }
0x3: {  	_ = 	snop  }
0x4: {  	_ = 	snop  }
0x5: {  	_ = 	snop  }
0x6: {  	_ = 	snop  }
0x7: {  	_ = 	snop  }
__scs_overlays_trampoline_lowered:
0x8: {  	[smem:$0x3FA6] =	sst s0  }
0x9: {  	[smem:$0x3FA7] =	sst s1  }
0xa: {  	[smem:$0x3FA8] =	sst s2  }
0xb: {  	[smem:$0x3FA9] =	sst s3  }
0xc: {  	[smem:$0x3FAA] =	sst s4  }
0xd: {  	[smem:$0x3FAB] =	sst s5  }
0xe: {  	[smem:$0x3FAC] =	sst s6  }
0xf: {  	[smem:$0x3FAD] =	sst s7  }
0x10: {  	[smem:$0x3FAE] =	sst s8  }
0x11: {  	[smem:$0x3FAF] =	sst s9;
	s0 =	simm.s32 @!p0 $0x0  }
0x12: {  	s1 =	sld [smem:$0x3F95];
	s0 =	simm.s32 @p0 $0x1  }
0x13: {  	[smem:$0x3FB0] =	sst s0;
	s0 =	simm.s32 @!p1 $0x0  }
0x14: {  	s2 =	sld [smem:$0x3F94];
	s0 =	simm.s32 @p1 $0x1  }
0x15: {  	[smem:$0x3FB1] =	sst s0;
	s0 =	simm.s32 @!p2 $0x0  }
0x16: {  	s3 =	sld [smem:$0x3FDB];
	s0 =	simm.s32 @p2 $0x1  }
0x17: {  	s4 =	simm.s32 $0x1BF5;
	[smem:$0x3FB3] =	sst s0  }
0x18: {  	s0 =	sld [smem:$0x3F96];
	_ =	swait.ge [sflag:s4], $0x0  }
0x19: {  	s7 =	sld [smem:$0x3F97]  }
0x1a: {  	s8 =	sadd.s32 $0xFFFFE003, lr  }
0x1b: {  	s9 =	sadd.s32 $0xFFFFFEF7, lr;
	s5 =	simm.s32 $0xFFFFFFFF;
	p2 =	slt.u32 s8, $0xFFFFF086  }
0x1c: {  	p1 =	slt.u32 s9, $0xF7A;
	s5 =	simm.s32 @!p2 $0x0  }
0x1d: {  	s5 =	simm.s32 @p1 $0x1;
	p0 =	seq.s32 s7, s2  }
0x1e: {  	s7 =	smul.u32 @!p0 $0xF7A, s2;
	p2 =	seq.s32 @!p0 s5, $0x0  }
0x1f: {  	s9 =	smul.u32 $0xF7A, s1;
	s8 =	simm.s32 @!p0 $0x1BF5;
	p2 =	por !p2, p0  }
0x20: {  	[sflag:s8] =	ssyncset.s32 @!p0 $0xFFFFF086;
	s6 =	sadd.s32 @!p0 s3, s7;
	s7 =	simm.s32 @!p0 $0x108  }
0x21: {  	s3 =	sadd.s32 s3, s9;
	s6 =	sadd.s32 @!p0 $0x88, s6;
	s7 =	simm.s32 @p2 $0x1082  }
0x22: {  	[simem:s7], [sflag:s8] =	dma.local @!p0 [hbm:s6], $0xF7A  }
0x23: {  	s9 =	sor.u32 $0xD0000000, s2;
	s6 =	simm.s32 $0x108;
	_ =	swait.ge @!p0 [sflag:s8], $0x0  }
0x24: {  	s3 =	sadd.s32 $0x88, s3;
	s6 =	simm.s32 @!p1 $0x1082;
	[sflag:s4] =	ssyncset.s32 $0xFFFFF086  }
0x25: {  	[simem:s6], [sflag:s4] =	dma.local [hbm:s3], $0xF7A  }
0x26: {  	[smem:$0x3F97] =	sst s1;
	(tag) =	ssettag s2;
	_ =	strace s9  }
0x27: {  	s1 =	sld [smem:$0x3FA7]  }
0x28: {  	s2 =	sld [smem:$0x3FA8]  }
0x29: {  	s4 =	sld [smem:$0x3FAA]  }
0x2a: {  	p0 =	seq.s32 s5, $0x0;
	s5 =	sld [smem:$0x3FAB]  }
0x2b: {  	s6 =	sld [smem:$0x3FAC]  }
0x2c: {  	s7 =	sld [smem:$0x3FAD]  }
0x2d: {  	s3 =	simm.s32 $0x108;
	s8 =	sld [smem:$0x3FAE]  }
0x2e: {  	s3 =	simm.s32 @!p0 $0x1082;
	s9 =	sld [smem:$0x3FAF]  }
0x2f: {  	lr =	sadd.s32 s0, s3;
	s0 =	sld [smem:$0x3FA6]  }
0x30: {  	s3 =	sld [smem:$0x3FA9]  }
0x31: {  	[smem:$0x3FB2] =	sst s10  }
0x32: {  	s10 =	sld [smem:$0x3FB0];
	_ =	sdelay $0x3  }
0x33: {  	p0 =	seq.s32 s10, $0x1;
	s10 =	sld [smem:$0x3FB2];
	_ =	sdelay $0x3  }
0x34: {  	[smem:$0x3FB2] =	sst s10  }
0x35: {  	s10 =	sld [smem:$0x3FB1];
	_ =	sdelay $0x3  }
0x36: {  	p1 =	seq.s32 s10, $0x1;
	s10 =	sld [smem:$0x3FB2];
	_ =	sdelay $0x3  }
0x37: {  	[smem:$0x3FB2] =	sst s10  }
0x38: {  	s10 =	sld [smem:$0x3FB3]  }
0x39: {  	_ = 	snop;
	(pc) =	sbr.ind lr, $3  }
0x3a: {  	_ = 	snop  }
0x3b: {  	_ = 	snop  }
0x3c: {  	p2 =	seq.s32 s10, $0x1;
	s10 =	sld [smem:$0x3FB2]  }
0x3d: {  	_ =	shalt  }
0x3e: {  	_ =	shalt  }
0x3f: {  	_ =	shalt  }
0x40: {  	_ =	shalt  }
0x41: {  	_ =	shalt  }
0x42: {  	_ =	shalt  }
0x43: {  	_ =	shalt  }
0x44: {  	_ =	shalt  }
0x45: {  	_ =	shalt  }
0x46: {  	_ =	shalt  }
0x47: {  	_ =	shalt  }
0x48: {  	_ =	shalt  }
0x49: {  	_ =	shalt  }
0x4a: {  	_ =	shalt  }
0x4b: {  	_ =	shalt  }
0x4c: {  	_ =	shalt  }
0x4d: {  	_ =	shalt  }
0x4e: {  	_ =	shalt  }
0x4f: {  	_ =	shalt  }
0x50: {  	_ =	shalt  }
0x51: {  	_ =	shalt  }
0x52: {  	_ =	shalt  }
0x53: {  	_ =	shalt  }
0x54: {  	_ =	shalt  }
0x55: {  	_ =	shalt  }
0x56: {  	_ =	shalt  }
0x57: {  	_ =	shalt  }
0x58: {  	_ =	shalt  }
0x59: {  	_ =	shalt  }
0x5a: {  	_ =	shalt  }
0x5b: {  	_ =	shalt  }
0x5c: {  	_ =	shalt  }
0x5d: {  	_ =	shalt  }
0x5e: {  	_ =	shalt  }
0x5f: {  	_ =	shalt  }
0x60: {  	_ =	shalt  }
0x61: {  	_ =	shalt  }
0x62: {  	_ =	shalt  }
0x63: {  	_ =	shalt  }
0x64: {  	_ =	shalt  }
0x65: {  	_ =	shalt  }
0x66: {  	_ =	shalt  }
0x67: {  	_ =	shalt  }
0x68: {  	_ =	shalt  }
0x69: {  	_ =	shalt  }
0x6a: {  	_ =	shalt  }
0x6b: {  	_ =	shalt  }
0x6c: {  	_ =	shalt  }
0x6d: {  	_ =	shalt  }
0x6e: {  	_ =	shalt  }
0x6f: {  	_ =	shalt  }
0x70: {  	_ =	shalt  }
0x71: {  	_ =	shalt  }
0x72: {  	_ =	shalt  }
0x73: {  	_ =	shalt  }
0x74: {  	_ =	shalt  }
0x75: {  	_ =	shalt  }
0x76: {  	_ =	shalt  }
0x77: {  	_ =	shalt  }
0x78: {  	_ =	shalt  }
0x79: {  	_ =	shalt  }
0x7a: {  	_ =	shalt  }
0x7b: {  	_ =	shalt  }
0x7c: {  	_ =	shalt  }
0x7d: {  	_ =	shalt  }
0x7e: {  	_ =	shalt  }
0x7f: {  	_ =	shalt  }
0x80: {  	_ =	shalt  }
0x81: {  	_ =	shalt  }
0x82: {  	_ =	shalt  }
0x83: {  	_ =	shalt  }
0x84: {  	_ =	shalt  }
0x85: {  	_ =	shalt  }
0x86: {  	_ =	shalt  }
0x87: {  	_ =	shalt  }
.Lfunc_end0:
.L_simem_size_0:
called_computation.2_lowered:
.L_overlay_start_0:
0x88: {  	s2 =	sld [smem:$0x3FD9]  }
0x89: {  	s3 =	sld [smem:$0x3FFE];
	_ =	sdelay $0x1  }
0x8a: {  	s1 =	srdreg.scid  }
0x8b: {  	s0 =	sand.u32 $0x1, s1  }
0x8c: {  	s14 =	sshll.u32 s0, $0xA;
	s2 =	sadd.s32 s3, s2  }
0x8d: {  	s2 =	sadd.s32 s2, s14  }
0x8e: {  	[smem:$0x3FBE] =	sst s2  }
0x8f: {  	_ = 	snop  }
0x90: {  	s2 =	sld [smem:$0x3FD0];
	_ =	sdelay $0x2  }
0x91: {  	s15 =	simm.s32 $0xA;
	s4 =	simm.s32 $0x10  }
0x92: {  	[smem:s4], [sflag:s15] =	dma.local [hbm:s2], $0x1  }
0x93: {  	_ =	swait.eq [sflag:s15], $0x1  }
0x94: {  	[sflag:s15] =	ssyncset.done $0x0  }
0x95: {  	s16 =	sld [smem:$0x10];
	[sflag:s15] =	ssyncadd.s32 $0xFFFFFFFF  }
0x96: {  	s17 =	sld [smem:$0x11];
	(tm) =	ssettm $0x1  }
0x97: {  	s18 =	sld [smem:$0x3FFB];
	_ =	sdelay $0x3  }
0x98: {  	_ =	strace s18  }
0x99: {  	s4 =	sld [smem:$0x3FFC];
	_ =	sdelay $0x3  }
0x9a: {  	_ =	strace s4  }
0x9b: {  	s4 =	sld [smem:$0x3FFD];
	_ =	sdelay $0x3  }
0x9c: {  	_ =	strace s4  }
0x9d: {  	_ =	strace $0x8FFFFFFF  }
0x9e: {  	s19 =	sld [smem:$0x3FDB];
	_ =	sdelay $0x1  }
0x9f: {  	s5 =	simm.s32 $_scs_section_size  }
0xa0: {  	s6 =	simm.s32 $_size__tile_overlayer_lowered;
	s7 =	simm.s32 $_tile_overlayer_lowered  }
0xa1: {  	s22 =	simm.s32 $0x1BFF;
	s21 =	sshll.u32 s7, $0x1;
	s4 =	sadd.s32 s5, s19  }
0xa2: {  	s8 =	simm.s32 $0x0;
	s20 =	sshll.u32 s6, $0x1;
	s6 =	sadd.s32 s21, s4  }
0xa3: {  	[timem:s8], [sflag:s22] =	dma.local [hbm:s6], s20  }
0xa4: {  	_ =	swait.ge [sflag:s22], s20  }
0xa5: {  	s5 =	ssub.s32 $0x0, s20;
	[sflag:s22] =	ssyncset.done $0x0  }
0xa6: {  	[sflag:s22] =	ssyncadd.s32 s5;
	_ =	sdelay $0x1  }
0xa7: {  	s23 =	simm.s32 $0x1B8B  }
0xa8: {  	_ =	swait.ge [sflag:s23], $0x1  }
0xa9: {  	[sflag:s23] =	ssyncset.done $0x0  }
0xaa: {  	s25 =	simm.s32 $0x1B8E;
	s24 =	sld [smem:$0x3FFE];
	[sflag:s23] =	ssyncadd.s32 $0xFFFFFFFF  }
0xab: {  	s26 =	simm.s32 $execute0_lowered;
	[smem:$0x3FD2] =	sst s25  }
0xac: {  	s6 =	sshll.u32 s26, $0x1;
	_ =	strace $0x8000004C;
	[dreg:$0x1] =	wrdreg $0xFFFFFFFF  }
0xad: {  	s28 =	simm.s32 $_size_execute0_lowered;
	s4 =	sadd.s32 s4, s6;
	[dreg:$0x0] =	wrdreg $0x0  }
0xae: {  	s6 =	sshll.u32 s28, $0x1;
	[dreg:$0x2] =	wrdreg s4  }
0xaf: {  	[dreg:$0x3] =	wrdreg s6  }
0xb0: {  	[dreg:$0x4] =	wrdreg $0xC0  }
0xb1: {  	_ =	task [dreg:s8], $0x5FFFF  }
0xb2: {  	[dreg:$0x1] =	wrdreg $0xFFFFFFFF  }
0xb3: {  	[dreg:$0x0] =	wrdreg $0x60  }
0xb4: {  	[dreg:$0x2] =	wrdreg s24  }
0xb5: {  	[dreg:$0x3] =	wrdreg s17  }
0xb6: {  	[dreg:$0x4] =	wrdreg s16  }
0xb7: {  	[dreg:$0x5] =	wrdreg $0xA5000  }
0xb8: {  	[dreg:$0x6] =	wrdreg $0x9  }
0xb9: {  	_ =	task.clear_ibuf [dreg:s8], $0x7FFFF;
	_ =	strace $0x9000004C  }
0xba: {  	s29 =	simm.s32 $0x9;
	_ =	strace $0x8000004E  }
0xbb: {  	_ =	swait.ge [sflag:s29], $0x1  }
0xbc: {  	[sflag:s29] =	ssyncadd.s32 $0xFFFFFFFF  }
0xbd: {  	_ =	strace $0x9000004E  }
0xbe: {  	_ =	sfence  }
0xbf: {  	s30 =	sld [smem:$0x0];
	_ =	sdelay $0x2  }
0xc0: {  	s31 =	sshll.u32 s1, $0xD;
	s1 =	sshrl.u32 s1, $0x2  }
0xc1: {  	s3 =	sand.u32 $0x4000, s31;
	s1 =	sadd.s32 s1, s30  }
0xc2: {  	s0 =	sor.u32 s3, s0;
	s1 =	sshll.u32 s1, $0x11  }
0xc3: {  	s0 =	sor.u32 s1, s0  }
0xc4: {  	s0 =	sadd.s32 $0x8F2B, s0  }
0xc5: {  	[sflag:s0] =	ssyncadd.remote.s32 $0x1  }
0xc6: {  	_ =	sfence.sel $0xFFFF  }
0xc7: {  	[dreg:$0x0] =	wrdreg $0xFFFFFFFF;
	(pc) =	sbr.abs _section_cstart, $3  }
0xc8: {  	[dreg:$0x1] =	wrdreg $0xFFFFFFFF  }
0xc9: {  	_ =	task.clear_ibuf [dreg:s8], $0x2FFFF;
	_ =	strace $0x9FFFFFFF  }
0xca: {  	(tm) =	ssettm $0x7FFFFFFF  }
0xcb: {  	_ =	shalt  }
tec
execute0_lowered:
.L_overlay_start_1:
0x0: {  	(tag) =	ssettag $0x1  }
0x1: {  	s5 =	rddreg [dreg:$0x0]  }
0x2: {  	s7 =	rddreg [dreg:$0x1];
	s1 =	stileid.u32  }
0x3: {  	s8 =	rddreg [dreg:$0x2];
	s9 =	smul.u32 $0x14000, s1  }
0x4: {  	s0 =	srdreg.scid;
	s10 =	smul.u32 $0x50000, s1  }
0x5: {  	s2 =	rddreg [dreg:$0x3];
	s3 =	simm.s32 $0x0;
	s26 =	smul.u32 $0x3E80, s1  }
0x6: {  	s6 =	sand.u32 $0x1, s0;
	s0 =	rddreg [dreg:$0x4];
	s14 =	smul.u32 $0x2800, s1  }
0x7: {  	s16 =	simm.s32 $0x0;
	[smem:$0x7FF] =	sst s3;
	s4 =	smul.u32 $0x140000, s6  }
0x8: {  	s30 =	sshll.u32 s1, $0x6;
	_ =	strace $0x8000004D;
	s11 =	smul.u32 $0x28000, s6  }
0x9: {  	s12 =	smul.u32 $0x3E800, s6;
	s25 =	ssub.s32 $0x2, s6;
	s6 =	sor.u32 $0x1C01, s30  }
0xa: {  	s13 =	sshrl.u32 s25, $0x1;
	s10 =	sshrl.u32 s10, $0x2;
	s9 =	sadd.s32 s9, s4  }
0xb: {  	s4 =	sadd.s32 $0x1E00, s5;
	s13 =	ssub.s32 s25, s13;
	s15 =	sadd.s32 s10, s2  }
0xc: {  	s28 =	sadd.s32 s26, s12;
	s29 =	sadd.s32 s14, s11;
	s12 =	simm.s32 $0x1  }
0xd: {  	s14 =	simm.s32 $0x50;
	s9 =	sshrl.u32 s9, $0x3;
	s31 =	sshrl.u32 s28, $0x3  }
0xe: {  	s10 =	smax.u32 s13, $0x1;
	s11 =	sshrl.u32 s15, $0x3;
	s13 =	simm.s32 $0x3E80  }
0xf: {  	s15 =	simm.s32 $0x7D00;
	s9 =	sadd.s32 s9, s5;
	s5 =	sadd.s32 s4, s29  }
0x10: {  	s7 =	sadd.s32 s7, s31;
	s8 =	sadd.s32 s8, s31;
	s9 =	sadd.s32 $0x51E00, s9  }
.LBB2_1:
0x11: {  	[spmem:s11], [sflag:s6] =	dma.local [hbm:s5], $0x2800  }
0x12: {  	_ =	swait.ge [sflag:s12], $0x2800  }
0x13: {  	[sflag:s12] =	ssyncset.done $0x0  }
0x14: {  	[sflag:s12] =	ssyncadd.s32 $0xFFFFD800  }
0x15: {  	[tilespmem:s3], [sflag:$0x1] =	stream.linear.gather [hbm4b:s7+s3], $0x3E80, $0x38;
	[tilespmem:$0x1E500] =	vst v63  }
0x16: {  	_ =	swait.ge [sflag:s12], $0x3E80  }
0x17: {  	[sflag:s12] =	ssyncset.done $0x0  }
0x18: {  	[sflag:s12] =	ssyncadd.s32 $0xFFFFC180  }
0x19: {  	[tilespmem:s13], [sflag:$0x1] =	stream.linear.gather [hbm4b:s8+s3], $0x3E80, $0x38;
	[tilespmem:$0x1E500] =	vst v63  }
0x1a: {  	_ =	swait.ge [sflag:s12], $0x3E80  }
0x1b: {  	[sflag:s12] =	ssyncset.done $0x0  }
0x1c: {  	[sflag:s12] =	ssyncadd.s32 $0xFFFFC180  }
0x1d: {  	s17 =	simm.s32 $0x0;
	[bflag:$0x0] =	sbarrier.arrive $0xFFFF  }
0x1e: {  	[tilespmem:s15], [sflag:$0x1] =	stream.indirect.gather [hbm4b:s4+s14], $0x80, s17, s14, $0xb8;
	[tilespmem:$0x1E500] =	vst v63  }
0x1f: {  	_ =	swait.ge [sflag:s12], $0x2800  }
0x20: {  	[sflag:s12] =	ssyncset.done $0x0  }
0x21: {  	s31 =	simm.s32 $0x3E80;
	[sflag:s12] =	ssyncadd.s32 $0xFFFFD800  }
0x22: {  	[spmem:s2] =	stream.indirect.scatter.add.f32 [tilespmem:s15], [sflag:$0x1], $0x80, s31, s14, $0xb8;
	[tilespmem:$0x1E500] =	vst v63  }
0x23: {  	_ =	swait.ge [sflag:s12], $0x2800  }
0x24: {  	s18 =	simm.s32 $0x400;
	s17 =	simm.s32 $0x200;
	[sflag:s12] =	ssyncset.done $0x0  }
.LBB2_2:
0x25: {  	s19 =	sshra.s32 s17, $0x2  }
0x26: {  	[sflag:s12] =	ssyncadd.s32 $0xFFFFD800;
	s17 =	smov.u32 s18;
	s20 =	sadd.s32 $0x200, s18  }
0x27: {  	[tilespmem:s15], [sflag:$0x1] =	stream.indirect.gather [hbm4b:s4+s14], $0x80, s19, s14, $0xb8;
	[tilespmem:$0x1E500] =	vst v63  }
0x28: {  	p0 =	sne.s32 s18, $0xF800;
	_ =	swait.ge [sflag:s12], $0x2800  }
.Ltmp0:
0x29: {  	[sflag:s12] =	ssyncset.done $0x0;
	(pc) =	sbr.rel @p0 .LBB2_2-.Ltmp0, $4  }
0x2a: {  	s18 =	sadd.s32 $0x3E80, s19;
	[sflag:s12] =	ssyncadd.s32 $0xFFFFD800  }
0x2b: {  	[spmem:s2] =	stream.indirect.scatter.add.f32 [tilespmem:s15], [sflag:$0x1], $0x80, s18, s14, $0xb8;
	[tilespmem:$0x1E500] =	vst v63  }
0x2c: {  	_ =	swait.ge [sflag:s12], $0x2800  }
0x2d: {  	s18 =	smov.u32 s20;
	[sflag:s12] =	ssyncset.done $0x0  }
0x2e: {  	s17 =	sshra.s32 s17, $0x2;
	[sflag:s12] =	ssyncadd.s32 $0xFFFFD800  }
0x2f: {  	[tilespmem:s15], [sflag:$0x1] =	stream.indirect.gather [hbm4b:s4+s14], $0x80, s17, s14, $0xb8;
	[tilespmem:$0x1E500] =	vst v63  }
0x30: {  	_ =	swait.ge [sflag:s12], $0x2800  }
0x31: {  	[sflag:s12] =	ssyncset.done $0x0  }
0x32: {  	s17 =	sadd.s32 $0x3E80, s17;
	[sflag:s12] =	ssyncadd.s32 $0xFFFFD800  }
0x33: {  	[spmem:s2] =	stream.indirect.scatter.add.f32 [tilespmem:s15], [sflag:$0x1], $0x80, s17, s14, $0xb8;
	[tilespmem:$0x1E500] =	vst v63  }
0x34: {  	_ =	swait.ge [sflag:s12], $0x2800  }
0x35: {  	s16 =	sadd.s32 $0x1, s16;
	[sflag:s12] =	ssyncset.done $0x0  }
0x36: {  	p0 =	sne.s32 s16, s10;
	[sflag:s12] =	ssyncadd.s32 $0xFFFFD800  }
.Ltmp1:
0x37: {  	[bflag:$0x0] =	sbarrier.arrive $0xFFFF;
	(pc) =	sbr.rel @p0 .LBB2_1-.Ltmp1, $4  }
0x38: {  	[hbm:s9], [sflag:s6] =	dma.local [spmem:s11], $0x2800  }
0x39: {  	_ =	swait.ge [sflag:s12], $0x2800  }
0x3a: {  	[sflag:s12] =	ssyncset.done $0x0  }
0x3b: {  	[sflag:s12] =	ssyncadd.s32 $0xFFFFD800  }
0x3c: {  	_ =	sfence.sel $0x180000  }
0x3d: {  	[bflag:$0x0] =	sbarrier.arrive $0xFFFF  }
0x3e: {  	p0 =	sne.s32 s1, $0x0;
	_ =	strace $0x9000004D  }
0x3f: {  	s0 =	sadd.s32 @!p0 $0x100000, s0;
	[bflag:$0x2] =	sbarrier.arrive $0xFFFF  }
0x40: {  	[sflag:s0] =	ssyncadd.tile.s32 @!p0 $0x1;
	_ =	shalt  }
.Lfunc_end2:
_tile_overlayer_lowered:
.L_overlay_start_2:
0x41: {  	(tag) =	ssettag $0x2  }
0x42: {  	s0 =	rddreg [dreg:$0x0];
	s2 =	stileid.u32  }
0x43: {  	s1 =	rddreg [dreg:$0x1];
	p0 =	sne.s32 s2, $0x0  }
0x44: {  	s3 =	rddreg [dreg:$0x2];
	[bflag:$0x3] =	sbarrier.arrive $0xFFFF;
	s2 =	simm.s32 @!p0 $0x1C01  }
0x45: {  	[timem:s3], [sflag:s2] =	dma.local @!p0 [hbm:s0], s1  }
0x46: {  	s0 =	simm.s32 @!p0 $0x1  }
0x47: {  	_ =	swait.ge @!p0 [sflag:s0], s1  }
0x48: {  	s1 =	ssub.s32 @!p0 $0x0, s1;
	[sflag:s0] =	ssyncset.done @!p0 $0x0  }
0x49: {  	[sflag:s0] =	ssyncadd.s32 @!p0 s1  }
0x4a: {  	[bflag:$0x3] =	sbarrier.arrive $0xFFFF  }
0x4b: {  	_ =	shalt  }

// kernel: kernel.19.cloned.1.call-start
scs
__scs_entry_jumppad:
0x0: {  	(pc) =	sbr.rel $0x88, $3  }
0x1: {  	(tag) =	ssettag $0x0;
	lr =	simm.s32 $0x1  }
0x2: {  	[smem:$0x3F97] =	sst lr;
	_ =	strace $0xD0000000  }
0x3: {  	_ = 	snop  }
0x4: {  	_ = 	snop  }
0x5: {  	_ = 	snop  }
0x6: {  	_ = 	snop  }
0x7: {  	_ = 	snop  }
__scs_overlays_trampoline_lowered:
0x8: {  	[smem:$0x3FA6] =	sst s0  }
0x9: {  	[smem:$0x3FA7] =	sst s1  }
0xa: {  	[smem:$0x3FA8] =	sst s2  }
0xb: {  	[smem:$0x3FA9] =	sst s3  }
0xc: {  	[smem:$0x3FAA] =	sst s4  }
0xd: {  	[smem:$0x3FAB] =	sst s5  }
0xe: {  	[smem:$0x3FAC] =	sst s6  }
0xf: {  	[smem:$0x3FAD] =	sst s7  }
0x10: {  	[smem:$0x3FAE] =	sst s8  }
0x11: {  	[smem:$0x3FAF] =	sst s9;
	s0 =	simm.s32 @!p0 $0x0  }
0x12: {  	s1 =	sld [smem:$0x3F95];
	s0 =	simm.s32 @p0 $0x1  }
0x13: {  	[smem:$0x3FB0] =	sst s0;
	s0 =	simm.s32 @!p1 $0x0  }
0x14: {  	s2 =	sld [smem:$0x3F94];
	s0 =	simm.s32 @p1 $0x1  }
0x15: {  	[smem:$0x3FB1] =	sst s0;
	s0 =	simm.s32 @!p2 $0x0  }
0x16: {  	s3 =	sld [smem:$0x3FDB];
	s0 =	simm.s32 @p2 $0x1  }
0x17: {  	s4 =	simm.s32 $0x1BF5;
	[smem:$0x3FB3] =	sst s0  }
0x18: {  	s0 =	sld [smem:$0x3F96];
	_ =	swait.ge [sflag:s4], $0x0  }
0x19: {  	s7 =	sld [smem:$0x3F97]  }
0x1a: {  	s8 =	sadd.s32 $0xFFFFE003, lr  }
0x1b: {  	s9 =	sadd.s32 $0xFFFFFEF7, lr;
	s5 =	simm.s32 $0xFFFFFFFF;
	p2 =	slt.u32 s8, $0xFFFFF086  }
0x1c: {  	p1 =	slt.u32 s9, $0xF7A;
	s5 =	simm.s32 @!p2 $0x0  }
0x1d: {  	s5 =	simm.s32 @p1 $0x1;
	p0 =	seq.s32 s7, s2  }
0x1e: {  	s7 =	smul.u32 @!p0 $0xF7A, s2;
	p2 =	seq.s32 @!p0 s5, $0x0  }
0x1f: {  	s9 =	smul.u32 $0xF7A, s1;
	s8 =	simm.s32 @!p0 $0x1BF5;
	p2 =	por !p2, p0  }
0x20: {  	[sflag:s8] =	ssyncset.s32 @!p0 $0xFFFFF086;
	s6 =	sadd.s32 @!p0 s3, s7;
	s7 =	simm.s32 @!p0 $0x108  }
0x21: {  	s3 =	sadd.s32 s3, s9;
	s6 =	sadd.s32 @!p0 $0x88, s6;
	s7 =	simm.s32 @p2 $0x1082  }
0x22: {  	[simem:s7], [sflag:s8] =	dma.local @!p0 [hbm:s6], $0xF7A  }
0x23: {  	s9 =	sor.u32 $0xD0000000, s2;
	s6 =	simm.s32 $0x108;
	_ =	swait.ge @!p0 [sflag:s8], $0x0  }
0x24: {  	s3 =	sadd.s32 $0x88, s3;
	s6 =	simm.s32 @!p1 $0x1082;
	[sflag:s4] =	ssyncset.s32 $0xFFFFF086  }
0x25: {  	[simem:s6], [sflag:s4] =	dma.local [hbm:s3], $0xF7A  }
0x26: {  	[smem:$0x3F97] =	sst s1;
	(tag) =	ssettag s2;
	_ =	strace s9  }
0x27: {  	s1 =	sld [smem:$0x3FA7]  }
0x28: {  	s2 =	sld [smem:$0x3FA8]  }
0x29: {  	s4 =	sld [smem:$0x3FAA]  }
0x2a: {  	p0 =	seq.s32 s5, $0x0;
	s5 =	sld [smem:$0x3FAB]  }
0x2b: {  	s6 =	sld [smem:$0x3FAC]  }
0x2c: {  	s7 =	sld [smem:$0x3FAD]  }
0x2d: {  	s3 =	simm.s32 $0x108;
	s8 =	sld [smem:$0x3FAE]  }
0x2e: {  	s3 =	simm.s32 @!p0 $0x1082;
	s9 =	sld [smem:$0x3FAF]  }
0x2f: {  	lr =	sadd.s32 s0, s3;
	s0 =	sld [smem:$0x3FA6]  }
0x30: {  	s3 =	sld [smem:$0x3FA9]  }
0x31: {  	[smem:$0x3FB2] =	sst s10  }
0x32: {  	s10 =	sld [smem:$0x3FB0];
	_ =	sdelay $0x3  }
0x33: {  	p0 =	seq.s32 s10, $0x1;
	s10 =	sld [smem:$0x3FB2];
	_ =	sdelay $0x3  }
0x34: {  	[smem:$0x3FB2] =	sst s10  }
0x35: {  	s10 =	sld [smem:$0x3FB1];
	_ =	sdelay $0x3  }
0x36: {  	p1 =	seq.s32 s10, $0x1;
	s10 =	sld [smem:$0x3FB2];
	_ =	sdelay $0x3  }
0x37: {  	[smem:$0x3FB2] =	sst s10  }
0x38: {  	s10 =	sld [smem:$0x3FB3]  }
0x39: {  	_ = 	snop;
	(pc) =	sbr.ind lr, $3  }
0x3a: {  	_ = 	snop  }
0x3b: {  	_ = 	snop  }
0x3c: {  	p2 =	seq.s32 s10, $0x1;
	s10 =	sld [smem:$0x3FB2]  }
0x3d: {  	_ =	shalt  }
0x3e: {  	_ =	shalt  }
0x3f: {  	_ =	shalt  }
0x40: {  	_ =	shalt  }
0x41: {  	_ =	shalt  }
0x42: {  	_ =	shalt  }
0x43: {  	_ =	shalt  }
0x44: {  	_ =	shalt  }
0x45: {  	_ =	shalt  }
0x46: {  	_ =	shalt  }
0x47: {  	_ =	shalt  }
0x48: {  	_ =	shalt  }
0x49: {  	_ =	shalt  }
0x4a: {  	_ =	shalt  }
0x4b: {  	_ =	shalt  }
0x4c: {  	_ =	shalt  }
0x4d: {  	_ =	shalt  }
0x4e: {  	_ =	shalt  }
0x4f: {  	_ =	shalt  }
0x50: {  	_ =	shalt  }
0x51: {  	_ =	shalt  }
0x52: {  	_ =	shalt  }
0x53: {  	_ =	shalt  }
0x54: {  	_ =	shalt  }
0x55: {  	_ =	shalt  }
0x56: {  	_ =	shalt  }
0x57: {  	_ =	shalt  }
0x58: {  	_ =	shalt  }
0x59: {  	_ =	shalt  }
0x5a: {  	_ =	shalt  }
0x5b: {  	_ =	shalt  }
0x5c: {  	_ =	shalt  }
0x5d: {  	_ =	shalt  }
0x5e: {  	_ =	shalt  }
0x5f: {  	_ =	shalt  }
0x60: {  	_ =	shalt  }
0x61: {  	_ =	shalt  }
0x62: {  	_ =	shalt  }
0x63: {  	_ =	shalt  }
0x64: {  	_ =	shalt  }
0x65: {  	_ =	shalt  }
0x66: {  	_ =	shalt  }
0x67: {  	_ =	shalt  }
0x68: {  	_ =	shalt  }
0x69: {  	_ =	shalt  }
0x6a: {  	_ =	shalt  }
0x6b: {  	_ =	shalt  }
0x6c: {  	_ =	shalt  }
0x6d: {  	_ =	shalt  }
0x6e: {  	_ =	shalt  }
0x6f: {  	_ =	shalt  }
0x70: {  	_ =	shalt  }
0x71: {  	_ =	shalt  }
0x72: {  	_ =	shalt  }
0x73: {  	_ =	shalt  }
0x74: {  	_ =	shalt  }
0x75: {  	_ =	shalt  }
0x76: {  	_ =	shalt  }
0x77: {  	_ =	shalt  }
0x78: {  	_ =	shalt  }
0x79: {  	_ =	shalt  }
0x7a: {  	_ =	shalt  }
0x7b: {  	_ =	shalt  }
0x7c: {  	_ =	shalt  }
0x7d: {  	_ =	shalt  }
0x7e: {  	_ =	shalt  }
0x7f: {  	_ =	shalt  }
0x80: {  	_ =	shalt  }
0x81: {  	_ =	shalt  }
0x82: {  	_ =	shalt  }
0x83: {  	_ =	shalt  }
0x84: {  	_ =	shalt  }
0x85: {  	_ =	shalt  }
0x86: {  	_ =	shalt  }
0x87: {  	_ =	shalt  }
.Lfunc_end0:
.L_simem_size_0:
called_computation.3_lowered:
.L_overlay_start_0:
0x88: {  	s2 =	sld [smem:$0x3FD9]  }
0x89: {  	s3 =	sld [smem:$0x3FFE];
	_ =	sdelay $0x1  }
0x8a: {  	s1 =	srdreg.scid  }
0x8b: {  	s0 =	sand.u32 $0x1, s1  }
0x8c: {  	s16 =	sshll.u32 s0, $0xA;
	s2 =	sadd.s32 s3, s2  }
0x8d: {  	s2 =	sadd.s32 s2, s16  }
0x8e: {  	[smem:$0x3FBE] =	sst s2  }
0x8f: {  	_ = 	snop  }
0x90: {  	(tm) =	ssettm $0x1  }
0x91: {  	s17 =	sld [smem:$0x3FFB];
	_ =	sdelay $0x3  }
0x92: {  	_ =	strace s17  }
0x93: {  	s2 =	sld [smem:$0x3FFC];
	_ =	sdelay $0x3  }
0x94: {  	_ =	strace s2  }
0x95: {  	s2 =	sld [smem:$0x3FFD];
	_ =	sdelay $0x3  }
0x96: {  	_ =	strace s2  }
0x97: {  	_ =	strace $0x8FFFFFFF  }
0x98: {  	s18 =	sld [smem:$0x3FDB];
	_ =	sdelay $0x1  }
0x99: {  	s19 =	simm.s32 $_scs_section_size  }
0x9a: {  	s4 =	simm.s32 $_size__tile_overlayer_lowered;
	s5 =	simm.s32 $_tile_overlayer_lowered  }
0x9b: {  	s22 =	simm.s32 $0x1BFF;
	s21 =	sshll.u32 s5, $0x1;
	s2 =	sadd.s32 s19, s18  }
0x9c: {  	s6 =	simm.s32 $0x0;
	s20 =	sshll.u32 s4, $0x1;
	s4 =	sadd.s32 s21, s2  }
0x9d: {  	[timem:s6], [sflag:s22] =	dma.local [hbm:s4], s20  }
0x9e: {  	_ =	swait.ge [sflag:s22], s20  }
0x9f: {  	s3 =	ssub.s32 $0x0, s20;
	[sflag:s22] =	ssyncset.done $0x0  }
0xa0: {  	[sflag:s22] =	ssyncadd.s32 s3;
	_ =	sdelay $0x1  }
0xa1: {  	s23 =	simm.s32 $0x1B8B  }
0xa2: {  	_ =	swait.ge [sflag:s23], $0x1  }
0xa3: {  	[sflag:s23] =	ssyncset.done $0x0  }
0xa4: {  	s25 =	simm.s32 $0x1B8E;
	s24 =	sld [smem:$0x3FFE];
	[sflag:s23] =	ssyncadd.s32 $0xFFFFFFFF  }
0xa5: {  	s26 =	simm.s32 $execute0_lowered;
	[smem:$0x3FD2] =	sst s25  }
0xa6: {  	s4 =	sshll.u32 s26, $0x1;
	_ =	strace $0x8000004F;
	[dreg:$0x1] =	wrdreg $0xFFFFFFFF  }
0xa7: {  	s28 =	simm.s32 $_size_execute0_lowered;
	s2 =	sadd.s32 s2, s4;
	[dreg:$0x0] =	wrdreg $0x0  }
0xa8: {  	s4 =	sshll.u32 s28, $0x1;
	[dreg:$0x2] =	wrdreg s2  }
0xa9: {  	[dreg:$0x3] =	wrdreg s4  }
0xaa: {  	[dreg:$0x4] =	wrdreg $0xC0  }
0xab: {  	_ =	task [dreg:s6], $0x5FFFF  }
0xac: {  	[dreg:$0x1] =	wrdreg $0xFFFFFFFF  }
0xad: {  	[dreg:$0x0] =	wrdreg $0x60  }
0xae: {  	[dreg:$0x2] =	wrdreg s24  }
0xaf: {  	[dreg:$0x3] =	wrdreg $0x66000  }
0xb0: {  	[dreg:$0x4] =	wrdreg $0x9  }
0xb1: {  	_ =	task.clear_ibuf [dreg:s6], $0x5FFFF;
	_ =	strace $0x9000004F  }
0xb2: {  	s29 =	simm.s32 $0x9;
	_ =	strace $0x80000051  }
0xb3: {  	_ =	swait.ge [sflag:s29], $0x1  }
0xb4: {  	[sflag:s29] =	ssyncadd.s32 $0xFFFFFFFF  }
0xb5: {  	_ =	strace $0x90000051  }
0xb6: {  	_ =	sfence  }
0xb7: {  	s30 =	sld [smem:$0x0];
	_ =	sdelay $0x2  }
0xb8: {  	s31 =	sshll.u32 s1, $0xD;
	s1 =	sshrl.u32 s1, $0x2  }
0xb9: {  	s3 =	sand.u32 $0x4000, s31;
	s1 =	sadd.s32 s1, s30  }
0xba: {  	s0 =	sor.u32 s3, s0;
	s1 =	sshll.u32 s1, $0x11  }
0xbb: {  	s0 =	sor.u32 s1, s0  }
0xbc: {  	s0 =	sadd.s32 $0x8F2B, s0  }
0xbd: {  	[sflag:s0] =	ssyncadd.remote.s32 $0x1  }
0xbe: {  	_ =	sfence.sel $0xFFFF  }
0xbf: {  	[dreg:$0x0] =	wrdreg $0xFFFFFFFF;
	(pc) =	sbr.abs _section_cstart, $3  }
0xc0: {  	[dreg:$0x1] =	wrdreg $0xFFFFFFFF  }
0xc1: {  	_ =	task.clear_ibuf [dreg:s6], $0x2FFFF;
	_ =	strace $0x9FFFFFFF  }
0xc2: {  	(tm) =	ssettm $0x7FFFFFFF  }
0xc3: {  	_ =	shalt  }
tec
execute0_lowered:
.L_overlay_start_1:
0x0: {  	(tag) =	ssettag $0x1  }
0x1: {  	s0 =	srdreg.scid  }
0x2: {  	s5 =	rddreg [dreg:$0x0];
	s6 =	sand.u32 $0x1, s0  }
0x3: {  	s0 =	stileid.u32;
	s4 =	smul.u32 $0x19000, s6  }
0x4: {  	s2 =	rddreg [dreg:$0x1];
	s7 =	smul.u32 $0x1900, s0  }
0x5: {  	s1 =	rddreg [dreg:$0x2];
	s26 =	smul.u32 $0x140000, s6  }
0x6: {  	s3 =	simm.s32 $0x0;
	s15 =	simm.s32 $0x3200;
	s9 =	smul.u32 $0x14000, s0  }
0x7: {  	s16 =	simm.s32 $0x0;
	[smem:$0x7FF] =	sst s3;
	s10 =	smul.u32 $0x50000, s0  }
0x8: {  	_ =	strace $0x80000050;
	s28 =	ssub.s32 $0x2, s6;
	s6 =	smul.u32 $0x28000, s6  }
0x9: {  	s12 =	smul.u32 $0x2800, s0;
	s31 =	sshll.u32 s0, $0x6;
	s11 =	sshrl.u32 s28, $0x1  }
0xa: {  	s4 =	sadd.s32 s7, s4;
	s7 =	sadd.s32 s9, s26;
	s11 =	ssub.s32 s28, s11  }
0xb: {  	s29 =	sshrl.u32 s10, $0x2;
	s30 =	sadd.s32 s12, s6;
	s6 =	sor.u32 $0x1C01, s31  }
0xc: {  	s12 =	simm.s32 $0x1;
	s8 =	sshrl.u32 s4, $0x3;
	s4 =	sadd.s32 $0x1E00, s5  }
0xd: {  	s7 =	sshrl.u32 s7, $0x3;
	s14 =	sadd.s32 s29, s2;
	s10 =	smax.u32 s11, $0x1  }
0xe: {  	s8 =	sadd.s32 s8, s5;
	s13 =	sadd.s32 s7, s5;
	s5 =	sadd.s32 s4, s30  }
0xf: {  	s11 =	sshrl.u32 s14, $0x3;
	s14 =	simm.s32 $0x64;
	s7 =	sadd.s32 $0xA8200, s8  }
0x10: {  	s8 =	sadd.s32 $0xA1E00, s8;
	s9 =	sadd.s32 $0x51E00, s13;
	s13 =	simm.s32 $0x1900  }
.LBB2_1:
0x11: {  	[spmem:s11], [sflag:s6] =	dma.local [hbm:s5], $0x2800  }
0x12: {  	_ =	swait.ge [sflag:s12], $0x2800  }
0x13: {  	[sflag:s12] =	ssyncset.done $0x0  }
0x14: {  	[sflag:s12] =	ssyncadd.s32 $0xFFFFD800  }
0x15: {  	[tilespmem:s3], [sflag:$0x1] =	stream.linear.gather [hbm4b:s7+s3], $0x1900, $0x38;
	[tilespmem:$0x1A600] =	vst v63  }
0x16: {  	_ =	swait.ge [sflag:s12], $0x1900  }
0x17: {  	[sflag:s12] =	ssyncset.done $0x0  }
0x18: {  	[sflag:s12] =	ssyncadd.s32 $0xFFFFE700  }
0x19: {  	[tilespmem:s13], [sflag:$0x1] =	stream.linear.gather [hbm4b:s8+s3], $0x1900, $0x38;
	[tilespmem:$0x1A600] =	vst v63  }
0x1a: {  	_ =	swait.ge [sflag:s12], $0x1900  }
0x1b: {  	[sflag:s12] =	ssyncset.done $0x0  }
0x1c: {  	[sflag:s12] =	ssyncadd.s32 $0xFFFFE700  }
0x1d: {  	s17 =	simm.s32 $0x0;
	[bflag:$0x0] =	sbarrier.arrive $0xFFFF  }
0x1e: {  	[tilespmem:s15], [sflag:$0x1] =	stream.indirect.gather [hbm4b:s4+s14], $0x80, s17, s14, $0xb8;
	[tilespmem:$0x1A600] =	vst v63  }
0x1f: {  	_ =	swait.ge [sflag:s12], $0x3200  }
0x20: {  	[sflag:s12] =	ssyncset.done $0x0  }
0x21: {  	s31 =	simm.s32 $0x1900;
	[sflag:s12] =	ssyncadd.s32 $0xFFFFCE00  }
0x22: {  	[spmem:s2] =	stream.indirect.scatter.add.f32 [tilespmem:s15], [sflag:$0x1], $0x80, s31, s14, $0xb8;
	[tilespmem:$0x1A600] =	vst v63  }
0x23: {  	_ =	swait.ge [sflag:s12], $0x3200  }
0x24: {  	s18 =	simm.s32 $0x400;
	s17 =	simm.s32 $0x200;
	[sflag:s12] =	ssyncset.done $0x0  }
.LBB2_2:
0x25: {  	s19 =	sshra.s32 s17, $0x2  }
0x26: {  	[sflag:s12] =	ssyncadd.s32 $0xFFFFCE00;
	s17 =	smov.u32 s18;
	s20 =	sadd.s32 $0x200, s18  }
0x27: {  	[tilespmem:s15], [sflag:$0x1] =	stream.indirect.gather [hbm4b:s4+s14], $0x80, s19, s14, $0xb8;
	[tilespmem:$0x1A600] =	vst v63  }
0x28: {  	p0 =	sne.s32 s18, $0x6200;
	_ =	swait.ge [sflag:s12], $0x3200  }
.Ltmp0:
0x29: {  	[sflag:s12] =	ssyncset.done $0x0;
	(pc) =	sbr.rel @p0 .LBB2_2-.Ltmp0, $4  }
0x2a: {  	s18 =	sadd.s32 $0x1900, s19;
	[sflag:s12] =	ssyncadd.s32 $0xFFFFCE00  }
0x2b: {  	[spmem:s2] =	stream.indirect.scatter.add.f32 [tilespmem:s15], [sflag:$0x1], $0x80, s18, s14, $0xb8;
	[tilespmem:$0x1A600] =	vst v63  }
0x2c: {  	_ =	swait.ge [sflag:s12], $0x3200  }
0x2d: {  	s18 =	smov.u32 s20;
	[sflag:s12] =	ssyncset.done $0x0  }
0x2e: {  	s17 =	sshra.s32 s17, $0x2;
	[sflag:s12] =	ssyncadd.s32 $0xFFFFCE00  }
0x2f: {  	[tilespmem:s15], [sflag:$0x1] =	stream.indirect.gather [hbm4b:s4+s14], $0x80, s17, s14, $0xb8;
	[tilespmem:$0x1A600] =	vst v63  }
0x30: {  	_ =	swait.ge [sflag:s12], $0x3200  }
0x31: {  	[sflag:s12] =	ssyncset.done $0x0  }
0x32: {  	s17 =	sadd.s32 $0x1900, s17;
	[sflag:s12] =	ssyncadd.s32 $0xFFFFCE00  }
0x33: {  	[spmem:s2] =	stream.indirect.scatter.add.f32 [tilespmem:s15], [sflag:$0x1], $0x80, s17, s14, $0xb8;
	[tilespmem:$0x1A600] =	vst v63  }
0x34: {  	_ =	swait.ge [sflag:s12], $0x3200  }
0x35: {  	s16 =	sadd.s32 $0x1, s16;
	[sflag:s12] =	ssyncset.done $0x0  }
0x36: {  	p0 =	sne.s32 s16, s10;
	[sflag:s12] =	ssyncadd.s32 $0xFFFFCE00  }
.Ltmp1:
0x37: {  	[bflag:$0x0] =	sbarrier.arrive $0xFFFF;
	(pc) =	sbr.rel @p0 .LBB2_1-.Ltmp1, $4  }
0x38: {  	[hbm:s9], [sflag:s6] =	dma.local [spmem:s11], $0x2800  }
0x39: {  	_ =	swait.ge [sflag:s12], $0x2800  }
0x3a: {  	[sflag:s12] =	ssyncset.done $0x0  }
0x3b: {  	[sflag:s12] =	ssyncadd.s32 $0xFFFFD800  }
0x3c: {  	_ =	sfence.sel $0x180000  }
0x3d: {  	[bflag:$0x0] =	sbarrier.arrive $0xFFFF  }
0x3e: {  	p0 =	sne.s32 s0, $0x0;
	_ =	strace $0x90000050  }
0x3f: {  	s0 =	sadd.s32 @!p0 $0x100000, s1;
	[bflag:$0x2] =	sbarrier.arrive $0xFFFF  }
0x40: {  	[sflag:s0] =	ssyncadd.tile.s32 @!p0 $0x1;
	_ =	shalt  }
.Lfunc_end2:
_tile_overlayer_lowered:
.L_overlay_start_2:
0x41: {  	(tag) =	ssettag $0x2  }
0x42: {  	s0 =	rddreg [dreg:$0x0];
	s2 =	stileid.u32  }
0x43: {  	s1 =	rddreg [dreg:$0x1];
	p0 =	sne.s32 s2, $0x0  }
0x44: {  	s3 =	rddreg [dreg:$0x2];
	[bflag:$0x3] =	sbarrier.arrive $0xFFFF;
	s2 =	simm.s32 @!p0 $0x1C01  }
0x45: {  	[timem:s3], [sflag:s2] =	dma.local @!p0 [hbm:s0], s1  }
0x46: {  	s0 =	simm.s32 @!p0 $0x1  }
0x47: {  	_ =	swait.ge @!p0 [sflag:s0], s1  }
0x48: {  	s1 =	ssub.s32 @!p0 $0x0, s1;
	[sflag:s0] =	ssyncset.done @!p0 $0x0  }
0x49: {  	[sflag:s0] =	ssyncadd.s32 @!p0 s1  }
0x4a: {  	[bflag:$0x3] =	sbarrier.arrive $0xFFFF  }
0x4b: {  	_ =	shalt  }

</sc_bundles>
